<compile_context>
chip_gen: v7x
topology: tpu7x:2x2x1
jax: 0.10.2.dev20260603
libtpu: 0.0.44.dev20260713+nightly
codegen_flags: <defaults>
</compile_context>

<pallas_src>
import dataclasses
import functools

import jax
import jax.numpy as jnp
from jax import lax
from jax.experimental import pallas as pl
from jax.experimental.pallas import tpu as pltpu
from jax.experimental.pallas import tpu_sc as plsc

_B = 16384
_C = 1000
_BC = 1024
_NB = _B // _BC

_NEG = float(-jnp.inf)


def _dlr_body(xt_ref, tl_ref, out_ref):
    yv = tl_ref[0]

    gs = [xt_ref[k * 128:(k + 1) * 128, :] for k in range(7)]
    gs.append(jnp.concatenate(
        [xt_ref[896:1000, :], jnp.full((24, _BC), _NEG, jnp.float32)],
        axis=0))

    hi = [jnp.maximum(gs[2 * i], gs[2 * i + 1]) for i in range(4)]
    lo = [jnp.minimum(gs[2 * i], gs[2 * i + 1]) for i in range(4)]

    def top3of4(a, b, c, d):
        p1 = jnp.maximum(a, c)
        p2 = jnp.minimum(a, c)
        q1 = jnp.maximum(b, d)
        return p1, jnp.maximum(p2, q1), jnp.minimum(p2, q1)

    x1, x2, x3 = top3of4(hi[0], lo[0], hi[1], lo[1])
    y1, y2, y3 = top3of4(hi[2], lo[2], hi[3], lo[3])
    z1 = jnp.maximum(x1, y1)
    m11 = jnp.minimum(x1, y1)
    m22 = jnp.maximum(x2, y2)
    z2 = jnp.maximum(m11, m22)
    z3 = jnp.maximum(jnp.maximum(jnp.minimum(m22, m11), jnp.minimum(x2, y2)),
                     jnp.maximum(x3, y3))

    m1 = jnp.max(z1, axis=0, keepdims=True)
    c1 = z1 == m1
    cnt1 = jnp.sum(jnp.where(c1, 1.0, 0.0), axis=0, keepdims=True)
    b = jnp.where(c1, z2, z1)
    m2r = jnp.max(b, axis=0, keepdims=True)
    cb = b == m2r
    cnt2 = jnp.sum(jnp.where(cb, 1.0, 0.0), axis=0, keepdims=True)
    c = jnp.where(cb, jnp.where(c1, z3, z2), b)
    m3r = jnp.max(c, axis=0, keepdims=True)
    m2 = jnp.where(cnt1 > 1.0, m1, m2r)
    m3 = jnp.where(cnt1 > 2.0, m1,
                   jnp.where(cnt1 > 1.0, m2r,
                             jnp.where(cnt2 > 1.0, m2r, m3r)))

    tl = yv

    ind = tl == m1
    dividend = tl - jnp.where(ind, m2, m1)
    divisor = m1 - m3 + 1e-12
    out_ref[0] = jnp.sum(dividend / divisor, axis=1, keepdims=True)


_NW = 32
_PER = _B // _NW
_DG = 8


def _tl_gather_sc(xt, y):
    mesh = plsc.VectorSubcoreMesh(core_axis_name="c", subcore_axis_name="s")
    cp_sc = pltpu.CompilerParams()
    if "needs_layout_passes" in pltpu.CompilerParams.__dataclass_fields__:
        cp_sc = dataclasses.replace(cp_sc, needs_layout_passes=False)

    @functools.partial(
        pl.kernel, mesh=mesh, compiler_params=cp_sc,
        out_type=jax.ShapeDtypeStruct((_B,), jnp.float32),
        scratch_types=[
            pltpu.VMEM((_PER,), jnp.int32),
            pltpu.VMEM((_PER // 128, 128, 128), jnp.float32),
            pltpu.VMEM((_PER,), jnp.float32),
            pltpu.SemaphoreType.DMA,
        ],
    )
    def k(xt_hbm, y_hbm, tl_hbm, y_v, seg_v, tl_v, sem):
        wid = lax.axis_index("s") * 2 + lax.axis_index("c")
        base = wid * _PER
        pltpu.sync_copy(y_hbm.at[pl.ds(base, _PER)], y_v)

        rows16 = lax.iota(jnp.int32, 16)
        nw = _PER // 128

        copies = []
        for w in range(nw):
            idxs = y_v.at[pl.ds(w * 128, 128)]
            copies.append(pltpu.async_copy(
                xt_hbm.at[idxs, pl.ds(base + w * 128, 128)],
                seg_v.at[w], sem))
        for w in range(nw):
            copies[w].wait()
            for h in range(8):
                r16 = rows16 + 16 * h
                vals = plsc.load_gather(seg_v.at[w], [r16, r16])
                tl_v[pl.ds(w * 128 + h * 16, 16)] = vals

        pltpu.sync_copy(tl_v, tl_hbm.at[pl.ds(base, _PER)])

    return k(xt, y)


def kernel(x, y):
    xt = x.T
    tl = _tl_gather_sc(xt, y.astype(jnp.int32))
    tl3 = tl.reshape(_NB, 1, _BC)
    partial = pl.pallas_call(
        _dlr_body,
        grid=(_NB,),
        in_specs=[
            pl.BlockSpec((_C, _BC), lambda i: (0, i)),
            pl.BlockSpec((1, 1, _BC), lambda i: (i, 0, 0)),
        ],
        out_specs=pl.BlockSpec((1, 1, 1), lambda i: (i, 0, 0)),
        out_shape=jax.ShapeDtypeStruct((_NB, 1, 1), jnp.float32),
        compiler_params=pltpu.CompilerParams(
            dimension_semantics=("parallel",),
        ),
    )(xt, tl3)
    return -(jnp.sum(partial) / _B)

# --- scband reference (transcript-rebuilt; emitter-appended) ---
"""Pipeline reference for scband-dlrloss-13872744366776 (READ-ONLY COPY).

The authoritative reference and input builder live on the scoring server;
editing this copy changes nothing except your own understanding.
"""

import jax, jax.numpy as jnp
import numpy as np

B = 16384
C = 1000

def setup_inputs(seed: int = 0) -> dict:
    key = jax.random.key(seed)
    kx, ky = jax.random.split(key)
    x = jax.random.normal(kx, (B, C), dtype=jnp.float32)
    y = jax.random.randint(ky, (B,), 0, C, dtype=jnp.int64 if jax.config.jax_enable_x64 else jnp.int32)
    return {"x": x, "y": y}

def reference(x, y):
    # DLR (Difference of Logits Ratio) loss
    x_sorted = jnp.sort(x, axis=1)
    ind_sorted = jnp.argsort(x, axis=1)
    ind = (ind_sorted[:, -1] == y).astype(x.dtype)
    true_logit = x[jnp.arange(x.shape[0]), y]
    dividend = true_logit - x_sorted[:, -2] * ind - x_sorted[:, -1] * (1.0 - ind)
    divisor = x_sorted[:, -1] - x_sorted[:, -3] + 1e-12
    return -(dividend / divisor).mean()

if __name__ == "__main__":
    import jax
    _d = setup_inputs()
    print(jax.jit(kernel)(*tuple(_d.values())))

</pallas_src>

<mosaic_0001>
#map = affine_map<(d0, d1) -> (0, 0)>
#map1 = affine_map<(d0, d1) -> (0)>
module attributes {stable_mosaic.version = 14 : i64} {
  func.func @k(%arg0: i32, %arg1: i32, %arg2: memref<1000x16384xf32, #tpu.memory_space<hbm>>, %arg3: memref<16384xi32, #tpu.memory_space<hbm>>, %arg4: memref<16384xf32, #tpu.memory_space<hbm>>, %arg5: memref<512xi32, #tpu.memory_space<vmem>>, %arg6: memref<4x128x128xf32, #tpu.memory_space<vmem>>, %arg7: memref<512xf32, #tpu.memory_space<vmem>>, %arg8: memref<!tpu.dma_semaphore, #tpu.memory_space<semaphore_mem>>) attributes {dimension_semantics = [#tpu.dimension_semantics<core_parallel>, #tpu.dimension_semantics<subcore_parallel>], iteration_bounds = array<i64: 2, 16>, scalar_prefetch = 0 : i64, scratch_operands = 4 : i64, tpu.core_type = #tpu.core_type<sc_vector_subcore>, window_params = [{transform_indices = #map}, {transform_indices = #map1}, {transform_indices = #map1}]} {
    %mul3A = arith.constant 2 : i32
    %mul3A_0 = arith.muli %arg1, %mul3A : i32
    %add3A = arith.addi %mul3A_0, %arg0 : i32
    %mul3A_1 = arith.constant 512 : i32
    %mul3A_2 = arith.muli %add3A, %mul3A_1 : i32
    "tpu.region"() ({
      %run_scoped3A = tpu.sem_alloc : memref<!tpu.dma_semaphore, #tpu.memory_space<semaphore_mem>>
      %dma_start3A_431 = tpu.memref_slice %arg3[%mul3A_2] : memref<16384xi32, #tpu.memory_space<hbm>> -> memref<512xi32, #tpu.memory_space<hbm>>
      %dma_start3A_432 = tpu.memref_slice %arg3[%mul3A_2] : memref<16384xi32, #tpu.memory_space<hbm>> -> memref<512xi32, #tpu.memory_space<hbm>>
      tpu.enqueue_dma source(%dma_start3A_432 : memref<512xi32, #tpu.memory_space<hbm>>) target(%arg5 : memref<512xi32, #tpu.memory_space<vmem>>) target_semaphore(%run_scoped3A : memref<!tpu.dma_semaphore, #tpu.memory_space<semaphore_mem>>)
      %dma_wait3A_433 = tpu.memref_slice %arg3[%mul3A_2] : memref<16384xi32, #tpu.memory_space<hbm>> -> memref<512xi32, #tpu.memory_space<hbm>>
      %dma_wait3A_434 = tpu.memref_slice %arg3[%mul3A_2] : memref<16384xi32, #tpu.memory_space<hbm>> -> memref<512xi32, #tpu.memory_space<hbm>>
      tpu.wait_dma2 semaphore(%run_scoped3A : memref<!tpu.dma_semaphore, #tpu.memory_space<semaphore_mem>>) src(%dma_wait3A_434 : memref<512xi32, #tpu.memory_space<hbm>>) dst(%arg5 : memref<512xi32, #tpu.memory_space<vmem>>)
      tpu.yield
    }) : () -> ()
    %iota3A = tpu.iota {dimensions = array<i32: 0>} : vector<16xi32>
    %add3A_3 = arith.constant 0 : i32
    %add3A_4 = arith.addi %mul3A_2, %add3A_3 : i32
    %dma_start3A = arith.constant 0 : i32
    %dma_start3A_5 = arith.constant 0 : i32
    %dma_start3A_6 = arith.constant 0 : i32
    %dma_start3A_7 = tpu.memref_slice %arg6[%dma_start3A, %dma_start3A_5, %dma_start3A_6] : memref<4x128x128xf32, #tpu.memory_space<vmem>> -> memref<1x128x128xf32, #tpu.memory_space<vmem>>
    %dma_start3A_8 = tpu.memref_squeeze %dma_start3A_7 : memref<1x128x128xf32, #tpu.memory_space<vmem>> -> memref<128x128xf32, #tpu.memory_space<vmem>>
    %dma_start3A_9 = arith.constant 0 : i32
    %dma_start3A_10 = tpu.memref_slice %arg5[%dma_start3A_9] : memref<512xi32, #tpu.memory_space<vmem>> -> memref<128xi32, #tpu.memory_space<vmem>>
    %dma_start3A_11 = arith.constant 0 : i32
    %dma_start3A_12 = tpu.memref_slice %arg2[%dma_start3A_11, %add3A_4] : memref<1000x16384xf32, #tpu.memory_space<hbm>> -> memref<1000x128xf32, #tpu.memory_space<hbm>>
    tpu.enqueue_indirect_dma source(%dma_start3A_12 : memref<1000x128xf32, #tpu.memory_space<hbm>>) target(%dma_start3A_8 : memref<128x128xf32, #tpu.memory_space<vmem>>) offsets(%dma_start3A_10 : memref<128xi32, #tpu.memory_space<vmem>>) semaphore(%arg8 : memref<!tpu.dma_semaphore, #tpu.memory_space<semaphore_mem>>)
    %add3A_13 = arith.constant 128 : i32
    %add3A_14 = arith.addi %mul3A_2, %add3A_13 : i32
    %dma_start3A_15 = arith.constant 1 : i32
    %dma_start3A_16 = arith.constant 0 : i32
    %dma_start3A_17 = arith.constant 0 : i32
    %dma_start3A_18 = tpu.memref_slice %arg6[%dma_start3A_15, %dma_start3A_16, %dma_start3A_17] : memref<4x128x128xf32, #tpu.memory_space<vmem>> -> memref<1x128x128xf32, #tpu.memory_space<vmem>>
    %dma_start3A_19 = tpu.memref_squeeze %dma_start3A_18 : memref<1x128x128xf32, #tpu.memory_space<vmem>> -> memref<128x128xf32, #tpu.memory_space<vmem>>
    %dma_start3A_20 = arith.constant 128 : i32
    %dma_start3A_21 = tpu.memref_slice %arg5[%dma_start3A_20] : memref<512xi32, #tpu.memory_space<vmem>> -> memref<128xi32, #tpu.memory_space<vmem>>
    %dma_start3A_22 = arith.constant 0 : i32
    %dma_start3A_23 = tpu.memref_slice %arg2[%dma_start3A_22, %add3A_14] : memref<1000x16384xf32, #tpu.memory_space<hbm>> -> memref<1000x128xf32, #tpu.memory_space<hbm>>
    tpu.enqueue_indirect_dma source(%dma_start3A_23 : memref<1000x128xf32, #tpu.memory_space<hbm>>) target(%dma_start3A_19 : memref<128x128xf32, #tpu.memory_space<vmem>>) offsets(%dma_start3A_21 : memref<128xi32, #tpu.memory_space<vmem>>) semaphore(%arg8 : memref<!tpu.dma_semaphore, #tpu.memory_space<semaphore_mem>>)
    %add3A_24 = arith.constant 256 : i32
    %add3A_25 = arith.addi %mul3A_2, %add3A_24 : i32
    %dma_start3A_26 = arith.constant 2 : i32
    %dma_start3A_27 = arith.constant 0 : i32
    %dma_start3A_28 = arith.constant 0 : i32
    %dma_start3A_29 = tpu.memref_slice %arg6[%dma_start3A_26, %dma_start3A_27, %dma_start3A_28] : memref<4x128x128xf32, #tpu.memory_space<vmem>> -> memref<1x128x128xf32, #tpu.memory_space<vmem>>
    %dma_start3A_30 = tpu.memref_squeeze %dma_start3A_29 : memref<1x128x128xf32, #tpu.memory_space<vmem>> -> memref<128x128xf32, #tpu.memory_space<vmem>>
    %dma_start3A_31 = arith.constant 256 : i32
    %dma_start3A_32 = tpu.memref_slice %arg5[%dma_start3A_31] : memref<512xi32, #tpu.memory_space<vmem>> -> memref<128xi32, #tpu.memory_space<vmem>>
    %dma_start3A_33 = arith.constant 0 : i32
    %dma_start3A_34 = tpu.memref_slice %arg2[%dma_start3A_33, %add3A_25] : memref<1000x16384xf32, #tpu.memory_space<hbm>> -> memref<1000x128xf32, #tpu.memory_space<hbm>>
    tpu.enqueue_indirect_dma source(%dma_start3A_34 : memref<1000x128xf32, #tpu.memory_space<hbm>>) target(%dma_start3A_30 : memref<128x128xf32, #tpu.memory_space<vmem>>) offsets(%dma_start3A_32 : memref<128xi32, #tpu.memory_space<vmem>>) semaphore(%arg8 : memref<!tpu.dma_semaphore, #tpu.memory_space<semaphore_mem>>)
    %add3A_35 = arith.constant 384 : i32
    %add3A_36 = arith.addi %mul3A_2, %add3A_35 : i32
    %dma_start3A_37 = arith.constant 3 : i32
    %dma_start3A_38 = arith.constant 0 : i32
    %dma_start3A_39 = arith.constant 0 : i32
    %dma_start3A_40 = tpu.memref_slice %arg6[%dma_start3A_37, %dma_start3A_38, %dma_start3A_39] : memref<4x128x128xf32, #tpu.memory_space<vmem>> -> memref<1x128x128xf32, #tpu.memory_space<vmem>>
    %dma_start3A_41 = tpu.memref_squeeze %dma_start3A_40 : memref<1x128x128xf32, #tpu.memory_space<vmem>> -> memref<128x128xf32, #tpu.memory_space<vmem>>
    %dma_start3A_42 = arith.constant 384 : i32
    %dma_start3A_43 = tpu.memref_slice %arg5[%dma_start3A_42] : memref<512xi32, #tpu.memory_space<vmem>> -> memref<128xi32, #tpu.memory_space<vmem>>
    %dma_start3A_44 = arith.constant 0 : i32
    %dma_start3A_45 = tpu.memref_slice %arg2[%dma_start3A_44, %add3A_36] : memref<1000x16384xf32, #tpu.memory_space<hbm>> -> memref<1000x128xf32, #tpu.memory_space<hbm>>
    tpu.enqueue_indirect_dma source(%dma_start3A_45 : memref<1000x128xf32, #tpu.memory_space<hbm>>) target(%dma_start3A_41 : memref<128x128xf32, #tpu.memory_space<vmem>>) offsets(%dma_start3A_43 : memref<128xi32, #tpu.memory_space<vmem>>) semaphore(%arg8 : memref<!tpu.dma_semaphore, #tpu.memory_space<semaphore_mem>>)
    %dma_wait3A = arith.constant 0 : i32
    %dma_wait3A_46 = arith.constant 0 : i32
    %dma_wait3A_47 = arith.constant 0 : i32
    %dma_wait3A_48 = tpu.memref_slice %arg6[%dma_wait3A, %dma_wait3A_46, %dma_wait3A_47] : memref<4x128x128xf32, #tpu.memory_space<vmem>> -> memref<1x128x128xf32, #tpu.memory_space<vmem>>
    %dma_wait3A_49 = tpu.memref_squeeze %dma_wait3A_48 : memref<1x128x128xf32, #tpu.memory_space<vmem>> -> memref<128x128xf32, #tpu.memory_space<vmem>>
    %dma_wait3A_50 = arith.constant 0 : i32
    %dma_wait3A_51 = tpu.memref_slice %arg5[%dma_wait3A_50] : memref<512xi32, #tpu.memory_space<vmem>> -> memref<128xi32, #tpu.memory_space<vmem>>
    %dma_wait3A_52 = arith.constant 0 : i32
    %dma_wait3A_53 = tpu.memref_slice %arg2[%dma_wait3A_52, %add3A_4] : memref<1000x16384xf32, #tpu.memory_space<hbm>> -> memref<1000x128xf32, #tpu.memory_space<hbm>>
    tpu.wait_indirect_dma semaphore(%arg8 : memref<!tpu.dma_semaphore, #tpu.memory_space<semaphore_mem>>) src(%dma_wait3A_53 : memref<1000x128xf32, #tpu.memory_space<hbm>>) dst(%dma_wait3A_49 : memref<128x128xf32, #tpu.memory_space<vmem>>)
    %add3A_54 = arith.constant 0 : i32
    %add3A_55 = vector.broadcast %add3A_54 : i32 to vector<16xi32>
    %add3A_56 = arith.addi %iota3A, %add3A_55 : vector<16xi32>
    %gather3A = arith.constant 0 : i32
    %gather3A_57 = arith.constant 0 : i32
    %gather3A_58 = arith.constant 0 : i32
    %gather3A_59 = tpu.memref_slice %arg6[%gather3A, %gather3A_57, %gather3A_58] : memref<4x128x128xf32, #tpu.memory_space<vmem>> -> memref<1x128x128xf32, #tpu.memory_space<vmem>>
    %gather3A_60 = tpu.memref_squeeze %gather3A_59 : memref<1x128x128xf32, #tpu.memory_space<vmem>> -> memref<128x128xf32, #tpu.memory_space<vmem>>
    %gather3A_61 = tpu.vector_load_idx %gather3A_60[%add3A_56, %add3A_56] : memref<128x128xf32, #tpu.memory_space<vmem>>[vector<16xi32>, vector<16xi32>], vector<16xf32>,
    %swap3A = arith.constant 0 : index
    %swap3A_62 = tpu.vector_load %arg7[%swap3A] {strides = array<i32>} : memref<512xf32, #tpu.memory_space<vmem>>, vector<16xf32>,
    tpu.vector_store %arg7[%swap3A], %gather3A_61 {strides = array<i32>} : memref<512xf32, #tpu.memory_space<vmem>>, vector<16xf32>,
    %add3A_63 = arith.constant 16 : i32
    %add3A_64 = vector.broadcast %add3A_63 : i32 to vector<16xi32>
    %add3A_65 = arith.addi %iota3A, %add3A_64 : vector<16xi32>
    %gather3A_66 = arith.constant 0 : i32
    %gather3A_67 = arith.constant 0 : i32
    %gather3A_68 = arith.constant 0 : i32
    %gather3A_69 = tpu.memref_slice %arg6[%gather3A_66, %gather3A_67, %gather3A_68] : memref<4x128x128xf32, #tpu.memory_space<vmem>> -> memref<1x128x128xf32, #tpu.memory_space<vmem>>
    %gather3A_70 = tpu.memref_squeeze %gather3A_69 : memref<1x128x128xf32, #tpu.memory_space<vmem>> -> memref<128x128xf32, #tpu.memory_space<vmem>>
    %gather3A_71 = tpu.vector_load_idx %gather3A_70[%add3A_65, %add3A_65] : memref<128x128xf32, #tpu.memory_space<vmem>>[vector<16xi32>, vector<16xi32>], vector<16xf32>,
    %swap3A_72 = arith.constant 16 : index
    %swap3A_73 = tpu.vector_load %arg7[%swap3A_72] {strides = array<i32>} : memref<512xf32, #tpu.memory_space<vmem>>, vector<16xf32>,
    tpu.vector_store %arg7[%swap3A_72], %gather3A_71 {strides = array<i32>} : memref<512xf32, #tpu.memory_space<vmem>>, vector<16xf32>,
    %add3A_74 = arith.constant 32 : i32
    %add3A_75 = vector.broadcast %add3A_74 : i32 to vector<16xi32>
    %add3A_76 = arith.addi %iota3A, %add3A_75 : vector<16xi32>
    %gather3A_77 = arith.constant 0 : i32
    %gather3A_78 = arith.constant 0 : i32
    %gather3A_79 = arith.constant 0 : i32
    %gather3A_80 = tpu.memref_slice %arg6[%gather3A_77, %gather3A_78, %gather3A_79] : memref<4x128x128xf32, #tpu.memory_space<vmem>> -> memref<1x128x128xf32, #tpu.memory_space<vmem>>
    %gather3A_81 = tpu.memref_squeeze %gather3A_80 : memref<1x128x128xf32, #tpu.memory_space<vmem>> -> memref<128x128xf32, #tpu.memory_space<vmem>>
    %gather3A_82 = tpu.vector_load_idx %gather3A_81[%add3A_76, %add3A_76] : memref<128x128xf32, #tpu.memory_space<vmem>>[vector<16xi32>, vector<16xi32>], vector<16xf32>,
    %swap3A_83 = arith.constant 32 : index
    %swap3A_84 = tpu.vector_load %arg7[%swap3A_83] {strides = array<i32>} : memref<512xf32, #tpu.memory_space<vmem>>, vector<16xf32>,
    tpu.vector_store %arg7[%swap3A_83], %gather3A_82 {strides = array<i32>} : memref<512xf32, #tpu.memory_space<vmem>>, vector<16xf32>,
    %add3A_85 = arith.constant 48 : i32
    %add3A_86 = vector.broadcast %add3A_85 : i32 to vector<16xi32>
    %add3A_87 = arith.addi %iota3A, %add3A_86 : vector<16xi32>
    %gather3A_88 = arith.constant 0 : i32
    %gather3A_89 = arith.constant 0 : i32
    %gather3A_90 = arith.constant 0 : i32
    %gather3A_91 = tpu.memref_slice %arg6[%gather3A_88, %gather3A_89, %gather3A_90] : memref<4x128x128xf32, #tpu.memory_space<vmem>> -> memref<1x128x128xf32, #tpu.memory_space<vmem>>
    %gather3A_92 = tpu.memref_squeeze %gather3A_91 : memref<1x128x128xf32, #tpu.memory_space<vmem>> -> memref<128x128xf32, #tpu.memory_space<vmem>>
    %gather3A_93 = tpu.vector_load_idx %gather3A_92[%add3A_87, %add3A_87] : memref<128x128xf32, #tpu.memory_space<vmem>>[vector<16xi32>, vector<16xi32>], vector<16xf32>,
    %swap3A_94 = arith.constant 48 : index
    %swap3A_95 = tpu.vector_load %arg7[%swap3A_94] {strides = array<i32>} : memref<512xf32, #tpu.memory_space<vmem>>, vector<16xf32>,
    tpu.vector_store %arg7[%swap3A_94], %gather3A_93 {strides = array<i32>} : memref<512xf32, #tpu.memory_space<vmem>>, vector<16xf32>,
    %add3A_96 = arith.constant 64 : i32
    %add3A_97 = vector.broadcast %add3A_96 : i32 to vector<16xi32>
    %add3A_98 = arith.addi %iota3A, %add3A_97 : vector<16xi32>
    %gather3A_99 = arith.constant 0 : i32
    %gather3A_100 = arith.constant 0 : i32
    %gather3A_101 = arith.constant 0 : i32
    %gather3A_102 = tpu.memref_slice %arg6[%gather3A_99, %gather3A_100, %gather3A_101] : memref<4x128x128xf32, #tpu.memory_space<vmem>> -> memref<1x128x128xf32, #tpu.memory_space<vmem>>
    %gather3A_103 = tpu.memref_squeeze %gather3A_102 : memref<1x128x128xf32, #tpu.memory_space<vmem>> -> memref<128x128xf32, #tpu.memory_space<vmem>>
    %gather3A_104 = tpu.vector_load_idx %gather3A_103[%add3A_98, %add3A_98] : memref<128x128xf32, #tpu.memory_space<vmem>>[vector<16xi32>, vector<16xi32>], vector<16xf32>,
    %swap3A_105 = arith.constant 64 : index
    %swap3A_106 = tpu.vector_load %arg7[%swap3A_105] {strides = array<i32>} : memref<512xf32, #tpu.memory_space<vmem>>, vector<16xf32>,
    tpu.vector_store %arg7[%swap3A_105], %gather3A_104 {strides = array<i32>} : memref<512xf32, #tpu.memory_space<vmem>>, vector<16xf32>,
    %add3A_107 = arith.constant 80 : i32
    %add3A_108 = vector.broadcast %add3A_107 : i32 to vector<16xi32>
    %add3A_109 = arith.addi %iota3A, %add3A_108 : vector<16xi32>
    %gather3A_110 = arith.constant 0 : i32
    %gather3A_111 = arith.constant 0 : i32
    %gather3A_112 = arith.constant 0 : i32
    %gather3A_113 = tpu.memref_slice %arg6[%gather3A_110, %gather3A_111, %gather3A_112] : memref<4x128x128xf32, #tpu.memory_space<vmem>> -> memref<1x128x128xf32, #tpu.memory_space<vmem>>
    %gather3A_114 = tpu.memref_squeeze %gather3A_113 : memref<1x128x128xf32, #tpu.memory_space<vmem>> -> memref<128x128xf32, #tpu.memory_space<vmem>>
    %gather3A_115 = tpu.vector_load_idx %gather3A_114[%add3A_109, %add3A_109] : memref<128x128xf32, #tpu.memory_space<vmem>>[vector<16xi32>, vector<16xi32>], vector<16xf32>,
    %swap3A_116 = arith.constant 80 : index
    %swap3A_117 = tpu.vector_load %arg7[%swap3A_116] {strides = array<i32>} : memref<512xf32, #tpu.memory_space<vmem>>, vector<16xf32>,
    tpu.vector_store %arg7[%swap3A_116], %gather3A_115 {strides = array<i32>} : memref<512xf32, #tpu.memory_space<vmem>>, vector<16xf32>,
    %add3A_118 = arith.constant 96 : i32
    %add3A_119 = vector.broadcast %add3A_118 : i32 to vector<16xi32>
    %add3A_120 = arith.addi %iota3A, %add3A_119 : vector<16xi32>
    %gather3A_121 = arith.constant 0 : i32
    %gather3A_122 = arith.constant 0 : i32
    %gather3A_123 = arith.constant 0 : i32
    %gather3A_124 = tpu.memref_slice %arg6[%gather3A_121, %gather3A_122, %gather3A_123] : memref<4x128x128xf32, #tpu.memory_space<vmem>> -> memref<1x128x128xf32, #tpu.memory_space<vmem>>
    %gather3A_125 = tpu.memref_squeeze %gather3A_124 : memref<1x128x128xf32, #tpu.memory_space<vmem>> -> memref<128x128xf32, #tpu.memory_space<vmem>>
    %gather3A_126 = tpu.vector_load_idx %gather3A_125[%add3A_120, %add3A_120] : memref<128x128xf32, #tpu.memory_space<vmem>>[vector<16xi32>, vector<16xi32>], vector<16xf32>,
    %swap3A_127 = arith.constant 96 : index
    %swap3A_128 = tpu.vector_load %arg7[%swap3A_127] {strides = array<i32>} : memref<512xf32, #tpu.memory_space<vmem>>, vector<16xf32>,
    tpu.vector_store %arg7[%swap3A_127], %gather3A_126 {strides = array<i32>} : memref<512xf32, #tpu.memory_space<vmem>>, vector<16xf32>,
    %add3A_129 = arith.constant 112 : i32
    %add3A_130 = vector.broadcast %add3A_129 : i32 to vector<16xi32>
    %add3A_131 = arith.addi %iota3A, %add3A_130 : vector<16xi32>
    %gather3A_132 = arith.constant 0 : i32
    %gather3A_133 = arith.constant 0 : i32
    %gather3A_134 = arith.constant 0 : i32
    %gather3A_135 = tpu.memref_slice %arg6[%gather3A_132, %gather3A_133, %gather3A_134] : memref<4x128x128xf32, #tpu.memory_space<vmem>> -> memref<1x128x128xf32, #tpu.memory_space<vmem>>
    %gather3A_136 = tpu.memref_squeeze %gather3A_135 : memref<1x128x128xf32, #tpu.memory_space<vmem>> -> memref<128x128xf32, #tpu.memory_space<vmem>>
    %gather3A_137 = tpu.vector_load_idx %gather3A_136[%add3A_131, %add3A_131] : memref<128x128xf32, #tpu.memory_space<vmem>>[vector<16xi32>, vector<16xi32>], vector<16xf32>,
    %swap3A_138 = arith.constant 112 : index
    %swap3A_139 = tpu.vector_load %arg7[%swap3A_138] {strides = array<i32>} : memref<512xf32, #tpu.memory_space<vmem>>, vector<16xf32>,
    tpu.vector_store %arg7[%swap3A_138], %gather3A_137 {strides = array<i32>} : memref<512xf32, #tpu.memory_space<vmem>>, vector<16xf32>,
    %dma_wait3A_140 = arith.constant 1 : i32
    %dma_wait3A_141 = arith.constant 0 : i32
    %dma_wait3A_142 = arith.constant 0 : i32
    %dma_wait3A_143 = tpu.memref_slice %arg6[%dma_wait3A_140, %dma_wait3A_141, %dma_wait3A_142] : memref<4x128x128xf32, #tpu.memory_space<vmem>> -> memref<1x128x128xf32, #tpu.memory_space<vmem>>
    %dma_wait3A_144 = tpu.memref_squeeze %dma_wait3A_143 : memref<1x128x128xf32, #tpu.memory_space<vmem>> -> memref<128x128xf32, #tpu.memory_space<vmem>>
    %dma_wait3A_145 = arith.constant 128 : i32
    %dma_wait3A_146 = tpu.memref_slice %arg5[%dma_wait3A_145] : memref<512xi32, #tpu.memory_space<vmem>> -> memref<128xi32, #tpu.memory_space<vmem>>
    %dma_wait3A_147 = arith.constant 0 : i32
    %dma_wait3A_148 = tpu.memref_slice %arg2[%dma_wait3A_147, %add3A_14] : memref<1000x16384xf32, #tpu.memory_space<hbm>> -> memref<1000x128xf32, #tpu.memory_space<hbm>>
    tpu.wait_indirect_dma semaphore(%arg8 : memref<!tpu.dma_semaphore, #tpu.memory_space<semaphore_mem>>) src(%dma_wait3A_148 : memref<1000x128xf32, #tpu.memory_space<hbm>>) dst(%dma_wait3A_144 : memref<128x128xf32, #tpu.memory_space<vmem>>)
    %add3A_149 = arith.constant 0 : i32
    %add3A_150 = vector.broadcast %add3A_149 : i32 to vector<16xi32>
    %add3A_151 = arith.addi %iota3A, %add3A_150 : vector<16xi32>
    %gather3A_152 = arith.constant 1 : i32
    %gather3A_153 = arith.constant 0 : i32
    %gather3A_154 = arith.constant 0 : i32
    %gather3A_155 = tpu.memref_slice %arg6[%gather3A_152, %gather3A_153, %gather3A_154] : memref<4x128x128xf32, #tpu.memory_space<vmem>> -> memref<1x128x128xf32, #tpu.memory_space<vmem>>
    %gather3A_156 = tpu.memref_squeeze %gather3A_155 : memref<1x128x128xf32, #tpu.memory_space<vmem>> -> memref<128x128xf32, #tpu.memory_space<vmem>>
    %gather3A_157 = tpu.vector_load_idx %gather3A_156[%add3A_151, %add3A_151] : memref<128x128xf32, #tpu.memory_space<vmem>>[vector<16xi32>, vector<16xi32>], vector<16xf32>,
    %swap3A_158 = arith.constant 128 : index
    %swap3A_159 = tpu.vector_load %arg7[%swap3A_158] {strides = array<i32>} : memref<512xf32, #tpu.memory_space<vmem>>, vector<16xf32>,
    tpu.vector_store %arg7[%swap3A_158], %gather3A_157 {strides = array<i32>} : memref<512xf32, #tpu.memory_space<vmem>>, vector<16xf32>,
    %add3A_160 = arith.constant 16 : i32
    %add3A_161 = vector.broadcast %add3A_160 : i32 to vector<16xi32>
    %add3A_162 = arith.addi %iota3A, %add3A_161 : vector<16xi32>
    %gather3A_163 = arith.constant 1 : i32
    %gather3A_164 = arith.constant 0 : i32
    %gather3A_165 = arith.constant 0 : i32
    %gather3A_166 = tpu.memref_slice %arg6[%gather3A_163, %gather3A_164, %gather3A_165] : memref<4x128x128xf32, #tpu.memory_space<vmem>> -> memref<1x128x128xf32, #tpu.memory_space<vmem>>
    %gather3A_167 = tpu.memref_squeeze %gather3A_166 : memref<1x128x128xf32, #tpu.memory_space<vmem>> -> memref<128x128xf32, #tpu.memory_space<vmem>>
    %gather3A_168 = tpu.vector_load_idx %gather3A_167[%add3A_162, %add3A_162] : memref<128x128xf32, #tpu.memory_space<vmem>>[vector<16xi32>, vector<16xi32>], vector<16xf32>,
    %swap3A_169 = arith.constant 144 : index
    %swap3A_170 = tpu.vector_load %arg7[%swap3A_169] {strides = array<i32>} : memref<512xf32, #tpu.memory_space<vmem>>, vector<16xf32>,
    tpu.vector_store %arg7[%swap3A_169], %gather3A_168 {strides = array<i32>} : memref<512xf32, #tpu.memory_space<vmem>>, vector<16xf32>,
    %add3A_171 = arith.constant 32 : i32
    %add3A_172 = vector.broadcast %add3A_171 : i32 to vector<16xi32>
    %add3A_173 = arith.addi %iota3A, %add3A_172 : vector<16xi32>
    %gather3A_174 = arith.constant 1 : i32
    %gather3A_175 = arith.constant 0 : i32
    %gather3A_176 = arith.constant 0 : i32
    %gather3A_177 = tpu.memref_slice %arg6[%gather3A_174, %gather3A_175, %gather3A_176] : memref<4x128x128xf32, #tpu.memory_space<vmem>> -> memref<1x128x128xf32, #tpu.memory_space<vmem>>
    %gather3A_178 = tpu.memref_squeeze %gather3A_177 : memref<1x128x128xf32, #tpu.memory_space<vmem>> -> memref<128x128xf32, #tpu.memory_space<vmem>>
    %gather3A_179 = tpu.vector_load_idx %gather3A_178[%add3A_173, %add3A_173] : memref<128x128xf32, #tpu.memory_space<vmem>>[vector<16xi32>, vector<16xi32>], vector<16xf32>,
    %swap3A_180 = arith.constant 160 : index
    %swap3A_181 = tpu.vector_load %arg7[%swap3A_180] {strides = array<i32>} : memref<512xf32, #tpu.memory_space<vmem>>, vector<16xf32>,
    tpu.vector_store %arg7[%swap3A_180], %gather3A_179 {strides = array<i32>} : memref<512xf32, #tpu.memory_space<vmem>>, vector<16xf32>,
    %add3A_182 = arith.constant 48 : i32
    %add3A_183 = vector.broadcast %add3A_182 : i32 to vector<16xi32>
    %add3A_184 = arith.addi %iota3A, %add3A_183 : vector<16xi32>
    %gather3A_185 = arith.constant 1 : i32
    %gather3A_186 = arith.constant 0 : i32
    %gather3A_187 = arith.constant 0 : i32
    %gather3A_188 = tpu.memref_slice %arg6[%gather3A_185, %gather3A_186, %gather3A_187] : memref<4x128x128xf32, #tpu.memory_space<vmem>> -> memref<1x128x128xf32, #tpu.memory_space<vmem>>
    %gather3A_189 = tpu.memref_squeeze %gather3A_188 : memref<1x128x128xf32, #tpu.memory_space<vmem>> -> memref<128x128xf32, #tpu.memory_space<vmem>>
    %gather3A_190 = tpu.vector_load_idx %gather3A_189[%add3A_184, %add3A_184] : memref<128x128xf32, #tpu.memory_space<vmem>>[vector<16xi32>, vector<16xi32>], vector<16xf32>,
    %swap3A_191 = arith.constant 176 : index
    %swap3A_192 = tpu.vector_load %arg7[%swap3A_191] {strides = array<i32>} : memref<512xf32, #tpu.memory_space<vmem>>, vector<16xf32>,
    tpu.vector_store %arg7[%swap3A_191], %gather3A_190 {strides = array<i32>} : memref<512xf32, #tpu.memory_space<vmem>>, vector<16xf32>,
    %add3A_193 = arith.constant 64 : i32
    %add3A_194 = vector.broadcast %add3A_193 : i32 to vector<16xi32>
    %add3A_195 = arith.addi %iota3A, %add3A_194 : vector<16xi32>
    %gather3A_196 = arith.constant 1 : i32
    %gather3A_197 = arith.constant 0 : i32
    %gather3A_198 = arith.constant 0 : i32
    %gather3A_199 = tpu.memref_slice %arg6[%gather3A_196, %gather3A_197, %gather3A_198] : memref<4x128x128xf32, #tpu.memory_space<vmem>> -> memref<1x128x128xf32, #tpu.memory_space<vmem>>
    %gather3A_200 = tpu.memref_squeeze %gather3A_199 : memref<1x128x128xf32, #tpu.memory_space<vmem>> -> memref<128x128xf32, #tpu.memory_space<vmem>>
    %gather3A_201 = tpu.vector_load_idx %gather3A_200[%add3A_195, %add3A_195] : memref<128x128xf32, #tpu.memory_space<vmem>>[vector<16xi32>, vector<16xi32>], vector<16xf32>,
    %swap3A_202 = arith.constant 192 : index
    %swap3A_203 = tpu.vector_load %arg7[%swap3A_202] {strides = array<i32>} : memref<512xf32, #tpu.memory_space<vmem>>, vector<16xf32>,
    tpu.vector_store %arg7[%swap3A_202], %gather3A_201 {strides = array<i32>} : memref<512xf32, #tpu.memory_space<vmem>>, vector<16xf32>,
    %add3A_204 = arith.constant 80 : i32
    %add3A_205 = vector.broadcast %add3A_204 : i32 to vector<16xi32>
    %add3A_206 = arith.addi %iota3A, %add3A_205 : vector<16xi32>
    %gather3A_207 = arith.constant 1 : i32
    %gather3A_208 = arith.constant 0 : i32
    %gather3A_209 = arith.constant 0 : i32
    %gather3A_210 = tpu.memref_slice %arg6[%gather3A_207, %gather3A_208, %gather3A_209] : memref<4x128x128xf32, #tpu.memory_space<vmem>> -> memref<1x128x128xf32, #tpu.memory_space<vmem>>
    %gather3A_211 = tpu.memref_squeeze %gather3A_210 : memref<1x128x128xf32, #tpu.memory_space<vmem>> -> memref<128x128xf32, #tpu.memory_space<vmem>>
    %gather3A_212 = tpu.vector_load_idx %gather3A_211[%add3A_206, %add3A_206] : memref<128x128xf32, #tpu.memory_space<vmem>>[vector<16xi32>, vector<16xi32>], vector<16xf32>,
    %swap3A_213 = arith.constant 208 : index
    %swap3A_214 = tpu.vector_load %arg7[%swap3A_213] {strides = array<i32>} : memref<512xf32, #tpu.memory_space<vmem>>, vector<16xf32>,
    tpu.vector_store %arg7[%swap3A_213], %gather3A_212 {strides = array<i32>} : memref<512xf32, #tpu.memory_space<vmem>>, vector<16xf32>,
    %add3A_215 = arith.constant 96 : i32
    %add3A_216 = vector.broadcast %add3A_215 : i32 to vector<16xi32>
    %add3A_217 = arith.addi %iota3A, %add3A_216 : vector<16xi32>
    %gather3A_218 = arith.constant 1 : i32
    %gather3A_219 = arith.constant 0 : i32
    %gather3A_220 = arith.constant 0 : i32
    %gather3A_221 = tpu.memref_slice %arg6[%gather3A_218, %gather3A_219, %gather3A_220] : memref<4x128x128xf32, #tpu.memory_space<vmem>> -> memref<1x128x128xf32, #tpu.memory_space<vmem>>
    %gather3A_222 = tpu.memref_squeeze %gather3A_221 : memref<1x128x128xf32, #tpu.memory_space<vmem>> -> memref<128x128xf32, #tpu.memory_space<vmem>>
    %gather3A_223 = tpu.vector_load_idx %gather3A_222[%add3A_217, %add3A_217] : memref<128x128xf32, #tpu.memory_space<vmem>>[vector<16xi32>, vector<16xi32>], vector<16xf32>,
    %swap3A_224 = arith.constant 224 : index
    %swap3A_225 = tpu.vector_load %arg7[%swap3A_224] {strides = array<i32>} : memref<512xf32, #tpu.memory_space<vmem>>, vector<16xf32>,
    tpu.vector_store %arg7[%swap3A_224], %gather3A_223 {strides = array<i32>} : memref<512xf32, #tpu.memory_space<vmem>>, vector<16xf32>,
    %add3A_226 = arith.constant 112 : i32
    %add3A_227 = vector.broadcast %add3A_226 : i32 to vector<16xi32>
    %add3A_228 = arith.addi %iota3A, %add3A_227 : vector<16xi32>
    %gather3A_229 = arith.constant 1 : i32
    %gather3A_230 = arith.constant 0 : i32
    %gather3A_231 = arith.constant 0 : i32
    %gather3A_232 = tpu.memref_slice %arg6[%gather3A_229, %gather3A_230, %gather3A_231] : memref<4x128x128xf32, #tpu.memory_space<vmem>> -> memref<1x128x128xf32, #tpu.memory_space<vmem>>
    %gather3A_233 = tpu.memref_squeeze %gather3A_232 : memref<1x128x128xf32, #tpu.memory_space<vmem>> -> memref<128x128xf32, #tpu.memory_space<vmem>>
    %gather3A_234 = tpu.vector_load_idx %gather3A_233[%add3A_228, %add3A_228] : memref<128x128xf32, #tpu.memory_space<vmem>>[vector<16xi32>, vector<16xi32>], vector<16xf32>,
    %swap3A_235 = arith.constant 240 : index
    %swap3A_236 = tpu.vector_load %arg7[%swap3A_235] {strides = array<i32>} : memref<512xf32, #tpu.memory_space<vmem>>, vector<16xf32>,
    tpu.vector_store %arg7[%swap3A_235], %gather3A_234 {strides = array<i32>} : memref<512xf32, #tpu.memory_space<vmem>>, vector<16xf32>,
    %dma_wait3A_237 = arith.constant 2 : i32
    %dma_wait3A_238 = arith.constant 0 : i32
    %dma_wait3A_239 = arith.constant 0 : i32
    %dma_wait3A_240 = tpu.memref_slice %arg6[%dma_wait3A_237, %dma_wait3A_238, %dma_wait3A_239] : memref<4x128x128xf32, #tpu.memory_space<vmem>> -> memref<1x128x128xf32, #tpu.memory_space<vmem>>
    %dma_wait3A_241 = tpu.memref_squeeze %dma_wait3A_240 : memref<1x128x128xf32, #tpu.memory_space<vmem>> -> memref<128x128xf32, #tpu.memory_space<vmem>>
    %dma_wait3A_242 = arith.constant 256 : i32
    %dma_wait3A_243 = tpu.memref_slice %arg5[%dma_wait3A_242] : memref<512xi32, #tpu.memory_space<vmem>> -> memref<128xi32, #tpu.memory_space<vmem>>
    %dma_wait3A_244 = arith.constant 0 : i32
    %dma_wait3A_245 = tpu.memref_slice %arg2[%dma_wait3A_244, %add3A_25] : memref<1000x16384xf32, #tpu.memory_space<hbm>> -> memref<1000x128xf32, #tpu.memory_space<hbm>>
    tpu.wait_indirect_dma semaphore(%arg8 : memref<!tpu.dma_semaphore, #tpu.memory_space<semaphore_mem>>) src(%dma_wait3A_245 : memref<1000x128xf32, #tpu.memory_space<hbm>>) dst(%dma_wait3A_241 : memref<128x128xf32, #tpu.memory_space<vmem>>)
    %add3A_246 = arith.constant 0 : i32
    %add3A_247 = vector.broadcast %add3A_246 : i32 to vector<16xi32>
    %add3A_248 = arith.addi %iota3A, %add3A_247 : vector<16xi32>
    %gather3A_249 = arith.constant 2 : i32
    %gather3A_250 = arith.constant 0 : i32
    %gather3A_251 = arith.constant 0 : i32
    %gather3A_252 = tpu.memref_slice %arg6[%gather3A_249, %gather3A_250, %gather3A_251] : memref<4x128x128xf32, #tpu.memory_space<vmem>> -> memref<1x128x128xf32, #tpu.memory_space<vmem>>
    %gather3A_253 = tpu.memref_squeeze %gather3A_252 : memref<1x128x128xf32, #tpu.memory_space<vmem>> -> memref<128x128xf32, #tpu.memory_space<vmem>>
    %gather3A_254 = tpu.vector_load_idx %gather3A_253[%add3A_248, %add3A_248] : memref<128x128xf32, #tpu.memory_space<vmem>>[vector<16xi32>, vector<16xi32>], vector<16xf32>,
    %swap3A_255 = arith.constant 256 : index
    %swap3A_256 = tpu.vector_load %arg7[%swap3A_255] {strides = array<i32>} : memref<512xf32, #tpu.memory_space<vmem>>, vector<16xf32>,
    tpu.vector_store %arg7[%swap3A_255], %gather3A_254 {strides = array<i32>} : memref<512xf32, #tpu.memory_space<vmem>>, vector<16xf32>,
    %add3A_257 = arith.constant 16 : i32
    %add3A_258 = vector.broadcast %add3A_257 : i32 to vector<16xi32>
    %add3A_259 = arith.addi %iota3A, %add3A_258 : vector<16xi32>
    %gather3A_260 = arith.constant 2 : i32
    %gather3A_261 = arith.constant 0 : i32
    %gather3A_262 = arith.constant 0 : i32
    %gather3A_263 = tpu.memref_slice %arg6[%gather3A_260, %gather3A_261, %gather3A_262] : memref<4x128x128xf32, #tpu.memory_space<vmem>> -> memref<1x128x128xf32, #tpu.memory_space<vmem>>
    %gather3A_264 = tpu.memref_squeeze %gather3A_263 : memref<1x128x128xf32, #tpu.memory_space<vmem>> -> memref<128x128xf32, #tpu.memory_space<vmem>>
    %gather3A_265 = tpu.vector_load_idx %gather3A_264[%add3A_259, %add3A_259] : memref<128x128xf32, #tpu.memory_space<vmem>>[vector<16xi32>, vector<16xi32>], vector<16xf32>,
    %swap3A_266 = arith.constant 272 : index
    %swap3A_267 = tpu.vector_load %arg7[%swap3A_266] {strides = array<i32>} : memref<512xf32, #tpu.memory_space<vmem>>, vector<16xf32>,
    tpu.vector_store %arg7[%swap3A_266], %gather3A_265 {strides = array<i32>} : memref<512xf32, #tpu.memory_space<vmem>>, vector<16xf32>,
    %add3A_268 = arith.constant 32 : i32
    %add3A_269 = vector.broadcast %add3A_268 : i32 to vector<16xi32>
    %add3A_270 = arith.addi %iota3A, %add3A_269 : vector<16xi32>
    %gather3A_271 = arith.constant 2 : i32
    %gather3A_272 = arith.constant 0 : i32
    %gather3A_273 = arith.constant 0 : i32
    %gather3A_274 = tpu.memref_slice %arg6[%gather3A_271, %gather3A_272, %gather3A_273] : memref<4x128x128xf32, #tpu.memory_space<vmem>> -> memref<1x128x128xf32, #tpu.memory_space<vmem>>
    %gather3A_275 = tpu.memref_squeeze %gather3A_274 : memref<1x128x128xf32, #tpu.memory_space<vmem>> -> memref<128x128xf32, #tpu.memory_space<vmem>>
    %gather3A_276 = tpu.vector_load_idx %gather3A_275[%add3A_270, %add3A_270] : memref<128x128xf32, #tpu.memory_space<vmem>>[vector<16xi32>, vector<16xi32>], vector<16xf32>,
    %swap3A_277 = arith.constant 288 : index
    %swap3A_278 = tpu.vector_load %arg7[%swap3A_277] {strides = array<i32>} : memref<512xf32, #tpu.memory_space<vmem>>, vector<16xf32>,
    tpu.vector_store %arg7[%swap3A_277], %gather3A_276 {strides = array<i32>} : memref<512xf32, #tpu.memory_space<vmem>>, vector<16xf32>,
    %add3A_279 = arith.constant 48 : i32
    %add3A_280 = vector.broadcast %add3A_279 : i32 to vector<16xi32>
    %add3A_281 = arith.addi %iota3A, %add3A_280 : vector<16xi32>
    %gather3A_282 = arith.constant 2 : i32
    %gather3A_283 = arith.constant 0 : i32
    %gather3A_284 = arith.constant 0 : i32
    %gather3A_285 = tpu.memref_slice %arg6[%gather3A_282, %gather3A_283, %gather3A_284] : memref<4x128x128xf32, #tpu.memory_space<vmem>> -> memref<1x128x128xf32, #tpu.memory_space<vmem>>
    %gather3A_286 = tpu.memref_squeeze %gather3A_285 : memref<1x128x128xf32, #tpu.memory_space<vmem>> -> memref<128x128xf32, #tpu.memory_space<vmem>>
    %gather3A_287 = tpu.vector_load_idx %gather3A_286[%add3A_281, %add3A_281] : memref<128x128xf32, #tpu.memory_space<vmem>>[vector<16xi32>, vector<16xi32>], vector<16xf32>,
    %swap3A_288 = arith.constant 304 : index
    %swap3A_289 = tpu.vector_load %arg7[%swap3A_288] {strides = array<i32>} : memref<512xf32, #tpu.memory_space<vmem>>, vector<16xf32>,
    tpu.vector_store %arg7[%swap3A_288], %gather3A_287 {strides = array<i32>} : memref<512xf32, #tpu.memory_space<vmem>>, vector<16xf32>,
    %add3A_290 = arith.constant 64 : i32
    %add3A_291 = vector.broadcast %add3A_290 : i32 to vector<16xi32>
    %add3A_292 = arith.addi %iota3A, %add3A_291 : vector<16xi32>
    %gather3A_293 = arith.constant 2 : i32
    %gather3A_294 = arith.constant 0 : i32
    %gather3A_295 = arith.constant 0 : i32
    %gather3A_296 = tpu.memref_slice %arg6[%gather3A_293, %gather3A_294, %gather3A_295] : memref<4x128x128xf32, #tpu.memory_space<vmem>> -> memref<1x128x128xf32, #tpu.memory_space<vmem>>
    %gather3A_297 = tpu.memref_squeeze %gather3A_296 : memref<1x128x128xf32, #tpu.memory_space<vmem>> -> memref<128x128xf32, #tpu.memory_space<vmem>>
    %gather3A_298 = tpu.vector_load_idx %gather3A_297[%add3A_292, %add3A_292] : memref<128x128xf32, #tpu.memory_space<vmem>>[vector<16xi32>, vector<16xi32>], vector<16xf32>,
    %swap3A_299 = arith.constant 320 : index
    %swap3A_300 = tpu.vector_load %arg7[%swap3A_299] {strides = array<i32>} : memref<512xf32, #tpu.memory_space<vmem>>, vector<16xf32>,
    tpu.vector_store %arg7[%swap3A_299], %gather3A_298 {strides = array<i32>} : memref<512xf32, #tpu.memory_space<vmem>>, vector<16xf32>,
    %add3A_301 = arith.constant 80 : i32
    %add3A_302 = vector.broadcast %add3A_301 : i32 to vector<16xi32>
    %add3A_303 = arith.addi %iota3A, %add3A_302 : vector<16xi32>
    %gather3A_304 = arith.constant 2 : i32
    %gather3A_305 = arith.constant 0 : i32
    %gather3A_306 = arith.constant 0 : i32
    %gather3A_307 = tpu.memref_slice %arg6[%gather3A_304, %gather3A_305, %gather3A_306] : memref<4x128x128xf32, #tpu.memory_space<vmem>> -> memref<1x128x128xf32, #tpu.memory_space<vmem>>
    %gather3A_308 = tpu.memref_squeeze %gather3A_307 : memref<1x128x128xf32, #tpu.memory_space<vmem>> -> memref<128x128xf32, #tpu.memory_space<vmem>>
    %gather3A_309 = tpu.vector_load_idx %gather3A_308[%add3A_303, %add3A_303] : memref<128x128xf32, #tpu.memory_space<vmem>>[vector<16xi32>, vector<16xi32>], vector<16xf32>,
    %swap3A_310 = arith.constant 336 : index
    %swap3A_311 = tpu.vector_load %arg7[%swap3A_310] {strides = array<i32>} : memref<512xf32, #tpu.memory_space<vmem>>, vector<16xf32>,
    tpu.vector_store %arg7[%swap3A_310], %gather3A_309 {strides = array<i32>} : memref<512xf32, #tpu.memory_space<vmem>>, vector<16xf32>,
    %add3A_312 = arith.constant 96 : i32
    %add3A_313 = vector.broadcast %add3A_312 : i32 to vector<16xi32>
    %add3A_314 = arith.addi %iota3A, %add3A_313 : vector<16xi32>
    %gather3A_315 = arith.constant 2 : i32
    %gather3A_316 = arith.constant 0 : i32
    %gather3A_317 = arith.constant 0 : i32
    %gather3A_318 = tpu.memref_slice %arg6[%gather3A_315, %gather3A_316, %gather3A_317] : memref<4x128x128xf32, #tpu.memory_space<vmem>> -> memref<1x128x128xf32, #tpu.memory_space<vmem>>
    %gather3A_319 = tpu.memref_squeeze %gather3A_318 : memref<1x128x128xf32, #tpu.memory_space<vmem>> -> memref<128x128xf32, #tpu.memory_space<vmem>>
    %gather3A_320 = tpu.vector_load_idx %gather3A_319[%add3A_314, %add3A_314] : memref<128x128xf32, #tpu.memory_space<vmem>>[vector<16xi32>, vector<16xi32>], vector<16xf32>,
    %swap3A_321 = arith.constant 352 : index
    %swap3A_322 = tpu.vector_load %arg7[%swap3A_321] {strides = array<i32>} : memref<512xf32, #tpu.memory_space<vmem>>, vector<16xf32>,
    tpu.vector_store %arg7[%swap3A_321], %gather3A_320 {strides = array<i32>} : memref<512xf32, #tpu.memory_space<vmem>>, vector<16xf32>,
    %add3A_323 = arith.constant 112 : i32
    %add3A_324 = vector.broadcast %add3A_323 : i32 to vector<16xi32>
    %add3A_325 = arith.addi %iota3A, %add3A_324 : vector<16xi32>
    %gather3A_326 = arith.constant 2 : i32
    %gather3A_327 = arith.constant 0 : i32
    %gather3A_328 = arith.constant 0 : i32
    %gather3A_329 = tpu.memref_slice %arg6[%gather3A_326, %gather3A_327, %gather3A_328] : memref<4x128x128xf32, #tpu.memory_space<vmem>> -> memref<1x128x128xf32, #tpu.memory_space<vmem>>
    %gather3A_330 = tpu.memref_squeeze %gather3A_329 : memref<1x128x128xf32, #tpu.memory_space<vmem>> -> memref<128x128xf32, #tpu.memory_space<vmem>>
    %gather3A_331 = tpu.vector_load_idx %gather3A_330[%add3A_325, %add3A_325] : memref<128x128xf32, #tpu.memory_space<vmem>>[vector<16xi32>, vector<16xi32>], vector<16xf32>,
    %swap3A_332 = arith.constant 368 : index
    %swap3A_333 = tpu.vector_load %arg7[%swap3A_332] {strides = array<i32>} : memref<512xf32, #tpu.memory_space<vmem>>, vector<16xf32>,
    tpu.vector_store %arg7[%swap3A_332], %gather3A_331 {strides = array<i32>} : memref<512xf32, #tpu.memory_space<vmem>>, vector<16xf32>,
    %dma_wait3A_334 = arith.constant 3 : i32
    %dma_wait3A_335 = arith.constant 0 : i32
    %dma_wait3A_336 = arith.constant 0 : i32
    %dma_wait3A_337 = tpu.memref_slice %arg6[%dma_wait3A_334, %dma_wait3A_335, %dma_wait3A_336] : memref<4x128x128xf32, #tpu.memory_space<vmem>> -> memref<1x128x128xf32, #tpu.memory_space<vmem>>
    %dma_wait3A_338 = tpu.memref_squeeze %dma_wait3A_337 : memref<1x128x128xf32, #tpu.memory_space<vmem>> -> memref<128x128xf32, #tpu.memory_space<vmem>>
    %dma_wait3A_339 = arith.constant 384 : i32
    %dma_wait3A_340 = tpu.memref_slice %arg5[%dma_wait3A_339] : memref<512xi32, #tpu.memory_space<vmem>> -> memref<128xi32, #tpu.memory_space<vmem>>
    %dma_wait3A_341 = arith.constant 0 : i32
    %dma_wait3A_342 = tpu.memref_slice %arg2[%dma_wait3A_341, %add3A_36] : memref<1000x16384xf32, #tpu.memory_space<hbm>> -> memref<1000x128xf32, #tpu.memory_space<hbm>>
    tpu.wait_indirect_dma semaphore(%arg8 : memref<!tpu.dma_semaphore, #tpu.memory_space<semaphore_mem>>) src(%dma_wait3A_342 : memref<1000x128xf32, #tpu.memory_space<hbm>>) dst(%dma_wait3A_338 : memref<128x128xf32, #tpu.memory_space<vmem>>)
    %add3A_343 = arith.constant 0 : i32
    %add3A_344 = vector.broadcast %add3A_343 : i32 to vector<16xi32>
    %add3A_345 = arith.addi %iota3A, %add3A_344 : vector<16xi32>
    %gather3A_346 = arith.constant 3 : i32
    %gather3A_347 = arith.constant 0 : i32
    %gather3A_348 = arith.constant 0 : i32
    %gather3A_349 = tpu.memref_slice %arg6[%gather3A_346, %gather3A_347, %gather3A_348] : memref<4x128x128xf32, #tpu.memory_space<vmem>> -> memref<1x128x128xf32, #tpu.memory_space<vmem>>
    %gather3A_350 = tpu.memref_squeeze %gather3A_349 : memref<1x128x128xf32, #tpu.memory_space<vmem>> -> memref<128x128xf32, #tpu.memory_space<vmem>>
    %gather3A_351 = tpu.vector_load_idx %gather3A_350[%add3A_345, %add3A_345] : memref<128x128xf32, #tpu.memory_space<vmem>>[vector<16xi32>, vector<16xi32>], vector<16xf32>,
    %swap3A_352 = arith.constant 384 : index
    %swap3A_353 = tpu.vector_load %arg7[%swap3A_352] {strides = array<i32>} : memref<512xf32, #tpu.memory_space<vmem>>, vector<16xf32>,
    tpu.vector_store %arg7[%swap3A_352], %gather3A_351 {strides = array<i32>} : memref<512xf32, #tpu.memory_space<vmem>>, vector<16xf32>,
    %add3A_354 = arith.constant 16 : i32
    %add3A_355 = vector.broadcast %add3A_354 : i32 to vector<16xi32>
    %add3A_356 = arith.addi %iota3A, %add3A_355 : vector<16xi32>
    %gather3A_357 = arith.constant 3 : i32
    %gather3A_358 = arith.constant 0 : i32
    %gather3A_359 = arith.constant 0 : i32
    %gather3A_360 = tpu.memref_slice %arg6[%gather3A_357, %gather3A_358, %gather3A_359] : memref<4x128x128xf32, #tpu.memory_space<vmem>> -> memref<1x128x128xf32, #tpu.memory_space<vmem>>
    %gather3A_361 = tpu.memref_squeeze %gather3A_360 : memref<1x128x128xf32, #tpu.memory_space<vmem>> -> memref<128x128xf32, #tpu.memory_space<vmem>>
    %gather3A_362 = tpu.vector_load_idx %gather3A_361[%add3A_356, %add3A_356] : memref<128x128xf32, #tpu.memory_space<vmem>>[vector<16xi32>, vector<16xi32>], vector<16xf32>,
    %swap3A_363 = arith.constant 400 : index
    %swap3A_364 = tpu.vector_load %arg7[%swap3A_363] {strides = array<i32>} : memref<512xf32, #tpu.memory_space<vmem>>, vector<16xf32>,
    tpu.vector_store %arg7[%swap3A_363], %gather3A_362 {strides = array<i32>} : memref<512xf32, #tpu.memory_space<vmem>>, vector<16xf32>,
    %add3A_365 = arith.constant 32 : i32
    %add3A_366 = vector.broadcast %add3A_365 : i32 to vector<16xi32>
    %add3A_367 = arith.addi %iota3A, %add3A_366 : vector<16xi32>
    %gather3A_368 = arith.constant 3 : i32
    %gather3A_369 = arith.constant 0 : i32
    %gather3A_370 = arith.constant 0 : i32
    %gather3A_371 = tpu.memref_slice %arg6[%gather3A_368, %gather3A_369, %gather3A_370] : memref<4x128x128xf32, #tpu.memory_space<vmem>> -> memref<1x128x128xf32, #tpu.memory_space<vmem>>
    %gather3A_372 = tpu.memref_squeeze %gather3A_371 : memref<1x128x128xf32, #tpu.memory_space<vmem>> -> memref<128x128xf32, #tpu.memory_space<vmem>>
    %gather3A_373 = tpu.vector_load_idx %gather3A_372[%add3A_367, %add3A_367] : memref<128x128xf32, #tpu.memory_space<vmem>>[vector<16xi32>, vector<16xi32>], vector<16xf32>,
    %swap3A_374 = arith.constant 416 : index
    %swap3A_375 = tpu.vector_load %arg7[%swap3A_374] {strides = array<i32>} : memref<512xf32, #tpu.memory_space<vmem>>, vector<16xf32>,
    tpu.vector_store %arg7[%swap3A_374], %gather3A_373 {strides = array<i32>} : memref<512xf32, #tpu.memory_space<vmem>>, vector<16xf32>,
    %add3A_376 = arith.constant 48 : i32
    %add3A_377 = vector.broadcast %add3A_376 : i32 to vector<16xi32>
    %add3A_378 = arith.addi %iota3A, %add3A_377 : vector<16xi32>
    %gather3A_379 = arith.constant 3 : i32
    %gather3A_380 = arith.constant 0 : i32
    %gather3A_381 = arith.constant 0 : i32
    %gather3A_382 = tpu.memref_slice %arg6[%gather3A_379, %gather3A_380, %gather3A_381] : memref<4x128x128xf32, #tpu.memory_space<vmem>> -> memref<1x128x128xf32, #tpu.memory_space<vmem>>
    %gather3A_383 = tpu.memref_squeeze %gather3A_382 : memref<1x128x128xf32, #tpu.memory_space<vmem>> -> memref<128x128xf32, #tpu.memory_space<vmem>>
    %gather3A_384 = tpu.vector_load_idx %gather3A_383[%add3A_378, %add3A_378] : memref<128x128xf32, #tpu.memory_space<vmem>>[vector<16xi32>, vector<16xi32>], vector<16xf32>,
    %swap3A_385 = arith.constant 432 : index
    %swap3A_386 = tpu.vector_load %arg7[%swap3A_385] {strides = array<i32>} : memref<512xf32, #tpu.memory_space<vmem>>, vector<16xf32>,
    tpu.vector_store %arg7[%swap3A_385], %gather3A_384 {strides = array<i32>} : memref<512xf32, #tpu.memory_space<vmem>>, vector<16xf32>,
    %add3A_387 = arith.constant 64 : i32
    %add3A_388 = vector.broadcast %add3A_387 : i32 to vector<16xi32>
    %add3A_389 = arith.addi %iota3A, %add3A_388 : vector<16xi32>
    %gather3A_390 = arith.constant 3 : i32
    %gather3A_391 = arith.constant 0 : i32
    %gather3A_392 = arith.constant 0 : i32
    %gather3A_393 = tpu.memref_slice %arg6[%gather3A_390, %gather3A_391, %gather3A_392] : memref<4x128x128xf32, #tpu.memory_space<vmem>> -> memref<1x128x128xf32, #tpu.memory_space<vmem>>
    %gather3A_394 = tpu.memref_squeeze %gather3A_393 : memref<1x128x128xf32, #tpu.memory_space<vmem>> -> memref<128x128xf32, #tpu.memory_space<vmem>>
    %gather3A_395 = tpu.vector_load_idx %gather3A_394[%add3A_389, %add3A_389] : memref<128x128xf32, #tpu.memory_space<vmem>>[vector<16xi32>, vector<16xi32>], vector<16xf32>,
    %swap3A_396 = arith.constant 448 : index
    %swap3A_397 = tpu.vector_load %arg7[%swap3A_396] {strides = array<i32>} : memref<512xf32, #tpu.memory_space<vmem>>, vector<16xf32>,
    tpu.vector_store %arg7[%swap3A_396], %gather3A_395 {strides = array<i32>} : memref<512xf32, #tpu.memory_space<vmem>>, vector<16xf32>,
    %add3A_398 = arith.constant 80 : i32
    %add3A_399 = vector.broadcast %add3A_398 : i32 to vector<16xi32>
    %add3A_400 = arith.addi %iota3A, %add3A_399 : vector<16xi32>
    %gather3A_401 = arith.constant 3 : i32
    %gather3A_402 = arith.constant 0 : i32
    %gather3A_403 = arith.constant 0 : i32
    %gather3A_404 = tpu.memref_slice %arg6[%gather3A_401, %gather3A_402, %gather3A_403] : memref<4x128x128xf32, #tpu.memory_space<vmem>> -> memref<1x128x128xf32, #tpu.memory_space<vmem>>
    %gather3A_405 = tpu.memref_squeeze %gather3A_404 : memref<1x128x128xf32, #tpu.memory_space<vmem>> -> memref<128x128xf32, #tpu.memory_space<vmem>>
    %gather3A_406 = tpu.vector_load_idx %gather3A_405[%add3A_400, %add3A_400] : memref<128x128xf32, #tpu.memory_space<vmem>>[vector<16xi32>, vector<16xi32>], vector<16xf32>,
    %swap3A_407 = arith.constant 464 : index
    %swap3A_408 = tpu.vector_load %arg7[%swap3A_407] {strides = array<i32>} : memref<512xf32, #tpu.memory_space<vmem>>, vector<16xf32>,
    tpu.vector_store %arg7[%swap3A_407], %gather3A_406 {strides = array<i32>} : memref<512xf32, #tpu.memory_space<vmem>>, vector<16xf32>,
    %add3A_409 = arith.constant 96 : i32
    %add3A_410 = vector.broadcast %add3A_409 : i32 to vector<16xi32>
    %add3A_411 = arith.addi %iota3A, %add3A_410 : vector<16xi32>
    %gather3A_412 = arith.constant 3 : i32
    %gather3A_413 = arith.constant 0 : i32
    %gather3A_414 = arith.constant 0 : i32
    %gather3A_415 = tpu.memref_slice %arg6[%gather3A_412, %gather3A_413, %gather3A_414] : memref<4x128x128xf32, #tpu.memory_space<vmem>> -> memref<1x128x128xf32, #tpu.memory_space<vmem>>
    %gather3A_416 = tpu.memref_squeeze %gather3A_415 : memref<1x128x128xf32, #tpu.memory_space<vmem>> -> memref<128x128xf32, #tpu.memory_space<vmem>>
    %gather3A_417 = tpu.vector_load_idx %gather3A_416[%add3A_411, %add3A_411] : memref<128x128xf32, #tpu.memory_space<vmem>>[vector<16xi32>, vector<16xi32>], vector<16xf32>,
    %swap3A_418 = arith.constant 480 : index
    %swap3A_419 = tpu.vector_load %arg7[%swap3A_418] {strides = array<i32>} : memref<512xf32, #tpu.memory_space<vmem>>, vector<16xf32>,
    tpu.vector_store %arg7[%swap3A_418], %gather3A_417 {strides = array<i32>} : memref<512xf32, #tpu.memory_space<vmem>>, vector<16xf32>,
    %add3A_420 = arith.constant 112 : i32
    %add3A_421 = vector.broadcast %add3A_420 : i32 to vector<16xi32>
    %add3A_422 = arith.addi %iota3A, %add3A_421 : vector<16xi32>
    %gather3A_423 = arith.constant 3 : i32
    %gather3A_424 = arith.constant 0 : i32
    %gather3A_425 = arith.constant 0 : i32
    %gather3A_426 = tpu.memref_slice %arg6[%gather3A_423, %gather3A_424, %gather3A_425] : memref<4x128x128xf32, #tpu.memory_space<vmem>> -> memref<1x128x128xf32, #tpu.memory_space<vmem>>
    %gather3A_427 = tpu.memref_squeeze %gather3A_426 : memref<1x128x128xf32, #tpu.memory_space<vmem>> -> memref<128x128xf32, #tpu.memory_space<vmem>>
    %gather3A_428 = tpu.vector_load_idx %gather3A_427[%add3A_422, %add3A_422] : memref<128x128xf32, #tpu.memory_space<vmem>>[vector<16xi32>, vector<16xi32>], vector<16xf32>,
    %swap3A_429 = arith.constant 496 : index
    %swap3A_430 = tpu.vector_load %arg7[%swap3A_429] {strides = array<i32>} : memref<512xf32, #tpu.memory_space<vmem>>, vector<16xf32>,
    tpu.vector_store %arg7[%swap3A_429], %gather3A_428 {strides = array<i32>} : memref<512xf32, #tpu.memory_space<vmem>>, vector<16xf32>,
    "tpu.region"() ({
      %run_scoped3A = tpu.sem_alloc : memref<!tpu.dma_semaphore, #tpu.memory_space<semaphore_mem>>
      %dma_start3A_431 = tpu.memref_slice %arg4[%mul3A_2] : memref<16384xf32, #tpu.memory_space<hbm>> -> memref<512xf32, #tpu.memory_space<hbm>>
      %dma_start3A_432 = tpu.memref_slice %arg4[%mul3A_2] : memref<16384xf32, #tpu.memory_space<hbm>> -> memref<512xf32, #tpu.memory_space<hbm>>
      tpu.enqueue_dma source(%arg7 : memref<512xf32, #tpu.memory_space<vmem>>) target(%dma_start3A_432 : memref<512xf32, #tpu.memory_space<hbm>>) target_semaphore(%run_scoped3A : memref<!tpu.dma_semaphore, #tpu.memory_space<semaphore_mem>>)
      %dma_wait3A_433 = tpu.memref_slice %arg4[%mul3A_2] : memref<16384xf32, #tpu.memory_space<hbm>> -> memref<512xf32, #tpu.memory_space<hbm>>
      %dma_wait3A_434 = tpu.memref_slice %arg4[%mul3A_2] : memref<16384xf32, #tpu.memory_space<hbm>> -> memref<512xf32, #tpu.memory_space<hbm>>
      tpu.wait_dma2 semaphore(%run_scoped3A : memref<!tpu.dma_semaphore, #tpu.memory_space<semaphore_mem>>) src(%arg7 : memref<512xf32, #tpu.memory_space<vmem>>) dst(%dma_wait3A_434 : memref<512xf32, #tpu.memory_space<hbm>>)
      tpu.yield
    }) : () -> ()
    return
  }
}

module attributes {stable_mosaic.version = 14 : i64} {
  func.func @_dlr_body(%arg0: i32, %arg1: memref<1000x1024xf32, #tpu.memory_space<vmem>>, %arg2: memref<1x1x1024xf32, #tpu.memory_space<vmem>>, %arg3: memref<1x1x1xf32, #tpu.memory_space<vmem>>) attributes {dimension_semantics = [#tpu.dimension_semantics<parallel>], iteration_bounds = array<i64: 16>, scalar_prefetch = 0 : i64, scratch_operands = 0 : i64, tpu.core_type = #tpu.core_type<tc>, window_params = [{transform_indices = @transform_0, window_bounds = array<i64: 1000, 1024>}, {transform_indices = @transform_1, window_bounds = array<i64: 1, 1, 1024>}, {transform_indices = @transform_2, window_bounds = array<i64: 1, 1, 1>}]} {
    %get3A = arith.constant 0 : index
    %get3A_0 = arith.constant 0 : index
    %get3A_1 = arith.constant 0 : index
    %get3A_2 = vector.load %arg2[%get3A, %get3A_0, %get3A_1] : memref<1x1x1024xf32, #tpu.memory_space<vmem>>, vector<1x1x1024xf32>
    %get3A_3 = vector.shape_cast %get3A_2 : vector<1x1x1024xf32> to vector<1x1024xf32>
    %get3A_4 = arith.constant 0 : index
    %get3A_5 = arith.constant 0 : index
    %get3A_6 = vector.load %arg1[%get3A_4, %get3A_5] : memref<1000x1024xf32, #tpu.memory_space<vmem>>, vector<128x1024xf32>
    %get3A_7 = arith.constant 128 : index
    %get3A_8 = arith.constant 0 : index
    %get3A_9 = vector.load %arg1[%get3A_7, %get3A_8] : memref<1000x1024xf32, #tpu.memory_space<vmem>>, vector<128x1024xf32>
    %get3A_10 = arith.constant 256 : index
    %get3A_11 = arith.constant 0 : index
    %get3A_12 = vector.load %arg1[%get3A_10, %get3A_11] : memref<1000x1024xf32, #tpu.memory_space<vmem>>, vector<128x1024xf32>
    %get3A_13 = arith.constant 384 : index
    %get3A_14 = arith.constant 0 : index
    %get3A_15 = vector.load %arg1[%get3A_13, %get3A_14] : memref<1000x1024xf32, #tpu.memory_space<vmem>>, vector<128x1024xf32>
    %get3A_16 = arith.constant 512 : index
    %get3A_17 = arith.constant 0 : index
    %get3A_18 = vector.load %arg1[%get3A_16, %get3A_17] : memref<1000x1024xf32, #tpu.memory_space<vmem>>, vector<128x1024xf32>
    %get3A_19 = arith.constant 640 : index
    %get3A_20 = arith.constant 0 : index
    %get3A_21 = vector.load %arg1[%get3A_19, %get3A_20] : memref<1000x1024xf32, #tpu.memory_space<vmem>>, vector<128x1024xf32>
    %get3A_22 = arith.constant 768 : index
    %get3A_23 = arith.constant 0 : index
    %get3A_24 = vector.load %arg1[%get3A_22, %get3A_23] : memref<1000x1024xf32, #tpu.memory_space<vmem>>, vector<128x1024xf32>
    %get3A_25 = arith.constant 896 : index
    %get3A_26 = arith.constant 0 : index
    %get3A_27 = vector.load %arg1[%get3A_25, %get3A_26] : memref<1000x1024xf32, #tpu.memory_space<vmem>>, vector<104x1024xf32>
    %broadcast_in_dim3A = arith.constant 0xFF800000 : f32
    %broadcast_in_dim3A_28 = vector.broadcast %broadcast_in_dim3A : f32 to vector<24x1024xf32>
    %concatenate3A = tpu.concatenate %get3A_27, %broadcast_in_dim3A_28 in 0 : vector<104x1024xf32>, vector<24x1024xf32> -> vector<128x1024xf32>
    %max3A = arith.maximumf %get3A_6, %get3A_9 : vector<128x1024xf32>
    %max3A_29 = arith.maximumf %get3A_12, %get3A_15 : vector<128x1024xf32>
    %max3A_30 = arith.maximumf %get3A_18, %get3A_21 : vector<128x1024xf32>
    %max3A_31 = arith.maximumf %get3A_24, %concatenate3A : vector<128x1024xf32>
    %min3A = arith.minimumf %get3A_6, %get3A_9 : vector<128x1024xf32>
    %min3A_32 = arith.minimumf %get3A_12, %get3A_15 : vector<128x1024xf32>
    %min3A_33 = arith.minimumf %get3A_18, %get3A_21 : vector<128x1024xf32>
    %min3A_34 = arith.minimumf %get3A_24, %concatenate3A : vector<128x1024xf32>
    %max3A_35 = arith.maximumf %max3A, %max3A_29 : vector<128x1024xf32>
    %min3A_36 = arith.minimumf %max3A, %max3A_29 : vector<128x1024xf32>
    %max3A_37 = arith.maximumf %min3A, %min3A_32 : vector<128x1024xf32>
    %max3A_38 = arith.maximumf %min3A_36, %max3A_37 : vector<128x1024xf32>
    %min3A_39 = arith.minimumf %min3A_36, %max3A_37 : vector<128x1024xf32>
    %max3A_40 = arith.maximumf %max3A_30, %max3A_31 : vector<128x1024xf32>
    %min3A_41 = arith.minimumf %max3A_30, %max3A_31 : vector<128x1024xf32>
    %max3A_42 = arith.maximumf %min3A_33, %min3A_34 : vector<128x1024xf32>
    %max3A_43 = arith.maximumf %min3A_41, %max3A_42 : vector<128x1024xf32>
    %min3A_44 = arith.minimumf %min3A_41, %max3A_42 : vector<128x1024xf32>
    %max3A_45 = arith.maximumf %max3A_35, %max3A_40 : vector<128x1024xf32>
    %min3A_46 = arith.minimumf %max3A_35, %max3A_40 : vector<128x1024xf32>
    %max3A_47 = arith.maximumf %max3A_38, %max3A_43 : vector<128x1024xf32>
    %max3A_48 = arith.maximumf %min3A_46, %max3A_47 : vector<128x1024xf32>
    %min3A_49 = arith.minimumf %max3A_47, %min3A_46 : vector<128x1024xf32>
    %min3A_50 = arith.minimumf %max3A_38, %max3A_43 : vector<128x1024xf32>
    %max3A_51 = arith.maximumf %min3A_49, %min3A_50 : vector<128x1024xf32>
    %max3A_52 = arith.maximumf %min3A_39, %min3A_44 : vector<128x1024xf32>
    %max3A_53 = arith.maximumf %max3A_51, %max3A_52 : vector<128x1024xf32>
    %reduce_max3A = arith.constant dense<0xFF800000> : vector<1024xf32>
    %reduce_max3A_54 = vector.multi_reduction <maximumf>, %max3A_45, %reduce_max3A [0] : vector<128x1024xf32> to vector<1024xf32>
    %broadcast_in_dim3A_55 = vector.shape_cast %reduce_max3A_54 : vector<1024xf32> to vector<1x1024xf32>
    %eq3A = vector.broadcast %broadcast_in_dim3A_55 : vector<1x1024xf32> to vector<128x1024xf32>
    %eq3A_56 = arith.cmpf oeq, %max3A_45, %eq3A : vector<128x1024xf32>
    %jit3A = arith.constant 1.000000e+00 : f32
    %jit3A_57 = arith.constant 0.000000e+00 : f32
    %broadcast_in_dim3A_58 = vector.broadcast %jit3A : f32 to vector<128x1024xf32>
    %broadcast_in_dim3A_59 = vector.broadcast %jit3A_57 : f32 to vector<128x1024xf32>
    %select_n3A = arith.select %eq3A_56, %broadcast_in_dim3A_58, %broadcast_in_dim3A_59 : vector<128x1024xi1>, vector<128x1024xf32>
    %reduce_sum3A = arith.constant dense<0.000000e+00> : vector<1024xf32>
    %reduce_sum3A_60 = vector.multi_reduction <add>, %select_n3A, %reduce_sum3A [0] : vector<128x1024xf32> to vector<1024xf32>
    %broadcast_in_dim3A_61 = vector.shape_cast %reduce_sum3A_60 : vector<1024xf32> to vector<1x1024xf32>
    %select_n3A_62 = arith.select %eq3A_56, %max3A_48, %max3A_45 : vector<128x1024xi1>, vector<128x1024xf32>
    %reduce_max3A_63 = arith.constant dense<0xFF800000> : vector<1024xf32>
    %reduce_max3A_64 = vector.multi_reduction <maximumf>, %select_n3A_62, %reduce_max3A_63 [0] : vector<128x1024xf32> to vector<1024xf32>
    %broadcast_in_dim3A_65 = vector.shape_cast %reduce_max3A_64 : vector<1024xf32> to vector<1x1024xf32>
    %eq3A_66 = vector.broadcast %broadcast_in_dim3A_65 : vector<1x1024xf32> to vector<128x1024xf32>
    %eq3A_67 = arith.cmpf oeq, %select_n3A_62, %eq3A_66 : vector<128x1024xf32>
    %jit3A_68 = arith.constant 1.000000e+00 : f32
    %jit3A_69 = arith.constant 0.000000e+00 : f32
    %broadcast_in_dim3A_70 = vector.broadcast %jit3A_68 : f32 to vector<128x1024xf32>
    %broadcast_in_dim3A_71 = vector.broadcast %jit3A_69 : f32 to vector<128x1024xf32>
    %select_n3A_72 = arith.select %eq3A_67, %broadcast_in_dim3A_70, %broadcast_in_dim3A_71 : vector<128x1024xi1>, vector<128x1024xf32>
    %reduce_sum3A_73 = arith.constant dense<0.000000e+00> : vector<1024xf32>
    %reduce_sum3A_74 = vector.multi_reduction <add>, %select_n3A_72, %reduce_sum3A_73 [0] : vector<128x1024xf32> to vector<1024xf32>
    %broadcast_in_dim3A_75 = vector.shape_cast %reduce_sum3A_74 : vector<1024xf32> to vector<1x1024xf32>
    %select_n3A_76 = arith.select %eq3A_56, %max3A_53, %max3A_48 : vector<128x1024xi1>, vector<128x1024xf32>
    %select_n3A_77 = arith.select %eq3A_67, %select_n3A_76, %select_n3A_62 : vector<128x1024xi1>, vector<128x1024xf32>
    %reduce_max3A_78 = arith.constant dense<0xFF800000> : vector<1024xf32>
    %reduce_max3A_79 = vector.multi_reduction <maximumf>, %select_n3A_77, %reduce_max3A_78 [0] : vector<128x1024xf32> to vector<1024xf32>
    %broadcast_in_dim3A_80 = vector.shape_cast %reduce_max3A_79 : vector<1024xf32> to vector<1x1024xf32>
    %gt3A = arith.constant 1.000000e+00 : f32
    %gt3A_81 = vector.broadcast %gt3A : f32 to vector<1x1024xf32>
    %gt3A_82 = arith.cmpf ogt, %broadcast_in_dim3A_61, %gt3A_81 : vector<1x1024xf32>
    %select_n3A_83 = arith.select %gt3A_82, %broadcast_in_dim3A_55, %broadcast_in_dim3A_65 : vector<1x1024xi1>, vector<1x1024xf32>
    %gt3A_84 = arith.constant 2.000000e+00 : f32
    %gt3A_85 = vector.broadcast %gt3A_84 : f32 to vector<1x1024xf32>
    %gt3A_86 = arith.cmpf ogt, %broadcast_in_dim3A_61, %gt3A_85 : vector<1x1024xf32>
    %gt3A_87 = arith.constant 1.000000e+00 : f32
    %gt3A_88 = vector.broadcast %gt3A_87 : f32 to vector<1x1024xf32>
    %gt3A_89 = arith.cmpf ogt, %broadcast_in_dim3A_61, %gt3A_88 : vector<1x1024xf32>
    %gt3A_90 = arith.constant 1.000000e+00 : f32
    %gt3A_91 = vector.broadcast %gt3A_90 : f32 to vector<1x1024xf32>
    %gt3A_92 = arith.cmpf ogt, %broadcast_in_dim3A_75, %gt3A_91 : vector<1x1024xf32>
    %select_n3A_93 = arith.select %gt3A_92, %broadcast_in_dim3A_65, %broadcast_in_dim3A_80 : vector<1x1024xi1>, vector<1x1024xf32>
    %select_n3A_94 = arith.select %gt3A_89, %broadcast_in_dim3A_65, %select_n3A_93 : vector<1x1024xi1>, vector<1x1024xf32>
    %select_n3A_95 = arith.select %gt3A_86, %broadcast_in_dim3A_55, %select_n3A_94 : vector<1x1024xi1>, vector<1x1024xf32>
    %eq3A_96 = arith.cmpf oeq, %get3A_3, %broadcast_in_dim3A_55 : vector<1x1024xf32>
    %select_n3A_97 = arith.select %eq3A_96, %select_n3A_83, %broadcast_in_dim3A_55 : vector<1x1024xi1>, vector<1x1024xf32>
    %sub3A = arith.subf %get3A_3, %select_n3A_97 : vector<1x1024xf32>
    %sub3A_98 = arith.subf %broadcast_in_dim3A_55, %select_n3A_95 : vector<1x1024xf32>
    %add3A = arith.constant 9.99999996E-13 : f32
    %add3A_99 = vector.broadcast %add3A : f32 to vector<1x1024xf32>
    %add3A_100 = arith.addf %sub3A_98, %add3A_99 : vector<1x1024xf32>
    %div3A = arith.divf %sub3A, %add3A_100 : vector<1x1024xf32>
    %reduce_sum3A_101 = arith.constant dense<0.000000e+00> : vector<1xf32>
    %reduce_sum3A_102 = vector.multi_reduction <add>, %div3A, %reduce_sum3A_101 [1] : vector<1x1024xf32> to vector<1xf32>
    %broadcast_in_dim3A_103 = vector.shape_cast %reduce_sum3A_102 : vector<1xf32> to vector<1x1xf32>
    %swap3A = arith.constant 0 : index
    %swap3A_104 = arith.constant 0 : index
    %swap3A_105 = arith.constant 0 : index
    %swap3A_106 = vector.load %arg3[%swap3A, %swap3A_104, %swap3A_105] : memref<1x1x1xf32, #tpu.memory_space<vmem>>, vector<1x1x1xf32>
    %swap3A_107 = vector.shape_cast %swap3A_106 : vector<1x1x1xf32> to vector<1x1xf32>
    %swap3A_108 = vector.shape_cast %broadcast_in_dim3A_103 : vector<1x1xf32> to vector<1x1x1xf32>
    tpu.vector_store %arg3[%swap3A, %swap3A_104, %swap3A_105], %swap3A_108 {strides = array<i32>} : memref<1x1x1xf32, #tpu.memory_space<vmem>>, vector<1x1x1xf32>,
    return
  }
  func.func @transform_0(%arg0: i32) -> (i32, i32) {
    %c0_i32 = arith.constant 0 : i32
    %c0_i32_0 = arith.constant 0 : i32
    return %c0_i32, %arg0 : i32, i32
  }
  func.func @transform_1(%arg0: i32) -> (i32, i32, i32) {
    %c0_i32 = arith.constant 0 : i32
    %c0_i32_0 = arith.constant 0 : i32
    %c0_i32_1 = arith.constant 0 : i32
    return %arg0, %c0_i32, %c0_i32_0 : i32, i32, i32
  }
  func.func @transform_2(%arg0: i32) -> (i32, i32, i32) {
    %c0_i32 = arith.constant 0 : i32
    %c0_i32_0 = arith.constant 0 : i32
    %c0_i32_1 = arith.constant 0 : i32
    return %arg0, %c0_i32, %c0_i32_0 : i32, i32, i32
  }
}

</mosaic_0001>

<sc_bundles>
// kernel: kernel.4.cloned.1.call-start
scs
__scs_entry_jumppad:
0x0: {  	(pc) =	sbr.rel $0x88, $3  }
0x1: {  	(tag) =	ssettag $0x0;
	lr =	simm.s32 $0x1  }
0x2: {  	[smem:$0x3F9F] =	sst lr;
	_ =	strace $0xD0000000  }
0x3: {  	_ = 	snop  }
0x4: {  	_ = 	snop  }
0x5: {  	_ = 	snop  }
0x6: {  	_ = 	snop  }
0x7: {  	_ = 	snop  }
__scs_overlays_trampoline_lowered:
0x8: {  	[smem:$0x3FAE] =	sst s0  }
0x9: {  	[smem:$0x3FAF] =	sst s1  }
0xa: {  	[smem:$0x3FB0] =	sst s2  }
0xb: {  	[smem:$0x3FB1] =	sst s3  }
0xc: {  	[smem:$0x3FB2] =	sst s4  }
0xd: {  	[smem:$0x3FB3] =	sst s5  }
0xe: {  	[smem:$0x3FB4] =	sst s6  }
0xf: {  	[smem:$0x3FB5] =	sst s7  }
0x10: {  	[smem:$0x3FB6] =	sst s8  }
0x11: {  	[smem:$0x3FB7] =	sst s9;
	s0 =	simm.s32 @!p0 $0x0  }
0x12: {  	s1 =	sld [smem:$0x3F9D];
	s0 =	simm.s32 @p0 $0x1  }
0x13: {  	[smem:$0x3FB8] =	sst s0;
	s0 =	simm.s32 @!p1 $0x0  }
0x14: {  	s2 =	sld [smem:$0x3F9C];
	s0 =	simm.s32 @p1 $0x1  }
0x15: {  	[smem:$0x3FB9] =	sst s0;
	s0 =	simm.s32 @!p2 $0x0  }
0x16: {  	s3 =	sld [smem:$0x3FDB];
	s0 =	simm.s32 @p2 $0x1  }
0x17: {  	s4 =	simm.s32 $0x1BF5;
	[smem:$0x3FBB] =	sst s0  }
0x18: {  	s0 =	sld [smem:$0x3F9E];
	_ =	swait.ge [sflag:s4], $0x0  }
0x19: {  	s7 =	sld [smem:$0x3F9F]  }
0x1a: {  	s8 =	sadd.s32 $0xFFFFE003, lr  }
0x1b: {  	s9 =	sadd.s32 $0xFFFFFEF7, lr;
	s5 =	simm.s32 $0xFFFFFFFF;
	p2 =	slt.u32 s8, $0xFFFFF086  }
0x1c: {  	p1 =	slt.u32 s9, $0xF7A;
	s5 =	simm.s32 @!p2 $0x0  }
0x1d: {  	s5 =	simm.s32 @p1 $0x1;
	p0 =	seq.s32 s7, s2  }
0x1e: {  	s7 =	smul.u32 @!p0 $0xF7A, s2;
	p2 =	seq.s32 @!p0 s5, $0x0  }
0x1f: {  	s9 =	smul.u32 $0xF7A, s1;
	s8 =	simm.s32 @!p0 $0x1BF5;
	p2 =	por !p2, p0  }
0x20: {  	[sflag:s8] =	ssyncset.s32 @!p0 $0xFFFFF086;
	s6 =	sadd.s32 @!p0 s3, s7;
	s7 =	simm.s32 @!p0 $0x108  }
0x21: {  	s3 =	sadd.s32 s3, s9;
	s6 =	sadd.s32 @!p0 $0x88, s6;
	s7 =	simm.s32 @p2 $0x1082  }
0x22: {  	[simem:s7], [sflag:s8] =	dma.local @!p0 [hbm:s6], $0xF7A  }
0x23: {  	s9 =	sor.u32 $0xD0000000, s2;
	s6 =	simm.s32 $0x108;
	_ =	swait.ge @!p0 [sflag:s8], $0x0  }
0x24: {  	s3 =	sadd.s32 $0x88, s3;
	s6 =	simm.s32 @!p1 $0x1082;
	[sflag:s4] =	ssyncset.s32 $0xFFFFF086  }
0x25: {  	[simem:s6], [sflag:s4] =	dma.local [hbm:s3], $0xF7A  }
0x26: {  	[smem:$0x3F9F] =	sst s1;
	(tag) =	ssettag s2;
	_ =	strace s9  }
0x27: {  	s1 =	sld [smem:$0x3FAF]  }
0x28: {  	s2 =	sld [smem:$0x3FB0]  }
0x29: {  	s4 =	sld [smem:$0x3FB2]  }
0x2a: {  	p0 =	seq.s32 s5, $0x0;
	s5 =	sld [smem:$0x3FB3]  }
0x2b: {  	s6 =	sld [smem:$0x3FB4]  }
0x2c: {  	s7 =	sld [smem:$0x3FB5]  }
0x2d: {  	s3 =	simm.s32 $0x108;
	s8 =	sld [smem:$0x3FB6]  }
0x2e: {  	s3 =	simm.s32 @!p0 $0x1082;
	s9 =	sld [smem:$0x3FB7]  }
0x2f: {  	lr =	sadd.s32 s0, s3;
	s0 =	sld [smem:$0x3FAE]  }
0x30: {  	s3 =	sld [smem:$0x3FB1]  }
0x31: {  	[smem:$0x3FBA] =	sst s10  }
0x32: {  	s10 =	sld [smem:$0x3FB8];
	_ =	sdelay $0x3  }
0x33: {  	p0 =	seq.s32 s10, $0x1;
	s10 =	sld [smem:$0x3FBA];
	_ =	sdelay $0x3  }
0x34: {  	[smem:$0x3FBA] =	sst s10  }
0x35: {  	s10 =	sld [smem:$0x3FB9];
	_ =	sdelay $0x3  }
0x36: {  	p1 =	seq.s32 s10, $0x1;
	s10 =	sld [smem:$0x3FBA];
	_ =	sdelay $0x3  }
0x37: {  	[smem:$0x3FBA] =	sst s10  }
0x38: {  	s10 =	sld [smem:$0x3FBB]  }
0x39: {  	_ = 	snop;
	(pc) =	sbr.ind lr, $3  }
0x3a: {  	_ = 	snop  }
0x3b: {  	_ = 	snop  }
0x3c: {  	p2 =	seq.s32 s10, $0x1;
	s10 =	sld [smem:$0x3FBA]  }
0x3d: {  	_ =	shalt  }
0x3e: {  	_ =	shalt  }
0x3f: {  	_ =	shalt  }
0x40: {  	_ =	shalt  }
0x41: {  	_ =	shalt  }
0x42: {  	_ =	shalt  }
0x43: {  	_ =	shalt  }
0x44: {  	_ =	shalt  }
0x45: {  	_ =	shalt  }
0x46: {  	_ =	shalt  }
0x47: {  	_ =	shalt  }
0x48: {  	_ =	shalt  }
0x49: {  	_ =	shalt  }
0x4a: {  	_ =	shalt  }
0x4b: {  	_ =	shalt  }
0x4c: {  	_ =	shalt  }
0x4d: {  	_ =	shalt  }
0x4e: {  	_ =	shalt  }
0x4f: {  	_ =	shalt  }
0x50: {  	_ =	shalt  }
0x51: {  	_ =	shalt  }
0x52: {  	_ =	shalt  }
0x53: {  	_ =	shalt  }
0x54: {  	_ =	shalt  }
0x55: {  	_ =	shalt  }
0x56: {  	_ =	shalt  }
0x57: {  	_ =	shalt  }
0x58: {  	_ =	shalt  }
0x59: {  	_ =	shalt  }
0x5a: {  	_ =	shalt  }
0x5b: {  	_ =	shalt  }
0x5c: {  	_ =	shalt  }
0x5d: {  	_ =	shalt  }
0x5e: {  	_ =	shalt  }
0x5f: {  	_ =	shalt  }
0x60: {  	_ =	shalt  }
0x61: {  	_ =	shalt  }
0x62: {  	_ =	shalt  }
0x63: {  	_ =	shalt  }
0x64: {  	_ =	shalt  }
0x65: {  	_ =	shalt  }
0x66: {  	_ =	shalt  }
0x67: {  	_ =	shalt  }
0x68: {  	_ =	shalt  }
0x69: {  	_ =	shalt  }
0x6a: {  	_ =	shalt  }
0x6b: {  	_ =	shalt  }
0x6c: {  	_ =	shalt  }
0x6d: {  	_ =	shalt  }
0x6e: {  	_ =	shalt  }
0x6f: {  	_ =	shalt  }
0x70: {  	_ =	shalt  }
0x71: {  	_ =	shalt  }
0x72: {  	_ =	shalt  }
0x73: {  	_ =	shalt  }
0x74: {  	_ =	shalt  }
0x75: {  	_ =	shalt  }
0x76: {  	_ =	shalt  }
0x77: {  	_ =	shalt  }
0x78: {  	_ =	shalt  }
0x79: {  	_ =	shalt  }
0x7a: {  	_ =	shalt  }
0x7b: {  	_ =	shalt  }
0x7c: {  	_ =	shalt  }
0x7d: {  	_ =	shalt  }
0x7e: {  	_ =	shalt  }
0x7f: {  	_ =	shalt  }
0x80: {  	_ =	shalt  }
0x81: {  	_ =	shalt  }
0x82: {  	_ =	shalt  }
0x83: {  	_ =	shalt  }
0x84: {  	_ =	shalt  }
0x85: {  	_ =	shalt  }
0x86: {  	_ =	shalt  }
0x87: {  	_ =	shalt  }
.Lfunc_end0:
.L_simem_size_0:
called_computation_lowered:
.L_overlay_start_0:
0x88: {  	s2 =	sld [smem:$0x3FD9]  }
0x89: {  	s3 =	sld [smem:$0x3FFE];
	_ =	sdelay $0x1  }
0x8a: {  	s1 =	srdreg.scid  }
0x8b: {  	s0 =	sand.u32 $0x1, s1  }
0x8c: {  	s17 =	sshll.u32 s0, $0xA;
	s2 =	sadd.s32 s3, s2  }
0x8d: {  	s2 =	sadd.s32 s2, s17  }
0x8e: {  	[smem:$0x3FC6] =	sst s2  }
0x8f: {  	_ = 	snop  }
0x90: {  	s2 =	sld [smem:$0x3FC9]  }
0x91: {  	s18 =	sld [smem:$0x3FC8];
	(tm) =	ssettm $0x1  }
0x92: {  	s4 =	sld [smem:$0x3FFB];
	_ =	sdelay $0x3  }
0x93: {  	_ =	strace s4  }
0x94: {  	s4 =	sld [smem:$0x3FFC];
	_ =	sdelay $0x3  }
0x95: {  	_ =	strace s4  }
0x96: {  	s4 =	sld [smem:$0x3FFD];
	_ =	sdelay $0x3  }
0x97: {  	_ =	strace s4  }
0x98: {  	_ =	strace $0x8FFFFFFF  }
0x99: {  	s19 =	sld [smem:$0x3FDB];
	_ =	sdelay $0x1  }
0x9a: {  	s5 =	simm.s32 $_scs_section_size  }
0x9b: {  	s6 =	simm.s32 $_size__tile_overlayer_lowered;
	s7 =	simm.s32 $_tile_overlayer_lowered  }
0x9c: {  	s22 =	simm.s32 $0x1BFF;
	s21 =	sshll.u32 s7, $0x1;
	s4 =	sadd.s32 s5, s19  }
0x9d: {  	s8 =	simm.s32 $0x0;
	s20 =	sshll.u32 s6, $0x1;
	s6 =	sadd.s32 s21, s4  }
0x9e: {  	[timem:s8], [sflag:s22] =	dma.local [hbm:s6], s20  }
0x9f: {  	_ =	swait.ge [sflag:s22], s20  }
0xa0: {  	s5 =	ssub.s32 $0x0, s20;
	[sflag:s22] =	ssyncset.done $0x0  }
0xa1: {  	[sflag:s22] =	ssyncadd.s32 s5;
	_ =	sdelay $0x1  }
0xa2: {  	s23 =	simm.s32 $0x1B8B  }
0xa3: {  	_ =	swait.ge [sflag:s23], $0x1  }
0xa4: {  	[sflag:s23] =	ssyncset.done $0x0  }
0xa5: {  	s25 =	simm.s32 $0x1B8E;
	s24 =	sld [smem:$0x3FFE];
	[sflag:s23] =	ssyncadd.s32 $0xFFFFFFFF  }
0xa6: {  	s26 =	simm.s32 $execute0_lowered;
	[smem:$0x3FD2] =	sst s25  }
0xa7: {  	s6 =	sshll.u32 s26, $0x1;
	_ =	strace $0x80000046;
	[dreg:$0x1] =	wrdreg $0xFFFFFFFF  }
0xa8: {  	s28 =	simm.s32 $_size_execute0_lowered;
	s4 =	sadd.s32 s4, s6;
	[dreg:$0x0] =	wrdreg $0x0  }
0xa9: {  	s6 =	sshll.u32 s28, $0x1;
	[dreg:$0x2] =	wrdreg s4  }
0xaa: {  	[dreg:$0x3] =	wrdreg s6  }
0xab: {  	[dreg:$0x4] =	wrdreg $0xC0  }
0xac: {  	_ =	task [dreg:s8], $0x5FFFF  }
0xad: {  	[dreg:$0x1] =	wrdreg $0xFFFFFFFF  }
0xae: {  	[dreg:$0x0] =	wrdreg $0x60  }
0xaf: {  	[dreg:$0x2] =	wrdreg s2  }
0xb0: {  	[dreg:$0x3] =	wrdreg s18  }
0xb1: {  	[dreg:$0x4] =	wrdreg s24  }
0xb2: {  	[dreg:$0x5] =	wrdreg $0x9  }
0xb3: {  	_ =	task.clear_ibuf [dreg:s8], $0x6FFFF;
	_ =	strace $0x90000046  }
0xb4: {  	s29 =	simm.s32 $0x9;
	_ =	strace $0x80000048  }
0xb5: {  	_ =	swait.ge [sflag:s29], $0x1  }
0xb6: {  	[sflag:s29] =	ssyncadd.s32 $0xFFFFFFFF  }
0xb7: {  	_ =	strace $0x90000048  }
0xb8: {  	_ =	sfence  }
0xb9: {  	s30 =	sld [smem:$0x0];
	_ =	sdelay $0x2  }
0xba: {  	s31 =	sshll.u32 s1, $0xD;
	s1 =	sshrl.u32 s1, $0x2  }
0xbb: {  	s3 =	sand.u32 $0x4000, s31;
	s1 =	sadd.s32 s1, s30  }
0xbc: {  	s0 =	sor.u32 s3, s0;
	s1 =	sshll.u32 s1, $0x11  }
0xbd: {  	s0 =	sor.u32 s1, s0  }
0xbe: {  	s0 =	sadd.s32 $0x8F2B, s0  }
0xbf: {  	[sflag:s0] =	ssyncadd.remote.s32 $0x1  }
0xc0: {  	_ =	sfence.sel $0xFFFF  }
0xc1: {  	[dreg:$0x0] =	wrdreg $0xFFFFFFFF;
	(pc) =	sbr.abs _section_cstart, $3  }
0xc2: {  	[dreg:$0x1] =	wrdreg $0xFFFFFFFF  }
0xc3: {  	_ =	task.clear_ibuf [dreg:s8], $0x2FFFF;
	_ =	strace $0x9FFFFFFF  }
0xc4: {  	(tm) =	ssettm $0x7FFFFFFF  }
0xc5: {  	_ =	shalt  }
tec
execute0_lowered:
.L_overlay_start_1:
0x0: {  	(tag) =	ssettag $0x1  }
0x1: {  	s1 =	rddreg [dreg:$0x0]  }
0x2: {  	s2 =	srdreg.scid;
	s5 =	rddreg [dreg:$0x1]  }
0x3: {  	s6 =	rddreg [dreg:$0x2];
	s4 =	sand.u32 $0x1, s2;
	s2 =	simm.s32 $0x0  }
0x4: {  	s9 =	simm.s32 $0x280;
	[smem:$0x7FF] =	sst s2  }
0x5: {  	s10 =	simm.s32 $0x300;
	_ =	strace $0x80000047;
	[dreg:$0x6] =	wrdreg s9  }
0x6: {  	s11 =	simm.s32 $0x380;
	[dreg:$0x7] =	wrdreg s10  }
0x7: {  	s12 =	simm.s32 $0x400;
	[dreg:$0x8] =	wrdreg s11  }
0x8: {  	s13 =	simm.s32 $0x480;
	[dreg:$0x9] =	wrdreg s12  }
0x9: {  	s14 =	simm.s32 $0x500;
	[dreg:$0xa] =	wrdreg s13  }
0xa: {  	s15 =	simm.s32 $0x580;
	[dreg:$0xb] =	wrdreg s14  }
0xb: {  	s16 =	simm.s32 $0x600;
	[dreg:$0xc] =	wrdreg s15  }
0xc: {  	s17 =	simm.s32 $0x680;
	[dreg:$0xd] =	wrdreg s16  }
0xd: {  	s18 =	simm.s32 $0x700;
	[dreg:$0xe] =	wrdreg s17  }
0xe: {  	s19 =	simm.s32 $0x780;
	[dreg:$0xf] =	wrdreg s18  }
0xf: {  	s20 =	simm.s32 $0x800;
	[dreg:$0x10] =	wrdreg s19  }
0x10: {  	s21 =	simm.s32 $0x880;
	[dreg:$0x11] =	wrdreg s20  }
0x11: {  	s22 =	simm.s32 $0x900;
	[dreg:$0x12] =	wrdreg s21  }
0x12: {  	s23 =	simm.s32 $0x980;
	[dreg:$0x13] =	wrdreg s22  }
0x13: {  	s24 =	simm.s32 $0xA00;
	[dreg:$0x14] =	wrdreg s23  }
0x14: {  	s25 =	simm.s32 $0xA80;
	[dreg:$0x15] =	wrdreg s24  }
0x15: {  	s0 =	stileid.u32;
	s26 =	simm.s32 $0xB00;
	[dreg:$0x16] =	wrdreg s25  }
0x16: {  	s3 =	sshll.u32 s0, $0xA;
	s0 =	simm.s32 $0xB80;
	[dreg:$0x17] =	wrdreg s26  }
0x17: {  	[dreg:$0x18] =	wrdreg s0;
	s9 =	simm.s32 $0xD80  }
0x18: {  	s10 =	simm.s32 $0xE00;
	[dreg:$0x1c] =	wrdreg s9  }
0x19: {  	s11 =	simm.s32 $0xE80;
	[dreg:$0x1d] =	wrdreg s10  }
0x1a: {  	s12 =	simm.s32 $0xF00;
	[dreg:$0x1e] =	wrdreg s11  }
0x1b: {  	s13 =	simm.s32 $0xF80;
	[dreg:$0x1f] =	wrdreg s12  }
0x1c: {  	s14 =	simm.s32 $0x1000;
	[smem:$0x62D] =	sst s13  }
0x1d: {  	s15 =	simm.s32 $0x1080;
	[smem:$0x62E] =	sst s14  }
0x1e: {  	s16 =	simm.s32 $0x1100;
	[smem:$0x62F] =	sst s15  }
0x1f: {  	s17 =	simm.s32 $0x1180;
	[smem:$0x630] =	sst s16  }
0x20: {  	s18 =	simm.s32 $0x1200;
	[smem:$0x631] =	sst s17  }
0x21: {  	s19 =	simm.s32 $0x1280;
	[smem:$0x632] =	sst s18  }
0x22: {  	s20 =	simm.s32 $0x1300;
	[smem:$0x633] =	sst s19  }
0x23: {  	s21 =	simm.s32 $0x1380;
	[smem:$0x634] =	sst s20  }
0x24: {  	s22 =	simm.s32 $0x1400;
	[smem:$0x635] =	sst s21  }
0x25: {  	s23 =	simm.s32 $0x1480;
	[smem:$0x636] =	sst s22  }
0x26: {  	s24 =	simm.s32 $0x1500;
	[smem:$0x637] =	sst s23  }
0x27: {  	s25 =	simm.s32 $0x1580;
	[smem:$0x638] =	sst s24  }
0x28: {  	s26 =	simm.s32 $0x1600;
	[smem:$0x639] =	sst s25  }
0x29: {  	s0 =	simm.s32 $0x1680;
	[smem:$0x63A] =	sst s26  }
0x2a: {  	[smem:$0x63B] =	sst s0;
	s9 =	simm.s32 $0x1880  }
0x2b: {  	s10 =	simm.s32 $0x1900;
	[smem:$0x63F] =	sst s9  }
0x2c: {  	s11 =	simm.s32 $0x1980;
	[smem:$0x640] =	sst s10  }
0x2d: {  	s12 =	simm.s32 $0x1A00;
	[smem:$0x641] =	sst s11  }
0x2e: {  	s13 =	simm.s32 $0x1A80;
	[smem:$0x642] =	sst s12  }
0x2f: {  	s14 =	simm.s32 $0x1B00;
	[smem:$0x643] =	sst s13  }
0x30: {  	s15 =	simm.s32 $0x1B80;
	[smem:$0x644] =	sst s14  }
0x31: {  	s16 =	simm.s32 $0x1C00;
	[smem:$0x645] =	sst s15  }
0x32: {  	s17 =	simm.s32 $0x1C80;
	[smem:$0x646] =	sst s16  }
0x33: {  	s18 =	simm.s32 $0x1D00;
	[smem:$0x647] =	sst s17  }
0x34: {  	s19 =	simm.s32 $0x1D80;
	[smem:$0x648] =	sst s18  }
0x35: {  	s20 =	simm.s32 $0x1E00;
	[smem:$0x649] =	sst s19  }
0x36: {  	s21 =	simm.s32 $0x1E80;
	[smem:$0x64A] =	sst s20  }
0x37: {  	s22 =	simm.s32 $0x1F00;
	[smem:$0x64B] =	sst s21  }
0x38: {  	s23 =	simm.s32 $0x1F80;
	[smem:$0x64C] =	sst s22  }
0x39: {  	s24 =	simm.s32 $0x2000;
	[smem:$0x64D] =	sst s23  }
0x3a: {  	s7 =	sshll.u32 s4, $0x9;
	s25 =	simm.s32 $0x2080;
	[smem:$0x64E] =	sst s24  }
0x3b: {  	s3 =	sor.u32 s7, s3;
	s26 =	simm.s32 $0x2100;
	[smem:$0x64F] =	sst s25  }
0x3c: {  	s7 =	sshrl.u32 s3, $0x3;
	s0 =	simm.s32 $0x2180;
	[smem:$0x650] =	sst s26  }
0x3d: {  	s5 =	sadd.s32 s5, s7;
	[smem:$0x651] =	sst s0  }
0x3e: {  	s6 =	sadd.s32 s7, s6;
	s7 =	simm.s32 $0xC80;
	[dreg:$0x4] =	wrdreg s5  }
0x3f: {  	s9 =	simm.s32 $0x2380;
	[dreg:$0x1a] =	wrdreg s7  }
0x40: {  	s10 =	simm.s32 $0x2400;
	[smem:$0x655] =	sst s9  }
0x41: {  	s11 =	simm.s32 $0x2480;
	[smem:$0x656] =	sst s10  }
0x42: {  	s12 =	simm.s32 $0x2500;
	[smem:$0x657] =	sst s11  }
0x43: {  	s13 =	simm.s32 $0x2580;
	[smem:$0x658] =	sst s12  }
0x44: {  	s14 =	simm.s32 $0x2600;
	[smem:$0x659] =	sst s13  }
0x45: {  	s15 =	simm.s32 $0x2680;
	[smem:$0x65A] =	sst s14  }
0x46: {  	s16 =	simm.s32 $0x2700;
	[smem:$0x65B] =	sst s15  }
0x47: {  	s17 =	simm.s32 $0x2780;
	[smem:$0x65C] =	sst s16  }
0x48: {  	s18 =	simm.s32 $0x2800;
	[smem:$0x65D] =	sst s17  }
0x49: {  	s19 =	simm.s32 $0x2880;
	[smem:$0x65E] =	sst s18  }
0x4a: {  	s20 =	simm.s32 $0x2900;
	[smem:$0x65F] =	sst s19  }
0x4b: {  	s21 =	simm.s32 $0x2980;
	[smem:$0x660] =	sst s20  }
0x4c: {  	s22 =	simm.s32 $0x2A00;
	[smem:$0x661] =	sst s21  }
0x4d: {  	s23 =	simm.s32 $0x2A80;
	[smem:$0x662] =	sst s22  }
0x4e: {  	s24 =	simm.s32 $0x2B00;
	[smem:$0x663] =	sst s23  }
0x4f: {  	s25 =	simm.s32 $0x2B80;
	[smem:$0x664] =	sst s24  }
0x50: {  	s26 =	simm.s32 $0x2C00;
	[smem:$0x665] =	sst s25  }
0x51: {  	s0 =	simm.s32 $0x2C80;
	[smem:$0x666] =	sst s26  }
0x52: {  	s8 =	sadd.s32 $0x200, s6;
	[smem:$0x667] =	sst s0  }
0x53: {  	s6 =	simm.s32 $0xC00;
	[dreg:$0x5] =	wrdreg s8  }
0x54: {  	s7 =	simm.s32 $0x1780;
	[dreg:$0x19] =	wrdreg s6  }
0x55: {  	s9 =	simm.s32 $0x2E80;
	[smem:$0x63D] =	sst s7  }
0x56: {  	s10 =	simm.s32 $0x2F00;
	[smem:$0x66B] =	sst s9  }
0x57: {  	s11 =	simm.s32 $0x2F80;
	[smem:$0x66C] =	sst s10  }
0x58: {  	s12 =	simm.s32 $0x3000;
	[smem:$0x66D] =	sst s11  }
0x59: {  	s13 =	simm.s32 $0x3080;
	[smem:$0x66E] =	sst s12  }
0x5a: {  	s14 =	simm.s32 $0x3100;
	[smem:$0x66F] =	sst s13  }
0x5b: {  	s15 =	simm.s32 $0x3180;
	[smem:$0x670] =	sst s14  }
0x5c: {  	s16 =	simm.s32 $0x3200;
	[smem:$0x671] =	sst s15  }
0x5d: {  	s17 =	simm.s32 $0x3280;
	[smem:$0x672] =	sst s16  }
0x5e: {  	s18 =	simm.s32 $0x3300;
	[smem:$0x673] =	sst s17  }
0x5f: {  	s19 =	simm.s32 $0x3380;
	[smem:$0x674] =	sst s18  }
0x60: {  	s20 =	simm.s32 $0x3400;
	[smem:$0x675] =	sst s19  }
0x61: {  	s21 =	simm.s32 $0x3480;
	[smem:$0x676] =	sst s20  }
0x62: {  	s22 =	simm.s32 $0x3500;
	[smem:$0x677] =	sst s21  }
0x63: {  	s23 =	simm.s32 $0x3580;
	[smem:$0x678] =	sst s22  }
0x64: {  	s24 =	simm.s32 $0x3600;
	[smem:$0x679] =	sst s23  }
0x65: {  	s25 =	simm.s32 $0x3680;
	[smem:$0x67A] =	sst s24  }
0x66: {  	s26 =	simm.s32 $0x3700;
	[smem:$0x67B] =	sst s25  }
0x67: {  	s0 =	simm.s32 $0x3780;
	[smem:$0x67C] =	sst s26  }
0x68: {  	s8 =	simm.s32 $0xD00;
	[smem:$0x67D] =	sst s0  }
0x69: {  	s6 =	simm.s32 $0x1700;
	[dreg:$0x1b] =	wrdreg s8  }
0x6a: {  	s7 =	simm.s32 $0x2280;
	[smem:$0x63C] =	sst s6  }
0x6b: {  	s9 =	simm.s32 $0x3980;
	[smem:$0x653] =	sst s7  }
0x6c: {  	s10 =	simm.s32 $0x3A00;
	[smem:$0x681] =	sst s9  }
0x6d: {  	s11 =	simm.s32 $0x3A80;
	[smem:$0x682] =	sst s10  }
0x6e: {  	s12 =	simm.s32 $0x3B00;
	[smem:$0x683] =	sst s11  }
0x6f: {  	s13 =	simm.s32 $0x3B80;
	[smem:$0x684] =	sst s12  }
0x70: {  	s14 =	simm.s32 $0x3C00;
	[smem:$0x685] =	sst s13  }
0x71: {  	s15 =	simm.s32 $0x3C80;
	[smem:$0x686] =	sst s14  }
0x72: {  	s16 =	simm.s32 $0x3D00;
	[smem:$0x687] =	sst s15  }
0x73: {  	s17 =	simm.s32 $0x3D80;
	[smem:$0x688] =	sst s16  }
0x74: {  	s18 =	simm.s32 $0x3E00;
	[smem:$0x689] =	sst s17  }
0x75: {  	s19 =	simm.s32 $0x3E80;
	[smem:$0x68A] =	sst s18  }
0x76: {  	s20 =	simm.s32 $0x3F00;
	[smem:$0x68B] =	sst s19  }
0x77: {  	s21 =	simm.s32 $0x3F80;
	[smem:$0x68C] =	sst s20  }
0x78: {  	s22 =	simm.s32 $0x4000;
	[smem:$0x68D] =	sst s21  }
0x79: {  	s23 =	simm.s32 $0x4080;
	[smem:$0x68E] =	sst s22  }
0x7a: {  	s24 =	simm.s32 $0x4100;
	[smem:$0x68F] =	sst s23  }
0x7b: {  	s25 =	simm.s32 $0x4180;
	[smem:$0x690] =	sst s24  }
0x7c: {  	s26 =	simm.s32 $0x4280;
	[smem:$0x691] =	sst s25  }
0x7d: {  	s0 =	simm.s32 $0x4300;
	[smem:$0x692] =	sst s26  }
0x7e: {  	s8 =	simm.s32 $0x1800;
	[smem:$0x693] =	sst s0  }
0x7f: {  	s6 =	simm.s32 $0x2200;
	[smem:$0x63E] =	sst s8  }
0x80: {  	s7 =	simm.s32 $0x2D80;
	[smem:$0x652] =	sst s6  }
0x81: {  	s9 =	simm.s32 $0x4500;
	[smem:$0x669] =	sst s7  }
0x82: {  	s10 =	simm.s32 $0x4580;
	[smem:$0x697] =	sst s9  }
0x83: {  	s11 =	simm.s32 $0x4600;
	[smem:$0x698] =	sst s10  }
0x84: {  	s12 =	simm.s32 $0x4680;
	[smem:$0x699] =	sst s11  }
0x85: {  	s13 =	simm.s32 $0x4700;
	[smem:$0x69A] =	sst s12  }
0x86: {  	s14 =	simm.s32 $0x4780;
	[smem:$0x69B] =	sst s13  }
0x87: {  	s15 =	simm.s32 $0x4800;
	[smem:$0x69C] =	sst s14  }
0x88: {  	s16 =	simm.s32 $0x4880;
	[smem:$0x69D] =	sst s15  }
0x89: {  	s17 =	simm.s32 $0x4900;
	[smem:$0x69E] =	sst s16  }
0x8a: {  	s18 =	simm.s32 $0x4980;
	[smem:$0x69F] =	sst s17  }
0x8b: {  	s19 =	simm.s32 $0x4A00;
	[smem:$0x6A0] =	sst s18  }
0x8c: {  	s20 =	simm.s32 $0x4A80;
	[smem:$0x6A1] =	sst s19  }
0x8d: {  	s21 =	simm.s32 $0x4B00;
	[smem:$0x6A2] =	sst s20  }
0x8e: {  	s22 =	simm.s32 $0x4B80;
	[smem:$0x6A3] =	sst s21  }
0x8f: {  	s23 =	simm.s32 $0x4C00;
	[smem:$0x6A4] =	sst s22  }
0x90: {  	s24 =	simm.s32 $0x4C80;
	[smem:$0x6A5] =	sst s23  }
0x91: {  	s25 =	simm.s32 $0x4D00;
	[smem:$0x6A6] =	sst s24  }
0x92: {  	s26 =	simm.s32 $0x4D80;
	[smem:$0x6A7] =	sst s25  }
0x93: {  	s0 =	simm.s32 $0x4E00;
	[smem:$0x6A8] =	sst s26  }
0x94: {  	s8 =	simm.s32 $0x2300;
	[smem:$0x6A9] =	sst s0  }
0x95: {  	s6 =	simm.s32 $0x2D00;
	[smem:$0x654] =	sst s8  }
0x96: {  	s7 =	simm.s32 $0x3880;
	[smem:$0x668] =	sst s6  }
0x97: {  	s9 =	simm.s32 $0x5000;
	[smem:$0x67F] =	sst s7  }
0x98: {  	s10 =	simm.s32 $0x5080;
	[smem:$0x6AD] =	sst s9  }
0x99: {  	s11 =	simm.s32 $0x5100;
	[smem:$0x6AE] =	sst s10  }
0x9a: {  	s12 =	simm.s32 $0x5180;
	[smem:$0x6AF] =	sst s11  }
0x9b: {  	s13 =	simm.s32 $0x5200;
	[smem:$0x6B0] =	sst s12  }
0x9c: {  	s14 =	simm.s32 $0x5280;
	[smem:$0x6B1] =	sst s13  }
0x9d: {  	s15 =	simm.s32 $0x5300;
	[smem:$0x6B2] =	sst s14  }
0x9e: {  	s16 =	simm.s32 $0x5380;
	[smem:$0x6B3] =	sst s15  }
0x9f: {  	s17 =	simm.s32 $0x5400;
	[smem:$0x6B4] =	sst s16  }
0xa0: {  	s18 =	simm.s32 $0x5480;
	[smem:$0x6B5] =	sst s17  }
0xa1: {  	s19 =	simm.s32 $0x5500;
	[smem:$0x6B6] =	sst s18  }
0xa2: {  	s20 =	simm.s32 $0x5580;
	[smem:$0x6B7] =	sst s19  }
0xa3: {  	s21 =	simm.s32 $0x5600;
	[smem:$0x6B8] =	sst s20  }
0xa4: {  	s22 =	simm.s32 $0x5680;
	[smem:$0x6B9] =	sst s21  }
0xa5: {  	s23 =	simm.s32 $0x5700;
	[smem:$0x6BA] =	sst s22  }
0xa6: {  	s24 =	simm.s32 $0x5780;
	[smem:$0x6BB] =	sst s23  }
0xa7: {  	s25 =	simm.s32 $0x5800;
	[smem:$0x6BC] =	sst s24  }
0xa8: {  	s26 =	simm.s32 $0x5880;
	[smem:$0x6BD] =	sst s25  }
0xa9: {  	s0 =	simm.s32 $0x5900;
	[smem:$0x6BE] =	sst s26  }
0xaa: {  	s8 =	simm.s32 $0x2E00;
	[smem:$0x6BF] =	sst s0  }
0xab: {  	s6 =	simm.s32 $0x3800;
	[smem:$0x66A] =	sst s8  }
0xac: {  	s7 =	simm.s32 $0x4400;
	[smem:$0x67E] =	sst s6  }
0xad: {  	s9 =	simm.s32 $0x5B00;
	[smem:$0x695] =	sst s7  }
0xae: {  	s10 =	simm.s32 $0x5B80;
	[smem:$0x6C3] =	sst s9  }
0xaf: {  	s11 =	simm.s32 $0x5C00;
	[smem:$0x6C4] =	sst s10  }
0xb0: {  	s12 =	simm.s32 $0x5C80;
	[smem:$0x6C5] =	sst s11  }
0xb1: {  	s13 =	simm.s32 $0x5D00;
	[smem:$0x6C6] =	sst s12  }
0xb2: {  	s14 =	simm.s32 $0x5D80;
	[smem:$0x6C7] =	sst s13  }
0xb3: {  	s15 =	simm.s32 $0x5E00;
	[smem:$0x6C8] =	sst s14  }
0xb4: {  	s16 =	simm.s32 $0x5E80;
	[smem:$0x6C9] =	sst s15  }
0xb5: {  	s17 =	simm.s32 $0x5F00;
	[smem:$0x6CA] =	sst s16  }
0xb6: {  	s18 =	simm.s32 $0x5F80;
	[smem:$0x6CB] =	sst s17  }
0xb7: {  	s19 =	simm.s32 $0x6000;
	[smem:$0x6CC] =	sst s18  }
0xb8: {  	s20 =	simm.s32 $0x6080;
	[smem:$0x6CD] =	sst s19  }
0xb9: {  	s21 =	simm.s32 $0x6100;
	[smem:$0x6CE] =	sst s20  }
0xba: {  	s22 =	simm.s32 $0x6180;
	[smem:$0x6CF] =	sst s21  }
0xbb: {  	s23 =	simm.s32 $0x6200;
	[smem:$0x6D0] =	sst s22  }
0xbc: {  	s24 =	simm.s32 $0x6280;
	[smem:$0x6D1] =	sst s23  }
0xbd: {  	s25 =	simm.s32 $0x6300;
	[smem:$0x6D2] =	sst s24  }
0xbe: {  	s26 =	simm.s32 $0x6380;
	[smem:$0x6D3] =	sst s25  }
0xbf: {  	s0 =	simm.s32 $0x6400;
	[smem:$0x6D4] =	sst s26  }
0xc0: {  	s8 =	simm.s32 $0x3900;
	[smem:$0x6D5] =	sst s0  }
0xc1: {  	s6 =	simm.s32 $0x4380;
	[smem:$0x680] =	sst s8  }
0xc2: {  	s7 =	simm.s32 $0x4F00;
	[smem:$0x694] =	sst s6  }
0xc3: {  	s9 =	simm.s32 $0x6600;
	[smem:$0x6AB] =	sst s7  }
0xc4: {  	s10 =	simm.s32 $0x6680;
	[smem:$0x6D9] =	sst s9  }
0xc5: {  	s11 =	simm.s32 $0x6700;
	[smem:$0x6DA] =	sst s10  }
0xc6: {  	s12 =	simm.s32 $0x6780;
	[smem:$0x6DB] =	sst s11  }
0xc7: {  	s13 =	simm.s32 $0x6800;
	[smem:$0x6DC] =	sst s12  }
0xc8: {  	s14 =	simm.s32 $0x6880;
	[smem:$0x6DD] =	sst s13  }
0xc9: {  	s15 =	simm.s32 $0x6900;
	[smem:$0x6DE] =	sst s14  }
0xca: {  	s16 =	simm.s32 $0x6980;
	[smem:$0x6DF] =	sst s15  }
0xcb: {  	s17 =	simm.s32 $0x6A00;
	[smem:$0x6E0] =	sst s16  }
0xcc: {  	s18 =	simm.s32 $0x6A80;
	[smem:$0x6E1] =	sst s17  }
0xcd: {  	s19 =	simm.s32 $0x6B00;
	[smem:$0x6E2] =	sst s18  }
0xce: {  	s20 =	simm.s32 $0x6B80;
	[smem:$0x6E3] =	sst s19  }
0xcf: {  	s21 =	simm.s32 $0x6C00;
	[smem:$0x6E4] =	sst s20  }
0xd0: {  	s22 =	simm.s32 $0x6C80;
	[smem:$0x6E5] =	sst s21  }
0xd1: {  	s23 =	simm.s32 $0x6D00;
	[smem:$0x6E6] =	sst s22  }
0xd2: {  	s24 =	simm.s32 $0x6D80;
	[smem:$0x6E7] =	sst s23  }
0xd3: {  	s25 =	simm.s32 $0x6E00;
	[smem:$0x6E8] =	sst s24  }
0xd4: {  	s26 =	simm.s32 $0x6E80;
	[smem:$0x6E9] =	sst s25  }
0xd5: {  	s0 =	simm.s32 $0x6F00;
	[smem:$0x6EA] =	sst s26  }
0xd6: {  	s8 =	simm.s32 $0x4480;
	[smem:$0x6EB] =	sst s0  }
0xd7: {  	s6 =	simm.s32 $0x4E80;
	[smem:$0x696] =	sst s8  }
0xd8: {  	s7 =	simm.s32 $0x5A00;
	[smem:$0x6AA] =	sst s6  }
0xd9: {  	s9 =	simm.s32 $0x7100;
	[smem:$0x6C1] =	sst s7  }
0xda: {  	s10 =	simm.s32 $0x7180;
	[smem:$0x6EF] =	sst s9  }
0xdb: {  	s11 =	simm.s32 $0x7200;
	[smem:$0x6F0] =	sst s10  }
0xdc: {  	s12 =	simm.s32 $0x7280;
	[smem:$0x6F1] =	sst s11  }
0xdd: {  	s13 =	simm.s32 $0x7300;
	[smem:$0x6F2] =	sst s12  }
0xde: {  	s14 =	simm.s32 $0x7380;
	[smem:$0x6F3] =	sst s13  }
0xdf: {  	s15 =	simm.s32 $0x7400;
	[smem:$0x6F4] =	sst s14  }
0xe0: {  	s16 =	simm.s32 $0x7480;
	[smem:$0x6F5] =	sst s15  }
0xe1: {  	s17 =	simm.s32 $0x7500;
	[smem:$0x6F6] =	sst s16  }
0xe2: {  	s18 =	simm.s32 $0x7580;
	[smem:$0x6F7] =	sst s17  }
0xe3: {  	s19 =	simm.s32 $0x7600;
	[smem:$0x6F8] =	sst s18  }
0xe4: {  	s20 =	simm.s32 $0x7680;
	[smem:$0x6F9] =	sst s19  }
0xe5: {  	s21 =	simm.s32 $0x7700;
	[smem:$0x6FA] =	sst s20  }
0xe6: {  	s22 =	simm.s32 $0x7780;
	[smem:$0x6FB] =	sst s21  }
0xe7: {  	s23 =	simm.s32 $0x7800;
	[smem:$0x6FC] =	sst s22  }
0xe8: {  	s24 =	simm.s32 $0x7880;
	[smem:$0x6FD] =	sst s23  }
0xe9: {  	s25 =	simm.s32 $0x7900;
	[smem:$0x6FE] =	sst s24  }
0xea: {  	s26 =	simm.s32 $0x7980;
	[smem:$0x6FF] =	sst s25  }
0xeb: {  	s0 =	simm.s32 $0x7A00;
	[smem:$0x700] =	sst s26  }
0xec: {  	s8 =	simm.s32 $0x4F80;
	[smem:$0x701] =	sst s0  }
0xed: {  	s6 =	simm.s32 $0x5980;
	[smem:$0x6AC] =	sst s8  }
0xee: {  	s7 =	simm.s32 $0x6500;
	[smem:$0x6C0] =	sst s6  }
0xef: {  	s9 =	simm.s32 $0x7C00;
	[smem:$0x6D7] =	sst s7  }
0xf0: {  	s10 =	simm.s32 $0x7C80;
	[smem:$0x705] =	sst s9  }
0xf1: {  	s11 =	simm.s32 $0x7D00;
	[smem:$0x706] =	sst s10  }
0xf2: {  	s12 =	simm.s32 $0x7D80;
	[smem:$0x707] =	sst s11  }
0xf3: {  	s13 =	simm.s32 $0x7E00;
	[smem:$0x708] =	sst s12  }
0xf4: {  	s14 =	simm.s32 $0x7E80;
	[smem:$0x709] =	sst s13  }
0xf5: {  	s15 =	simm.s32 $0x7F00;
	[smem:$0x70A] =	sst s14  }
0xf6: {  	s16 =	simm.s32 $0x7F80;
	[smem:$0x70B] =	sst s15  }
0xf7: {  	s17 =	simm.s32 $0x8000;
	[smem:$0x70C] =	sst s16  }
0xf8: {  	s18 =	simm.s32 $0x8080;
	[smem:$0x70D] =	sst s17  }
0xf9: {  	s19 =	simm.s32 $0x8100;
	[smem:$0x70E] =	sst s18  }
0xfa: {  	s20 =	simm.s32 $0x8500;
	[smem:$0x70F] =	sst s19  }
0xfb: {  	s21 =	simm.s32 $0x8480;
	[smem:$0x710] =	sst s20  }
0xfc: {  	s22 =	simm.s32 $0x8400;
	[smem:$0x711] =	sst s21  }
0xfd: {  	s23 =	simm.s32 $0x8380;
	[smem:$0x712] =	sst s22  }
0xfe: {  	s24 =	simm.s32 $0x8300;
	[smem:$0x713] =	sst s23  }
0xff: {  	s25 =	simm.s32 $0x8280;
	[smem:$0x714] =	sst s24  }
0x100: {  	s26 =	simm.s32 $0xF700;
	[smem:$0x715] =	sst s25  }
0x101: {  	s0 =	simm.s32 $0x8180;
	[smem:$0x716] =	sst s26  }
0x102: {  	s8 =	simm.s32 $0x5A80;
	[smem:$0x717] =	sst s0  }
0x103: {  	s6 =	simm.s32 $0x6480;
	[smem:$0x6C2] =	sst s8  }
0x104: {  	s7 =	simm.s32 $0x7000;
	[smem:$0x6D6] =	sst s6  }
0x105: {  	s9 =	simm.s32 $0x8680;
	[smem:$0x6ED] =	sst s7  }
0x106: {  	s10 =	simm.s32 $0x8700;
	[smem:$0x71A] =	sst s9  }
0x107: {  	s11 =	simm.s32 $0x8780;
	[smem:$0x71B] =	sst s10  }
0x108: {  	s12 =	simm.s32 $0x8800;
	[smem:$0x71C] =	sst s11  }
0x109: {  	s13 =	simm.s32 $0x8880;
	[smem:$0x71D] =	sst s12  }
0x10a: {  	s14 =	simm.s32 $0x8900;
	[smem:$0x71E] =	sst s13  }
0x10b: {  	s15 =	simm.s32 $0x8980;
	[smem:$0x71F] =	sst s14  }
0x10c: {  	s16 =	simm.s32 $0x8A00;
	[smem:$0x720] =	sst s15  }
0x10d: {  	s17 =	simm.s32 $0x8A80;
	[smem:$0x721] =	sst s16  }
0x10e: {  	s18 =	simm.s32 $0x8B00;
	[smem:$0x722] =	sst s17  }
0x10f: {  	s19 =	simm.s32 $0x8B80;
	[smem:$0x723] =	sst s18  }
0x110: {  	s20 =	simm.s32 $0x8C00;
	[smem:$0x724] =	sst s19  }
0x111: {  	s21 =	simm.s32 $0x8C80;
	[smem:$0x725] =	sst s20  }
0x112: {  	s22 =	simm.s32 $0x8D00;
	[smem:$0x726] =	sst s21  }
0x113: {  	s23 =	simm.s32 $0x8D80;
	[smem:$0x727] =	sst s22  }
0x114: {  	s24 =	simm.s32 $0x8E00;
	[smem:$0x728] =	sst s23  }
0x115: {  	s25 =	simm.s32 $0x8E80;
	[smem:$0x729] =	sst s24  }
0x116: {  	s26 =	simm.s32 $0x8F00;
	[smem:$0x72A] =	sst s25  }
0x117: {  	s0 =	simm.s32 $0x8F80;
	[smem:$0x72B] =	sst s26  }
0x118: {  	s8 =	simm.s32 $0x6580;
	[smem:$0x72C] =	sst s0  }
0x119: {  	s6 =	simm.s32 $0x6F80;
	[smem:$0x6D8] =	sst s8  }
0x11a: {  	s7 =	simm.s32 $0x7B00;
	[smem:$0x6EC] =	sst s6  }
0x11b: {  	s9 =	simm.s32 $0x9100;
	[smem:$0x703] =	sst s7  }
0x11c: {  	s10 =	simm.s32 $0x9180;
	[smem:$0x72F] =	sst s9  }
0x11d: {  	s11 =	simm.s32 $0x9200;
	[smem:$0x730] =	sst s10  }
0x11e: {  	s12 =	simm.s32 $0x9280;
	[smem:$0x731] =	sst s11  }
0x11f: {  	s13 =	simm.s32 $0x9300;
	[smem:$0x732] =	sst s12  }
0x120: {  	s14 =	simm.s32 $0x9380;
	[smem:$0x733] =	sst s13  }
0x121: {  	s15 =	simm.s32 $0x9400;
	[smem:$0x734] =	sst s14  }
0x122: {  	s16 =	simm.s32 $0x9480;
	[smem:$0x735] =	sst s15  }
0x123: {  	s17 =	simm.s32 $0x9500;
	[smem:$0x736] =	sst s16  }
0x124: {  	s18 =	simm.s32 $0x9580;
	[smem:$0x737] =	sst s17  }
0x125: {  	s19 =	simm.s32 $0x9600;
	[smem:$0x738] =	sst s18  }
0x126: {  	s20 =	simm.s32 $0x9680;
	[smem:$0x739] =	sst s19  }
0x127: {  	s21 =	simm.s32 $0x9700;
	[smem:$0x73A] =	sst s20  }
0x128: {  	s22 =	simm.s32 $0x9780;
	[smem:$0x73B] =	sst s21  }
0x129: {  	s23 =	simm.s32 $0x9800;
	[smem:$0x73C] =	sst s22  }
0x12a: {  	s24 =	simm.s32 $0x9880;
	[smem:$0x73D] =	sst s23  }
0x12b: {  	s25 =	simm.s32 $0x9900;
	[smem:$0x73E] =	sst s24  }
0x12c: {  	s26 =	simm.s32 $0x9980;
	[smem:$0x73F] =	sst s25  }
0x12d: {  	s0 =	simm.s32 $0x9A00;
	[smem:$0x740] =	sst s26  }
0x12e: {  	s8 =	simm.s32 $0x7080;
	[smem:$0x741] =	sst s0  }
0x12f: {  	s6 =	simm.s32 $0x7A80;
	[smem:$0x6EE] =	sst s8  }
0x130: {  	s7 =	simm.s32 $0x8580;
	[smem:$0x702] =	sst s6  }
0x131: {  	s9 =	simm.s32 $0x9B80;
	[smem:$0x718] =	sst s7  }
0x132: {  	s10 =	simm.s32 $0x9C00;
	[smem:$0x744] =	sst s9  }
0x133: {  	s11 =	simm.s32 $0x9C80;
	[smem:$0x745] =	sst s10  }
0x134: {  	s12 =	simm.s32 $0x9D00;
	[smem:$0x746] =	sst s11  }
0x135: {  	s13 =	simm.s32 $0x9D80;
	[smem:$0x747] =	sst s12  }
0x136: {  	s14 =	simm.s32 $0x9E00;
	[smem:$0x748] =	sst s13  }
0x137: {  	s15 =	simm.s32 $0x9E80;
	[smem:$0x749] =	sst s14  }
0x138: {  	s16 =	simm.s32 $0x9F00;
	[smem:$0x74A] =	sst s15  }
0x139: {  	s17 =	simm.s32 $0x9F80;
	[smem:$0x74B] =	sst s16  }
0x13a: {  	s18 =	simm.s32 $0xA000;
	[smem:$0x74C] =	sst s17  }
0x13b: {  	s19 =	simm.s32 $0xA080;
	[smem:$0x74D] =	sst s18  }
0x13c: {  	s20 =	simm.s32 $0xA100;
	[smem:$0x74E] =	sst s19  }
0x13d: {  	s21 =	simm.s32 $0xA180;
	[smem:$0x74F] =	sst s20  }
0x13e: {  	s22 =	simm.s32 $0xA200;
	[smem:$0x750] =	sst s21  }
0x13f: {  	s23 =	simm.s32 $0xA280;
	[smem:$0x751] =	sst s22  }
0x140: {  	s24 =	simm.s32 $0xA300;
	[smem:$0x752] =	sst s23  }
0x141: {  	s25 =	simm.s32 $0xA380;
	[smem:$0x753] =	sst s24  }
0x142: {  	s26 =	simm.s32 $0xA400;
	[smem:$0x754] =	sst s25  }
0x143: {  	s0 =	simm.s32 $0xA480;
	[smem:$0x755] =	sst s26  }
0x144: {  	s8 =	simm.s32 $0x7B80;
	[smem:$0x756] =	sst s0  }
0x145: {  	s7 =	simm.s32 $0x9000;
	[smem:$0x704] =	sst s8  }
0x146: {  	s9 =	simm.s32 $0xA600;
	[smem:$0x72D] =	sst s7  }
0x147: {  	s10 =	simm.s32 $0xA680;
	[smem:$0x759] =	sst s9  }
0x148: {  	s11 =	simm.s32 $0xA700;
	[smem:$0x75A] =	sst s10  }
0x149: {  	s12 =	simm.s32 $0xA780;
	[smem:$0x75B] =	sst s11  }
0x14a: {  	s13 =	simm.s32 $0xA800;
	[smem:$0x75C] =	sst s12  }
0x14b: {  	s14 =	simm.s32 $0xA880;
	[smem:$0x75D] =	sst s13  }
0x14c: {  	s15 =	simm.s32 $0xA900;
	[smem:$0x75E] =	sst s14  }
0x14d: {  	s16 =	simm.s32 $0xA980;
	[smem:$0x75F] =	sst s15  }
0x14e: {  	s17 =	simm.s32 $0xAA00;
	[smem:$0x760] =	sst s16  }
0x14f: {  	s18 =	simm.s32 $0xAA80;
	[smem:$0x761] =	sst s17  }
0x150: {  	s19 =	simm.s32 $0xAB00;
	[smem:$0x762] =	sst s18  }
0x151: {  	s20 =	simm.s32 $0xAB80;
	[smem:$0x763] =	sst s19  }
0x152: {  	s21 =	simm.s32 $0xAC00;
	[smem:$0x764] =	sst s20  }
0x153: {  	s22 =	simm.s32 $0xAC80;
	[smem:$0x765] =	sst s21  }
0x154: {  	s23 =	simm.s32 $0xAD00;
	[smem:$0x766] =	sst s22  }
0x155: {  	s24 =	simm.s32 $0xAD80;
	[smem:$0x767] =	sst s23  }
0x156: {  	s25 =	simm.s32 $0xAE00;
	[smem:$0x768] =	sst s24  }
0x157: {  	s26 =	simm.s32 $0xAE80;
	[smem:$0x769] =	sst s25  }
0x158: {  	s0 =	simm.s32 $0xAF00;
	[smem:$0x76A] =	sst s26  }
0x159: {  	s8 =	simm.s32 $0x8600;
	[smem:$0x76B] =	sst s0  }
0x15a: {  	s7 =	simm.s32 $0x9A80;
	[smem:$0x719] =	sst s8  }
0x15b: {  	s9 =	simm.s32 $0xB080;
	[smem:$0x742] =	sst s7  }
0x15c: {  	s10 =	simm.s32 $0xB100;
	[smem:$0x76E] =	sst s9  }
0x15d: {  	s11 =	simm.s32 $0xB180;
	[smem:$0x76F] =	sst s10  }
0x15e: {  	s12 =	simm.s32 $0xB200;
	[smem:$0x770] =	sst s11  }
0x15f: {  	s13 =	simm.s32 $0xB280;
	[smem:$0x771] =	sst s12  }
0x160: {  	s14 =	simm.s32 $0xB300;
	[smem:$0x772] =	sst s13  }
0x161: {  	s15 =	simm.s32 $0xB380;
	[smem:$0x773] =	sst s14  }
0x162: {  	s16 =	simm.s32 $0xB400;
	[smem:$0x774] =	sst s15  }
0x163: {  	s17 =	simm.s32 $0xB480;
	[smem:$0x775] =	sst s16  }
0x164: {  	s18 =	simm.s32 $0xB500;
	[smem:$0x776] =	sst s17  }
0x165: {  	s19 =	simm.s32 $0xB580;
	[smem:$0x777] =	sst s18  }
0x166: {  	s20 =	simm.s32 $0xB600;
	[smem:$0x778] =	sst s19  }
0x167: {  	s21 =	simm.s32 $0xB680;
	[smem:$0x779] =	sst s20  }
0x168: {  	s22 =	simm.s32 $0xB700;
	[smem:$0x77A] =	sst s21  }
0x169: {  	s23 =	simm.s32 $0xB780;
	[smem:$0x77B] =	sst s22  }
0x16a: {  	s24 =	simm.s32 $0xB800;
	[smem:$0x77C] =	sst s23  }
0x16b: {  	s25 =	simm.s32 $0xB880;
	[smem:$0x77D] =	sst s24  }
0x16c: {  	s26 =	simm.s32 $0xB900;
	[smem:$0x77E] =	sst s25  }
0x16d: {  	s0 =	simm.s32 $0xB980;
	[smem:$0x77F] =	sst s26  }
0x16e: {  	s8 =	simm.s32 $0x9080;
	[smem:$0x780] =	sst s0  }
0x16f: {  	s7 =	simm.s32 $0xA500;
	[smem:$0x72E] =	sst s8  }
0x170: {  	s9 =	simm.s32 $0xBB00;
	[smem:$0x757] =	sst s7  }
0x171: {  	s10 =	simm.s32 $0xBB80;
	[smem:$0x783] =	sst s9  }
0x172: {  	s11 =	simm.s32 $0xBC00;
	[smem:$0x784] =	sst s10  }
0x173: {  	s12 =	simm.s32 $0xBC80;
	[smem:$0x785] =	sst s11  }
0x174: {  	s13 =	simm.s32 $0xBD00;
	[smem:$0x786] =	sst s12  }
0x175: {  	s14 =	simm.s32 $0xBD80;
	[smem:$0x787] =	sst s13  }
0x176: {  	s15 =	simm.s32 $0xBE00;
	[smem:$0x788] =	sst s14  }
0x177: {  	s16 =	simm.s32 $0xBE80;
	[smem:$0x789] =	sst s15  }
0x178: {  	s17 =	simm.s32 $0xBF00;
	[smem:$0x78A] =	sst s16  }
0x179: {  	s18 =	simm.s32 $0xBF80;
	[smem:$0x78B] =	sst s17  }
0x17a: {  	s19 =	simm.s32 $0xC000;
	[smem:$0x78C] =	sst s18  }
0x17b: {  	s20 =	simm.s32 $0xC080;
	[smem:$0x78D] =	sst s19  }
0x17c: {  	s21 =	simm.s32 $0xC100;
	[smem:$0x78E] =	sst s20  }
0x17d: {  	s22 =	simm.s32 $0xC180;
	[smem:$0x78F] =	sst s21  }
0x17e: {  	s23 =	simm.s32 $0xC280;
	[smem:$0x790] =	sst s22  }
0x17f: {  	s24 =	simm.s32 $0xC300;
	[smem:$0x791] =	sst s23  }
0x180: {  	s25 =	simm.s32 $0xC380;
	[smem:$0x792] =	sst s24  }
0x181: {  	s26 =	simm.s32 $0xC400;
	[smem:$0x793] =	sst s25  }
0x182: {  	s0 =	simm.s32 $0xC480;
	[smem:$0x794] =	sst s26  }
0x183: {  	s8 =	simm.s32 $0x9B00;
	[smem:$0x795] =	sst s0  }
0x184: {  	s7 =	simm.s32 $0xAF80;
	[smem:$0x743] =	sst s8  }
0x185: {  	s9 =	simm.s32 $0xC580;
	[smem:$0x76C] =	sst s7  }
0x186: {  	s10 =	simm.s32 $0xC600;
	[smem:$0x798] =	sst s9  }
0x187: {  	s11 =	simm.s32 $0xC680;
	[smem:$0x799] =	sst s10  }
0x188: {  	s12 =	simm.s32 $0xC700;
	[smem:$0x79A] =	sst s11  }
0x189: {  	s13 =	simm.s32 $0xC780;
	[smem:$0x79B] =	sst s12  }
0x18a: {  	s14 =	simm.s32 $0xC800;
	[smem:$0x79C] =	sst s13  }
0x18b: {  	s15 =	simm.s32 $0xC880;
	[smem:$0x79D] =	sst s14  }
0x18c: {  	s16 =	simm.s32 $0xC900;
	[smem:$0x79E] =	sst s15  }
0x18d: {  	s17 =	simm.s32 $0xC980;
	[smem:$0x79F] =	sst s16  }
0x18e: {  	s18 =	simm.s32 $0xCA00;
	[smem:$0x7A0] =	sst s17  }
0x18f: {  	s19 =	simm.s32 $0xCA80;
	[smem:$0x7A1] =	sst s18  }
0x190: {  	s20 =	simm.s32 $0xCB00;
	[smem:$0x7A2] =	sst s19  }
0x191: {  	s21 =	simm.s32 $0xCB80;
	[smem:$0x7A3] =	sst s20  }
0x192: {  	s22 =	simm.s32 $0xCC00;
	[smem:$0x7A4] =	sst s21  }
0x193: {  	s23 =	simm.s32 $0xCC80;
	[smem:$0x7A5] =	sst s22  }
0x194: {  	s24 =	simm.s32 $0xCD00;
	[smem:$0x7A6] =	sst s23  }
0x195: {  	s25 =	simm.s32 $0xCD80;
	[smem:$0x7A7] =	sst s24  }
0x196: {  	s26 =	simm.s32 $0xCE00;
	[smem:$0x7A8] =	sst s25  }
0x197: {  	s0 =	simm.s32 $0xCE80;
	[smem:$0x7A9] =	sst s26  }
0x198: {  	s8 =	simm.s32 $0xA580;
	[smem:$0x7AA] =	sst s0  }
0x199: {  	s7 =	simm.s32 $0xBA00;
	[smem:$0x758] =	sst s8  }
0x19a: {  	s9 =	simm.s32 $0xD000;
	[smem:$0x781] =	sst s7  }
0x19b: {  	s10 =	simm.s32 $0xD080;
	[smem:$0x7AD] =	sst s9  }
0x19c: {  	s11 =	simm.s32 $0xD100;
	[smem:$0x7AE] =	sst s10  }
0x19d: {  	s12 =	simm.s32 $0xD180;
	[smem:$0x7AF] =	sst s11  }
0x19e: {  	s13 =	simm.s32 $0xD200;
	[smem:$0x7B0] =	sst s12  }
0x19f: {  	s14 =	simm.s32 $0xD280;
	[smem:$0x7B1] =	sst s13  }
0x1a0: {  	s15 =	simm.s32 $0xD300;
	[smem:$0x7B2] =	sst s14  }
0x1a1: {  	s16 =	simm.s32 $0xD380;
	[smem:$0x7B3] =	sst s15  }
0x1a2: {  	s17 =	simm.s32 $0xD400;
	[smem:$0x7B4] =	sst s16  }
0x1a3: {  	s18 =	simm.s32 $0xD480;
	[smem:$0x7B5] =	sst s17  }
0x1a4: {  	s19 =	simm.s32 $0xD500;
	[smem:$0x7B6] =	sst s18  }
0x1a5: {  	s20 =	simm.s32 $0xD580;
	[smem:$0x7B7] =	sst s19  }
0x1a6: {  	s21 =	simm.s32 $0xD600;
	[smem:$0x7B8] =	sst s20  }
0x1a7: {  	s22 =	simm.s32 $0xD680;
	[smem:$0x7B9] =	sst s21  }
0x1a8: {  	s23 =	simm.s32 $0xD700;
	[smem:$0x7BA] =	sst s22  }
0x1a9: {  	s24 =	simm.s32 $0xD780;
	[smem:$0x7BB] =	sst s23  }
0x1aa: {  	s25 =	simm.s32 $0xD800;
	[smem:$0x7BC] =	sst s24  }
0x1ab: {  	s26 =	simm.s32 $0xD880;
	[smem:$0x7BD] =	sst s25  }
0x1ac: {  	s0 =	simm.s32 $0xD900;
	[smem:$0x7BE] =	sst s26  }
0x1ad: {  	s8 =	simm.s32 $0xB000;
	[smem:$0x7BF] =	sst s0  }
0x1ae: {  	s7 =	simm.s32 $0xF680;
	[smem:$0x76D] =	sst s8  }
0x1af: {  	s9 =	simm.s32 $0xDA80;
	[smem:$0x796] =	sst s7  }
0x1b0: {  	s10 =	simm.s32 $0xDB00;
	[smem:$0x7C2] =	sst s9  }
0x1b1: {  	s11 =	simm.s32 $0xDB80;
	[smem:$0x7C3] =	sst s10  }
0x1b2: {  	s12 =	simm.s32 $0xDC00;
	[smem:$0x7C4] =	sst s11  }
0x1b3: {  	s13 =	simm.s32 $0xDC80;
	[smem:$0x7C5] =	sst s12  }
0x1b4: {  	s14 =	simm.s32 $0xDD00;
	[smem:$0x7C6] =	sst s13  }
0x1b5: {  	s15 =	simm.s32 $0xDD80;
	[smem:$0x7C7] =	sst s14  }
0x1b6: {  	s16 =	simm.s32 $0xDE00;
	[smem:$0x7C8] =	sst s15  }
0x1b7: {  	s17 =	simm.s32 $0xDE80;
	[smem:$0x7C9] =	sst s16  }
0x1b8: {  	s18 =	simm.s32 $0xDF00;
	[smem:$0x7CA] =	sst s17  }
0x1b9: {  	s19 =	simm.s32 $0xDF80;
	[smem:$0x7CB] =	sst s18  }
0x1ba: {  	s20 =	simm.s32 $0xE000;
	[smem:$0x7CC] =	sst s19  }
0x1bb: {  	s21 =	simm.s32 $0xE080;
	[smem:$0x7CD] =	sst s20  }
0x1bc: {  	s22 =	simm.s32 $0xE100;
	[smem:$0x7CE] =	sst s21  }
0x1bd: {  	s23 =	simm.s32 $0xE180;
	[smem:$0x7CF] =	sst s22  }
0x1be: {  	s24 =	simm.s32 $0xE200;
	[smem:$0x7D0] =	sst s23  }
0x1bf: {  	s25 =	simm.s32 $0xE280;
	[smem:$0x7D1] =	sst s24  }
0x1c0: {  	s26 =	simm.s32 $0xE300;
	[smem:$0x7D2] =	sst s25  }
0x1c1: {  	s0 =	simm.s32 $0xE380;
	[smem:$0x7D3] =	sst s26  }
0x1c2: {  	s8 =	simm.s32 $0xBA80;
	[smem:$0x7D4] =	sst s0  }
0x1c3: {  	s7 =	simm.s32 $0xCF00;
	[smem:$0x782] =	sst s8  }
0x1c4: {  	s9 =	simm.s32 $0xE500;
	[smem:$0x7AB] =	sst s7  }
0x1c5: {  	s10 =	simm.s32 $0xE580;
	[smem:$0x7D7] =	sst s9  }
0x1c6: {  	s11 =	simm.s32 $0xE600;
	[smem:$0x7D8] =	sst s10  }
0x1c7: {  	s12 =	simm.s32 $0xE680;
	[smem:$0x7D9] =	sst s11  }
0x1c8: {  	s13 =	simm.s32 $0xE700;
	[smem:$0x7DA] =	sst s12  }
0x1c9: {  	s14 =	simm.s32 $0xE780;
	[smem:$0x7DB] =	sst s13  }
0x1ca: {  	s15 =	simm.s32 $0xE800;
	[smem:$0x7DC] =	sst s14  }
0x1cb: {  	s16 =	simm.s32 $0xE880;
	[smem:$0x7DD] =	sst s15  }
0x1cc: {  	s17 =	simm.s32 $0xE900;
	[smem:$0x7DE] =	sst s16  }
0x1cd: {  	s18 =	simm.s32 $0xE980;
	[smem:$0x7DF] =	sst s17  }
0x1ce: {  	s19 =	simm.s32 $0xEA00;
	[smem:$0x7E0] =	sst s18  }
0x1cf: {  	s20 =	simm.s32 $0xEA80;
	[smem:$0x7E1] =	sst s19  }
0x1d0: {  	s21 =	simm.s32 $0xEB00;
	[smem:$0x7E2] =	sst s20  }
0x1d1: {  	s22 =	simm.s32 $0xEB80;
	[smem:$0x7E3] =	sst s21  }
0x1d2: {  	s23 =	simm.s32 $0xEC00;
	[smem:$0x7E4] =	sst s22  }
0x1d3: {  	s24 =	simm.s32 $0xEC80;
	[smem:$0x7E5] =	sst s23  }
0x1d4: {  	s25 =	simm.s32 $0xED00;
	[smem:$0x7E6] =	sst s24  }
0x1d5: {  	s26 =	simm.s32 $0xED80;
	[smem:$0x7E7] =	sst s25  }
0x1d6: {  	s0 =	simm.s32 $0xEE00;
	[smem:$0x7E8] =	sst s26  }
0x1d7: {  	s8 =	simm.s32 $0xC500;
	[smem:$0x7E9] =	sst s0  }
0x1d8: {  	s7 =	simm.s32 $0xD980;
	[smem:$0x797] =	sst s8  }
0x1d9: {  	s9 =	simm.s32 $0xEF80;
	[smem:$0x7C0] =	sst s7  }
0x1da: {  	s10 =	simm.s32 $0xF000;
	[smem:$0x7EC] =	sst s9  }
0x1db: {  	s11 =	simm.s32 $0xF080;
	[smem:$0x7ED] =	sst s10  }
0x1dc: {  	s12 =	simm.s32 $0xF100;
	[smem:$0x7EE] =	sst s11  }
0x1dd: {  	s29 =	simm.s32 $0xC200;
	s13 =	simm.s32 $0xF180;
	[smem:$0x7EF] =	sst s12  }
0x1de: {  	s30 =	simm.s32 $0x10180;
	s14 =	simm.s32 $0xF200;
	[smem:$0x7F0] =	sst s13  }
0x1df: {  	s31 =	simm.s32 $0x1;
	s15 =	simm.s32 $0xF280;
	[smem:$0x7F1] =	sst s14  }
0x1e0: {  	s4 =	ssub.s32 $0x2, s4;
	s16 =	simm.s32 $0xF300;
	[smem:$0x7F2] =	sst s15  }
0x1e1: {  	s3 =	sadd.s32 s1, s3;
	s17 =	simm.s32 $0xF380;
	[smem:$0x7F3] =	sst s16  }
0x1e2: {  	s1 =	simm.s32 $0x10200;
	s18 =	simm.s32 $0xF400;
	[smem:$0x7F4] =	sst s17  }
0x1e3: {  	s28 =	sadd.s32 $0x180, s3;
	s20 =	simm.s32 $0xF480;
	[smem:$0x7F5] =	sst s18  }
0x1e4: {  	s5 =	sadd.s32 $0x100, s3;
	s22 =	simm.s32 $0xF500;
	[smem:$0x7F6] =	sst s20  }
0x1e5: {  	s19 =	sshrl.u32 s4, $0x1;
	s23 =	simm.s32 $0xF580;
	[smem:$0x7F7] =	sst s22  }
0x1e6: {  	s24 =	simm.s32 $0xF600;
	s25 =	simm.s32 $0xF780;
	[smem:$0x7F8] =	sst s23  }
0x1e7: {  	s26 =	simm.s32 $0xF880;
	s8 =	simm.s32 $0xCF80;
	[smem:$0x7F9] =	sst s24  }
0x1e8: {  	s7 =	simm.s32 $0xE400;
	s21 =	ssub.s32 s4, s19;
	[smem:$0x7FA] =	sst s25  }
0x1e9: {  	s4 =	sadd.s32 $0x80, s3;
	s11 =	simm.s32 $0xF900;
	[smem:$0x7FC] =	sst s26  }
0x1ea: {  	s9 =	simm.s32 $0x8200;
	s12 =	simm.s32 $0x10000;
	s13 =	simm.s32 $0x10080  }
0x1eb: {  	s14 =	simm.s32 $0xFF80;
	s15 =	simm.s32 $0xFE80;
	s16 =	simm.s32 $0xFF00  }
0x1ec: {  	v0 =	vimm.s32 $0x7;
	v1 =	vimm.s32 $0x0;
	v12 =	vlaneseq.u32;
	s17 =	simm.s32 $0xF980;
	s18 =	simm.s32 $0xFD80;
	s19 =	simm.s32 $0xFE00  }
0x1ed: {  	vm0 =	vmmov $0x1;
	v3 =	vimm.s32 $0x1;
	v4 =	vimm.s32 $0x2;
	s20 =	simm.s32 $0xFA00;
	s22 =	simm.s32 $0xFC00;
	[smem:$0x7AC] =	sst s8  }
0x1ee: {  	v5 =	vimm.s32 $0x3;
	v6 =	vimm.s32 $0x4;
	v7 =	vimm.s32 $0x5;
	s23 =	simm.s32 $0xFB80;
	s24 =	simm.s32 $0xFA80;
	[smem:$0x7D5] =	sst s7  }
0x1ef: {  	v8 =	vimm.s32 $0x6;
	v9 =	vimm.s32 $0x8;
	v10 =	vimm.s32 $0x9;
	s25 =	simm.s32 $0xFB00;
	s8 =	simm.s32 $0xDA00;
	[smem:$0x7FD] =	sst s11  }
0x1f0: {  	v11 =	vimm.s32 $0xA;
	v2 =	vmul.u32 $0x8, v12;
	v12 =	vmul.u32 $0x81, v12;
	s26 =	simm.s32 $0x2;
	s7 =	simm.s32 $0xEE80;
	[smem:$0x7C1] =	sst s8  }
0x1f1: {  	v13 =	vimm.s32 $0xB;
	v14 =	vimm.s32 $0xC;
	v15 =	vimm.s32 $0xD;
	s6 =	smax.u32 s21, $0x1;
	s8 =	simm.s32 $0xE480;
	[smem:$0x7EA] =	sst s7  }
0x1f2: {  	v16 =	vimm.s32 $0xE;
	v17 =	vimm.s32 $0xF;
	v18 =	vadd.s32 $0x810, v12;
	s11 =	simm.s32 $0x10100;
	[smem:$0x7D6] =	sst s8;
	s8 =	simm.s32 $0xEF00  }
0x1f3: {  	v19 =	vadd.s32 $0x1020, v12;
	v20 =	vadd.s32 $0x1830, v12;
	v21 =	vadd.s32 $0x2040, v12;
	s21 =	simm.s32 $0xFC80;
	[smem:$0x7EB] =	sst s8;
	s8 =	simm.s32 $0xF800  }
0x1f4: {  	v22 =	vadd.s32 $0x2850, v12;
	v23 =	vadd.s32 $0x3060, v12;
	v24 =	vadd.s32 $0x3870, v12;
	s7 =	simm.s32 $0x200;
	[smem:$0x7FB] =	sst s8;
	s8 =	simm.s32 $0x4200  }
.LBB2_1:
0x1f5: {  	s0 =	rddreg [dreg:$0x4]  }
0x1f6: {  	[tilespmem:s2], [sflag:$0x2] =	stream.linear.gather [hbm4b:s0+s2], $0x200, $0x38;
	[tilespmem:$0x10400] =	vst v63  }
0x1f7: {  	_ =	swait.ge [sflag:s26], $0x200  }
0x1f8: {  	[sflag:s26] =	ssyncset.done $0x0  }
0x1f9: {  	[sflag:s26] =	ssyncadd.s32 $0xFFFFFE00  }
0x1fa: {  	v25 =	vld [tilespmem:$0x0];
	_ =	sdelay $0x4  }
0x1fb: {  	v26 =	vshll.u32 v25, $0x7  }
0x1fc: {  	v25 =	vand.u32 $0x7, v25;
	v26 =	vand.u32 $0xFFFFFC00, v26  }
0x1fd: {  	v25 =	vor.u32 v25, v26  }
0x1fe: {  	v26 =	vperm.xlane v25, v1;
	_ =	sdelay $0x1  }
0x1ff: {  	v27 =	vperm.xlane v25, v3;
	v26 =	vadd.s32 v2, v26;
	_ =	sdelay $0x1  }
0x200: {  	v28 =	vperm.xlane v25, v4;
	v27 =	vadd.s32 v2, v27;
	_ =	sdelay $0x1  }
0x201: {  	v29 =	vperm.xlane v25, v5;
	v28 =	vadd.s32 v2, v28  }
0x202: {  	[tilespmem:s7], [sflag:$0x1] =	stream.indirect_vreg.gather [hbm4b:s3+s2], $0x80, v26, vm0, $0xb8;
	[tilespmem:$0x10400] =	vst v63  }
0x203: {  	s0 =	rddreg [dreg:$0x6];
	v40 =	vperm.xlane v25, v6;
	v26 =	vadd.s32 v2, v29  }
0x204: {  	[tilespmem:s0], [sflag:$0x1] =	stream.indirect_vreg.gather [hbm4b:s3+s2], $0x80, v27, vm0, $0xb8;
	[tilespmem:$0x10400] =	vst v63  }
0x205: {  	s10 =	rddreg [dreg:$0x7];
	v41 =	vperm.xlane v25, v7;
	v27 =	vadd.s32 v2, v40  }
0x206: {  	[tilespmem:s10], [sflag:$0x1] =	stream.indirect_vreg.gather [hbm4b:s3+s2], $0x80, v28, vm0, $0xb8;
	[tilespmem:$0x10400] =	vst v63  }
0x207: {  	v43 =	vperm.xlane v25, v8;
	v42 =	vadd.s32 v2, v41;
	s0 =	rddreg [dreg:$0x8]  }
0x208: {  	[tilespmem:s0], [sflag:$0x1] =	stream.indirect_vreg.gather [hbm4b:s3+s2], $0x80, v26, vm0, $0xb8;
	[tilespmem:$0x10400] =	vst v63  }
0x209: {  	v44 =	vperm.xlane v25, v0;
	s10 =	rddreg [dreg:$0x9];
	v26 =	vadd.s32 v2, v43  }
0x20a: {  	[tilespmem:s10], [sflag:$0x1] =	stream.indirect_vreg.gather [hbm4b:s3+s2], $0x80, v27, vm0, $0xb8;
	[tilespmem:$0x10400] =	vst v63  }
0x20b: {  	v45 =	vperm.xlane v25, v9;
	s0 =	rddreg [dreg:$0xa];
	v27 =	vadd.s32 v2, v44  }
0x20c: {  	[tilespmem:s0], [sflag:$0x1] =	stream.indirect_vreg.gather [hbm4b:s3+s2], $0x80, v42, vm0, $0xb8;
	[tilespmem:$0x10400] =	vst v63  }
0x20d: {  	v47 =	vperm.xlane v25, v10;
	v46 =	vadd.s32 v2, v45;
	s10 =	rddreg [dreg:$0xb]  }
0x20e: {  	[tilespmem:s10], [sflag:$0x1] =	stream.indirect_vreg.gather [hbm4b:s3+s2], $0x80, v26, vm0, $0xb8;
	[tilespmem:$0x10400] =	vst v63  }
0x20f: {  	v48 =	vperm.xlane v25, v11;
	s0 =	rddreg [dreg:$0xc];
	v26 =	vadd.s32 v2, v47  }
0x210: {  	[tilespmem:s0], [sflag:$0x1] =	stream.indirect_vreg.gather [hbm4b:s3+s2], $0x80, v27, vm0, $0xb8;
	[tilespmem:$0x10400] =	vst v63  }
0x211: {  	v49 =	vperm.xlane v25, v13;
	s10 =	rddreg [dreg:$0xd];
	v27 =	vadd.s32 v2, v48  }
0x212: {  	[tilespmem:s10], [sflag:$0x1] =	stream.indirect_vreg.gather [hbm4b:s3+s2], $0x80, v46, vm0, $0xb8;
	[tilespmem:$0x10400] =	vst v63  }
0x213: {  	v51 =	vperm.xlane v25, v14;
	v50 =	vadd.s32 v2, v49;
	s0 =	rddreg [dreg:$0xe]  }
0x214: {  	[tilespmem:s0], [sflag:$0x1] =	stream.indirect_vreg.gather [hbm4b:s3+s2], $0x80, v26, vm0, $0xb8;
	[tilespmem:$0x10400] =	vst v63  }
0x215: {  	v52 =	vperm.xlane v25, v15;
	s10 =	rddreg [dreg:$0xf];
	v26 =	vadd.s32 v2, v51  }
0x216: {  	[tilespmem:s10], [sflag:$0x1] =	stream.indirect_vreg.gather [hbm4b:s3+s2], $0x80, v27, vm0, $0xb8;
	[tilespmem:$0x10400] =	vst v63  }
0x217: {  	v53 =	vperm.xlane v25, v16;
	s0 =	rddreg [dreg:$0x10];
	v27 =	vadd.s32 v2, v52  }
0x218: {  	[tilespmem:s0], [sflag:$0x1] =	stream.indirect_vreg.gather [hbm4b:s3+s2], $0x80, v50, vm0, $0xb8;
	[tilespmem:$0x10400] =	vst v63  }
0x219: {  	v25 =	vperm.xlane v25, v17;
	v54 =	vadd.s32 v2, v53;
	s10 =	rddreg [dreg:$0x11]  }
0x21a: {  	[tilespmem:s10], [sflag:$0x1] =	stream.indirect_vreg.gather [hbm4b:s3+s2], $0x80, v26, vm0, $0xb8;
	[tilespmem:$0x10400] =	vst v63  }
0x21b: {  	v25 =	vadd.s32 v2, v25;
	s0 =	rddreg [dreg:$0x12]  }
0x21c: {  	[tilespmem:s0], [sflag:$0x1] =	stream.indirect_vreg.gather [hbm4b:s3+s2], $0x80, v27, vm0, $0xb8;
	[tilespmem:$0x10400] =	vst v63  }
0x21d: {  	s10 =	rddreg [dreg:$0x13]  }
0x21e: {  	[tilespmem:s10], [sflag:$0x1] =	stream.indirect_vreg.gather [hbm4b:s3+s2], $0x80, v54, vm0, $0xb8;
	[tilespmem:$0x10400] =	vst v63  }
0x21f: {  	s0 =	rddreg [dreg:$0x14]  }
0x220: {  	[tilespmem:s0], [sflag:$0x1] =	stream.indirect_vreg.gather [hbm4b:s3+s2], $0x80, v25, vm0, $0xb8;
	[tilespmem:$0x10400] =	vst v63  }
0x221: {  	v25 =	vld [tilespmem:$0x10];
	_ =	sdelay $0x4  }
0x222: {  	v26 =	vshll.u32 v25, $0x7  }
0x223: {  	v25 =	vand.u32 $0x7, v25;
	v26 =	vand.u32 $0xFFFFFC00, v26  }
0x224: {  	v25 =	vor.u32 v25, v26  }
0x225: {  	v26 =	vperm.xlane v25, v1;
	_ =	sdelay $0x1  }
0x226: {  	v27 =	vperm.xlane v25, v3;
	v26 =	vadd.s32 v2, v26;
	_ =	sdelay $0x1  }
0x227: {  	v55 =	vperm.xlane v25, v4;
	v27 =	vadd.s32 v2, v27  }
0x228: {  	s10 =	rddreg [dreg:$0x16]  }
0x229: {  	s0 =	rddreg [dreg:$0x15];
	v56 =	vperm.xlane v25, v5;
	v28 =	vadd.s32 v2, v55  }
0x22a: {  	[tilespmem:s0], [sflag:$0x1] =	stream.indirect_vreg.gather [hbm4b:s3+s2], $0x80, v26, vm0, $0xb8;
	[tilespmem:$0x10400] =	vst v63  }
0x22b: {  	v57 =	vperm.xlane v25, v6;
	s0 =	rddreg [dreg:$0x17];
	v26 =	vadd.s32 v2, v56  }
0x22c: {  	[tilespmem:s10], [sflag:$0x1] =	stream.indirect_vreg.gather [hbm4b:s3+s2], $0x80, v27, vm0, $0xb8;
	[tilespmem:$0x10400] =	vst v63  }
0x22d: {  	v58 =	vperm.xlane v25, v7;
	s10 =	rddreg [dreg:$0x18];
	v27 =	vadd.s32 v2, v57  }
0x22e: {  	[tilespmem:s0], [sflag:$0x1] =	stream.indirect_vreg.gather [hbm4b:s3+s2], $0x80, v28, vm0, $0xb8;
	[tilespmem:$0x10400] =	vst v63  }
0x22f: {  	v60 =	vperm.xlane v25, v8;
	v59 =	vadd.s32 v2, v58;
	s0 =	rddreg [dreg:$0x19]  }
0x230: {  	[tilespmem:s10], [sflag:$0x1] =	stream.indirect_vreg.gather [hbm4b:s3+s2], $0x80, v26, vm0, $0xb8;
	[tilespmem:$0x10400] =	vst v63  }
0x231: {  	v61 =	vperm.xlane v25, v0;
	s10 =	rddreg [dreg:$0x1a];
	v26 =	vadd.s32 v2, v60  }
0x232: {  	[tilespmem:s0], [sflag:$0x1] =	stream.indirect_vreg.gather [hbm4b:s3+s2], $0x80, v27, vm0, $0xb8;
	[tilespmem:$0x10400] =	vst v63  }
0x233: {  	v62 =	vperm.xlane v25, v9;
	s0 =	rddreg [dreg:$0x1b];
	v27 =	vadd.s32 v2, v61  }
0x234: {  	[tilespmem:s10], [sflag:$0x1] =	stream.indirect_vreg.gather [hbm4b:s3+s2], $0x80, v59, vm0, $0xb8;
	[tilespmem:$0x10400] =	vst v63  }
0x235: {  	v32 =	vperm.xlane v25, v10;
	v63 =	vadd.s32 v2, v62;
	s10 =	rddreg [dreg:$0x1c]  }
0x236: {  	[tilespmem:s0], [sflag:$0x1] =	stream.indirect_vreg.gather [hbm4b:s3+s2], $0x80, v26, vm0, $0xb8;
	[tilespmem:$0x10400] =	vst v63  }
0x237: {  	v33 =	vperm.xlane v25, v11;
	s0 =	rddreg [dreg:$0x1d];
	v26 =	vadd.s32 v2, v32  }
0x238: {  	[tilespmem:s10], [sflag:$0x1] =	stream.indirect_vreg.gather [hbm4b:s3+s2], $0x80, v27, vm0, $0xb8;
	[tilespmem:$0x10400] =	vst v63  }
0x239: {  	v34 =	vperm.xlane v25, v13;
	s10 =	rddreg [dreg:$0x1e];
	v27 =	vadd.s32 v2, v33  }
0x23a: {  	[tilespmem:s0], [sflag:$0x1] =	stream.indirect_vreg.gather [hbm4b:s3+s2], $0x80, v63, vm0, $0xb8;
	[tilespmem:$0x10400] =	vst v63  }
0x23b: {  	v36 =	vperm.xlane v25, v14;
	v35 =	vadd.s32 v2, v34;
	s0 =	rddreg [dreg:$0x1f]  }
0x23c: {  	[tilespmem:s10], [sflag:$0x1] =	stream.indirect_vreg.gather [hbm4b:s3+s2], $0x80, v26, vm0, $0xb8;
	[tilespmem:$0x10400] =	vst v63  }
0x23d: {  	v37 =	vperm.xlane v25, v15;
	s10 =	sld [smem:$0x62D];
	v26 =	vadd.s32 v2, v36  }
0x23e: {  	[tilespmem:s0], [sflag:$0x1] =	stream.indirect_vreg.gather [hbm4b:s3+s2], $0x80, v27, vm0, $0xb8;
	[tilespmem:$0x10400] =	vst v63  }
0x23f: {  	v38 =	vperm.xlane v25, v16;
	s0 =	sld [smem:$0x62E];
	v27 =	vadd.s32 v2, v37  }
0x240: {  	[tilespmem:s10], [sflag:$0x1] =	stream.indirect_vreg.gather [hbm4b:s3+s2], $0x80, v35, vm0, $0xb8;
	[tilespmem:$0x10400] =	vst v63  }
0x241: {  	v25 =	vperm.xlane v25, v17;
	v39 =	vadd.s32 v2, v38;
	s10 =	sld [smem:$0x62F]  }
0x242: {  	[tilespmem:s0], [sflag:$0x1] =	stream.indirect_vreg.gather [hbm4b:s3+s2], $0x80, v26, vm0, $0xb8;
	[tilespmem:$0x10400] =	vst v63  }
0x243: {  	v25 =	vadd.s32 v2, v25;
	s0 =	sld [smem:$0x630]  }
0x244: {  	[tilespmem:s10], [sflag:$0x1] =	stream.indirect_vreg.gather [hbm4b:s3+s2], $0x80, v27, vm0, $0xb8;
	[tilespmem:$0x10400] =	vst v63  }
0x245: {  	s10 =	sld [smem:$0x631]  }
0x246: {  	[tilespmem:s0], [sflag:$0x1] =	stream.indirect_vreg.gather [hbm4b:s3+s2], $0x80, v39, vm0, $0xb8;
	[tilespmem:$0x10400] =	vst v63  }
0x247: {  	_ = 	snop  }
0x248: {  	[tilespmem:s10], [sflag:$0x1] =	stream.indirect_vreg.gather [hbm4b:s3+s2], $0x80, v25, vm0, $0xb8;
	[tilespmem:$0x10400] =	vst v63  }
0x249: {  	v25 =	vld [tilespmem:$0x20];
	_ =	sdelay $0x4  }
0x24a: {  	v26 =	vshll.u32 v25, $0x7  }
0x24b: {  	v25 =	vand.u32 $0x7, v25;
	v26 =	vand.u32 $0xFFFFFC00, v26  }
0x24c: {  	v25 =	vor.u32 v25, v26  }
0x24d: {  	v26 =	vperm.xlane v25, v1;
	_ =	sdelay $0x1  }
0x24e: {  	v27 =	vperm.xlane v25, v3;
	v26 =	vadd.s32 v2, v26;
	_ =	sdelay $0x1  }
0x24f: {  	s0 =	sld [smem:$0x632];
	v40 =	vperm.xlane v25, v4;
	v27 =	vadd.s32 v2, v27;
	_ =	sdelay $0x1  }
0x250: {  	s10 =	sld [smem:$0x633];
	v41 =	vperm.xlane v25, v5;
	v28 =	vadd.s32 v2, v40  }
0x251: {  	[tilespmem:s0], [sflag:$0x1] =	stream.indirect_vreg.gather [hbm4b:s3+s2], $0x80, v26, vm0, $0xb8;
	[tilespmem:$0x10400] =	vst v63  }
0x252: {  	v42 =	vperm.xlane v25, v6;
	s0 =	sld [smem:$0x634];
	v26 =	vadd.s32 v2, v41  }
0x253: {  	[tilespmem:s10], [sflag:$0x1] =	stream.indirect_vreg.gather [hbm4b:s3+s2], $0x80, v27, vm0, $0xb8;
	[tilespmem:$0x10400] =	vst v63  }
0x254: {  	v43 =	vperm.xlane v25, v7;
	s10 =	sld [smem:$0x635];
	v27 =	vadd.s32 v2, v42  }
0x255: {  	[tilespmem:s0], [sflag:$0x1] =	stream.indirect_vreg.gather [hbm4b:s3+s2], $0x80, v28, vm0, $0xb8;
	[tilespmem:$0x10400] =	vst v63  }
0x256: {  	v45 =	vperm.xlane v25, v8;
	v44 =	vadd.s32 v2, v43;
	s0 =	sld [smem:$0x636]  }
0x257: {  	[tilespmem:s10], [sflag:$0x1] =	stream.indirect_vreg.gather [hbm4b:s3+s2], $0x80, v26, vm0, $0xb8;
	[tilespmem:$0x10400] =	vst v63  }
0x258: {  	v46 =	vperm.xlane v25, v0;
	s10 =	sld [smem:$0x637];
	v26 =	vadd.s32 v2, v45  }
0x259: {  	[tilespmem:s0], [sflag:$0x1] =	stream.indirect_vreg.gather [hbm4b:s3+s2], $0x80, v27, vm0, $0xb8;
	[tilespmem:$0x10400] =	vst v63  }
0x25a: {  	v47 =	vperm.xlane v25, v9;
	s0 =	sld [smem:$0x638];
	v27 =	vadd.s32 v2, v46  }
0x25b: {  	[tilespmem:s10], [sflag:$0x1] =	stream.indirect_vreg.gather [hbm4b:s3+s2], $0x80, v44, vm0, $0xb8;
	[tilespmem:$0x10400] =	vst v63  }
0x25c: {  	v49 =	vperm.xlane v25, v10;
	v48 =	vadd.s32 v2, v47;
	s10 =	sld [smem:$0x639]  }
0x25d: {  	[tilespmem:s0], [sflag:$0x1] =	stream.indirect_vreg.gather [hbm4b:s3+s2], $0x80, v26, vm0, $0xb8;
	[tilespmem:$0x10400] =	vst v63  }
0x25e: {  	v50 =	vperm.xlane v25, v11;
	s0 =	sld [smem:$0x63A];
	v26 =	vadd.s32 v2, v49  }
0x25f: {  	[tilespmem:s10], [sflag:$0x1] =	stream.indirect_vreg.gather [hbm4b:s3+s2], $0x80, v27, vm0, $0xb8;
	[tilespmem:$0x10400] =	vst v63  }
0x260: {  	v51 =	vperm.xlane v25, v13;
	s10 =	sld [smem:$0x63B];
	v27 =	vadd.s32 v2, v50  }
0x261: {  	[tilespmem:s0], [sflag:$0x1] =	stream.indirect_vreg.gather [hbm4b:s3+s2], $0x80, v48, vm0, $0xb8;
	[tilespmem:$0x10400] =	vst v63  }
0x262: {  	v53 =	vperm.xlane v25, v14;
	v52 =	vadd.s32 v2, v51;
	s0 =	sld [smem:$0x63C]  }
0x263: {  	[tilespmem:s10], [sflag:$0x1] =	stream.indirect_vreg.gather [hbm4b:s3+s2], $0x80, v26, vm0, $0xb8;
	[tilespmem:$0x10400] =	vst v63  }
0x264: {  	v54 =	vperm.xlane v25, v15;
	s10 =	sld [smem:$0x63D];
	v26 =	vadd.s32 v2, v53  }
0x265: {  	[tilespmem:s0], [sflag:$0x1] =	stream.indirect_vreg.gather [hbm4b:s3+s2], $0x80, v27, vm0, $0xb8;
	[tilespmem:$0x10400] =	vst v63  }
0x266: {  	v55 =	vperm.xlane v25, v16;
	s0 =	sld [smem:$0x63E];
	v27 =	vadd.s32 v2, v54  }
0x267: {  	[tilespmem:s10], [sflag:$0x1] =	stream.indirect_vreg.gather [hbm4b:s3+s2], $0x80, v52, vm0, $0xb8;
	[tilespmem:$0x10400] =	vst v63  }
0x268: {  	v25 =	vperm.xlane v25, v17;
	v56 =	vadd.s32 v2, v55;
	s10 =	sld [smem:$0x63F]  }
0x269: {  	[tilespmem:s0], [sflag:$0x1] =	stream.indirect_vreg.gather [hbm4b:s3+s2], $0x80, v26, vm0, $0xb8;
	[tilespmem:$0x10400] =	vst v63  }
0x26a: {  	v25 =	vadd.s32 v2, v25;
	s0 =	sld [smem:$0x640]  }
0x26b: {  	[tilespmem:s10], [sflag:$0x1] =	stream.indirect_vreg.gather [hbm4b:s3+s2], $0x80, v27, vm0, $0xb8;
	[tilespmem:$0x10400] =	vst v63  }
0x26c: {  	s10 =	sld [smem:$0x641]  }
0x26d: {  	[tilespmem:s0], [sflag:$0x1] =	stream.indirect_vreg.gather [hbm4b:s3+s2], $0x80, v56, vm0, $0xb8;
	[tilespmem:$0x10400] =	vst v63  }
0x26e: {  	_ = 	snop  }
0x26f: {  	[tilespmem:s10], [sflag:$0x1] =	stream.indirect_vreg.gather [hbm4b:s3+s2], $0x80, v25, vm0, $0xb8;
	[tilespmem:$0x10400] =	vst v63  }
0x270: {  	v25 =	vld [tilespmem:$0x30];
	_ =	sdelay $0x4  }
0x271: {  	v26 =	vshll.u32 v25, $0x7  }
0x272: {  	v25 =	vand.u32 $0x7, v25;
	v26 =	vand.u32 $0xFFFFFC00, v26  }
0x273: {  	v25 =	vor.u32 v25, v26  }
0x274: {  	v26 =	vperm.xlane v25, v1;
	_ =	sdelay $0x1  }
0x275: {  	v27 =	vperm.xlane v25, v3;
	v26 =	vadd.s32 v2, v26;
	_ =	sdelay $0x1  }
0x276: {  	s0 =	sld [smem:$0x642];
	v57 =	vperm.xlane v25, v4;
	v27 =	vadd.s32 v2, v27;
	_ =	sdelay $0x1  }
0x277: {  	s10 =	sld [smem:$0x643];
	v58 =	vperm.xlane v25, v5;
	v28 =	vadd.s32 v2, v57  }
0x278: {  	[tilespmem:s0], [sflag:$0x1] =	stream.indirect_vreg.gather [hbm4b:s3+s2], $0x80, v26, vm0, $0xb8;
	[tilespmem:$0x10400] =	vst v63  }
0x279: {  	v59 =	vperm.xlane v25, v6;
	s0 =	sld [smem:$0x644];
	v26 =	vadd.s32 v2, v58  }
0x27a: {  	[tilespmem:s10], [sflag:$0x1] =	stream.indirect_vreg.gather [hbm4b:s3+s2], $0x80, v27, vm0, $0xb8;
	[tilespmem:$0x10400] =	vst v63  }
0x27b: {  	v60 =	vperm.xlane v25, v7;
	s10 =	sld [smem:$0x645];
	v27 =	vadd.s32 v2, v59  }
0x27c: {  	[tilespmem:s0], [sflag:$0x1] =	stream.indirect_vreg.gather [hbm4b:s3+s2], $0x80, v28, vm0, $0xb8;
	[tilespmem:$0x10400] =	vst v63  }
0x27d: {  	v61 =	vadd.s32 v2, v60;
	s0 =	sld [smem:$0x646]  }
0x27e: {  	[tilespmem:s10], [sflag:$0x1] =	stream.indirect_vreg.gather [hbm4b:s3+s2], $0x80, v26, vm0, $0xb8;
	[tilespmem:$0x10400] =	vst v63  }
0x27f: {  	s10 =	sld [smem:$0x647];
	v26 =	vperm.xlane v25, v8  }
0x280: {  	[tilespmem:s0], [sflag:$0x1] =	stream.indirect_vreg.gather [hbm4b:s3+s2], $0x80, v27, vm0, $0xb8;
	[tilespmem:$0x10400] =	vst v63  }
0x281: {  	v26 =	vadd.s32 v2, v26;
	v27 =	vperm.xlane v25, v0  }
0x282: {  	[tilespmem:s10], [sflag:$0x1] =	stream.indirect_vreg.gather [hbm4b:s3+s2], $0x80, v61, vm0, $0xb8;
	[tilespmem:$0x10400] =	vst v63  }
0x283: {  	v62 =	vperm.xlane v25, v9;
	v27 =	vadd.s32 v2, v27;
	s0 =	sld [smem:$0x648];
	_ =	sdelay $0x1  }
0x284: {  	v63 =	vperm.xlane v25, v10;
	v28 =	vadd.s32 v2, v62;
	s10 =	sld [smem:$0x649]  }
0x285: {  	[tilespmem:s0], [sflag:$0x1] =	stream.indirect_vreg.gather [hbm4b:s3+s2], $0x80, v26, vm0, $0xb8;
	[tilespmem:$0x10400] =	vst v63  }
0x286: {  	v32 =	vperm.xlane v25, v11;
	s0 =	sld [smem:$0x64A];
	v26 =	vadd.s32 v2, v63  }
0x287: {  	[tilespmem:s10], [sflag:$0x1] =	stream.indirect_vreg.gather [hbm4b:s3+s2], $0x80, v27, vm0, $0xb8;
	[tilespmem:$0x10400] =	vst v63  }
0x288: {  	v33 =	vperm.xlane v25, v13;
	s10 =	sld [smem:$0x64B];
	v27 =	vadd.s32 v2, v32  }
0x289: {  	[tilespmem:s0], [sflag:$0x1] =	stream.indirect_vreg.gather [hbm4b:s3+s2], $0x80, v28, vm0, $0xb8;
	[tilespmem:$0x10400] =	vst v63  }
0x28a: {  	v35 =	vperm.xlane v25, v14;
	v34 =	vadd.s32 v2, v33;
	s0 =	sld [smem:$0x64C]  }
0x28b: {  	[tilespmem:s10], [sflag:$0x1] =	stream.indirect_vreg.gather [hbm4b:s3+s2], $0x80, v26, vm0, $0xb8;
	[tilespmem:$0x10400] =	vst v63  }
0x28c: {  	v36 =	vperm.xlane v25, v15;
	s10 =	sld [smem:$0x64D];
	v26 =	vadd.s32 v2, v35  }
0x28d: {  	[tilespmem:s0], [sflag:$0x1] =	stream.indirect_vreg.gather [hbm4b:s3+s2], $0x80, v27, vm0, $0xb8;
	[tilespmem:$0x10400] =	vst v63  }
0x28e: {  	v37 =	vperm.xlane v25, v16;
	s0 =	sld [smem:$0x64E];
	v27 =	vadd.s32 v2, v36  }
0x28f: {  	[tilespmem:s10], [sflag:$0x1] =	stream.indirect_vreg.gather [hbm4b:s3+s2], $0x80, v34, vm0, $0xb8;
	[tilespmem:$0x10400] =	vst v63  }
0x290: {  	v38 =	vadd.s32 v2, v37;
	v25 =	vperm.xlane v25, v17;
	s10 =	sld [smem:$0x64F]  }
0x291: {  	[tilespmem:s0], [sflag:$0x1] =	stream.indirect_vreg.gather [hbm4b:s3+s2], $0x80, v26, vm0, $0xb8;
	[tilespmem:$0x10400] =	vst v63  }
0x292: {  	v25 =	vadd.s32 v2, v25;
	s0 =	sld [smem:$0x650]  }
0x293: {  	[tilespmem:s10], [sflag:$0x1] =	stream.indirect_vreg.gather [hbm4b:s3+s2], $0x80, v27, vm0, $0xb8;
	[tilespmem:$0x10400] =	vst v63  }
0x294: {  	s10 =	sld [smem:$0x651]  }
0x295: {  	[tilespmem:s0], [sflag:$0x1] =	stream.indirect_vreg.gather [hbm4b:s3+s2], $0x80, v38, vm0, $0xb8;
	[tilespmem:$0x10400] =	vst v63  }
0x296: {  	_ = 	snop  }
0x297: {  	[tilespmem:s10], [sflag:$0x1] =	stream.indirect_vreg.gather [hbm4b:s3+s2], $0x80, v25, vm0, $0xb8;
	[tilespmem:$0x10400] =	vst v63  }
0x298: {  	v25 =	vld [tilespmem:$0x40];
	_ =	sdelay $0x4  }
0x299: {  	v26 =	vshll.u32 v25, $0x7  }
0x29a: {  	v25 =	vand.u32 $0x7, v25;
	v26 =	vand.u32 $0xFFFFFC00, v26  }
0x29b: {  	v25 =	vor.u32 v25, v26  }
0x29c: {  	v26 =	vperm.xlane v25, v1;
	_ =	sdelay $0x1  }
0x29d: {  	v27 =	vperm.xlane v25, v3;
	v26 =	vadd.s32 v2, v26;
	_ =	sdelay $0x1  }
0x29e: {  	s0 =	sld [smem:$0x652];
	v39 =	vperm.xlane v25, v4;
	v27 =	vadd.s32 v2, v27;
	_ =	sdelay $0x1  }
0x29f: {  	s10 =	sld [smem:$0x653];
	v40 =	vperm.xlane v25, v5;
	v28 =	vadd.s32 v2, v39  }
0x2a0: {  	[tilespmem:s0], [sflag:$0x1] =	stream.indirect_vreg.gather [hbm4b:s3+s2], $0x80, v26, vm0, $0xb8;
	[tilespmem:$0x10400] =	vst v63  }
0x2a1: {  	v41 =	vperm.xlane v25, v6;
	s0 =	sld [smem:$0x654];
	v26 =	vadd.s32 v2, v40  }
0x2a2: {  	[tilespmem:s10], [sflag:$0x1] =	stream.indirect_vreg.gather [hbm4b:s3+s2], $0x80, v27, vm0, $0xb8;
	[tilespmem:$0x10400] =	vst v63  }
0x2a3: {  	v42 =	vperm.xlane v25, v7;
	s10 =	sld [smem:$0x655];
	v27 =	vadd.s32 v2, v41  }
0x2a4: {  	[tilespmem:s0], [sflag:$0x1] =	stream.indirect_vreg.gather [hbm4b:s3+s2], $0x80, v28, vm0, $0xb8;
	[tilespmem:$0x10400] =	vst v63  }
0x2a5: {  	v44 =	vperm.xlane v25, v8;
	v43 =	vadd.s32 v2, v42;
	s0 =	sld [smem:$0x656]  }
0x2a6: {  	[tilespmem:s10], [sflag:$0x1] =	stream.indirect_vreg.gather [hbm4b:s3+s2], $0x80, v26, vm0, $0xb8;
	[tilespmem:$0x10400] =	vst v63  }
0x2a7: {  	v45 =	vperm.xlane v25, v0;
	s10 =	sld [smem:$0x657];
	v26 =	vadd.s32 v2, v44  }
0x2a8: {  	[tilespmem:s0], [sflag:$0x1] =	stream.indirect_vreg.gather [hbm4b:s3+s2], $0x80, v27, vm0, $0xb8;
	[tilespmem:$0x10400] =	vst v63  }
0x2a9: {  	v46 =	vperm.xlane v25, v9;
	s0 =	sld [smem:$0x658];
	v27 =	vadd.s32 v2, v45  }
0x2aa: {  	[tilespmem:s10], [sflag:$0x1] =	stream.indirect_vreg.gather [hbm4b:s3+s2], $0x80, v43, vm0, $0xb8;
	[tilespmem:$0x10400] =	vst v63  }
0x2ab: {  	v48 =	vperm.xlane v25, v10;
	v47 =	vadd.s32 v2, v46;
	s10 =	sld [smem:$0x659]  }
0x2ac: {  	[tilespmem:s0], [sflag:$0x1] =	stream.indirect_vreg.gather [hbm4b:s3+s2], $0x80, v26, vm0, $0xb8;
	[tilespmem:$0x10400] =	vst v63  }
0x2ad: {  	v49 =	vperm.xlane v25, v11;
	s0 =	sld [smem:$0x65A];
	v26 =	vadd.s32 v2, v48  }
0x2ae: {  	[tilespmem:s10], [sflag:$0x1] =	stream.indirect_vreg.gather [hbm4b:s3+s2], $0x80, v27, vm0, $0xb8;
	[tilespmem:$0x10400] =	vst v63  }
0x2af: {  	v50 =	vperm.xlane v25, v13;
	s10 =	sld [smem:$0x65B];
	v27 =	vadd.s32 v2, v49  }
0x2b0: {  	[tilespmem:s0], [sflag:$0x1] =	stream.indirect_vreg.gather [hbm4b:s3+s2], $0x80, v47, vm0, $0xb8;
	[tilespmem:$0x10400] =	vst v63  }
0x2b1: {  	v52 =	vperm.xlane v25, v14;
	v51 =	vadd.s32 v2, v50;
	s0 =	sld [smem:$0x65C]  }
0x2b2: {  	[tilespmem:s10], [sflag:$0x1] =	stream.indirect_vreg.gather [hbm4b:s3+s2], $0x80, v26, vm0, $0xb8;
	[tilespmem:$0x10400] =	vst v63  }
0x2b3: {  	v53 =	vperm.xlane v25, v15;
	s10 =	sld [smem:$0x65D];
	v26 =	vadd.s32 v2, v52  }
0x2b4: {  	[tilespmem:s0], [sflag:$0x1] =	stream.indirect_vreg.gather [hbm4b:s3+s2], $0x80, v27, vm0, $0xb8;
	[tilespmem:$0x10400] =	vst v63  }
0x2b5: {  	v54 =	vperm.xlane v25, v16;
	s0 =	sld [smem:$0x65E];
	v27 =	vadd.s32 v2, v53  }
0x2b6: {  	[tilespmem:s10], [sflag:$0x1] =	stream.indirect_vreg.gather [hbm4b:s3+s2], $0x80, v51, vm0, $0xb8;
	[tilespmem:$0x10400] =	vst v63  }
0x2b7: {  	v25 =	vperm.xlane v25, v17;
	v55 =	vadd.s32 v2, v54;
	s10 =	sld [smem:$0x65F]  }
0x2b8: {  	[tilespmem:s0], [sflag:$0x1] =	stream.indirect_vreg.gather [hbm4b:s3+s2], $0x80, v26, vm0, $0xb8;
	[tilespmem:$0x10400] =	vst v63  }
0x2b9: {  	v25 =	vadd.s32 v2, v25;
	s0 =	sld [smem:$0x660]  }
0x2ba: {  	[tilespmem:s10], [sflag:$0x1] =	stream.indirect_vreg.gather [hbm4b:s3+s2], $0x80, v27, vm0, $0xb8;
	[tilespmem:$0x10400] =	vst v63  }
0x2bb: {  	s10 =	sld [smem:$0x661]  }
0x2bc: {  	[tilespmem:s0], [sflag:$0x1] =	stream.indirect_vreg.gather [hbm4b:s3+s2], $0x80, v55, vm0, $0xb8;
	[tilespmem:$0x10400] =	vst v63  }
0x2bd: {  	_ = 	snop  }
0x2be: {  	[tilespmem:s10], [sflag:$0x1] =	stream.indirect_vreg.gather [hbm4b:s3+s2], $0x80, v25, vm0, $0xb8;
	[tilespmem:$0x10400] =	vst v63  }
0x2bf: {  	v25 =	vld [tilespmem:$0x50];
	_ =	sdelay $0x4  }
0x2c0: {  	v26 =	vshll.u32 v25, $0x7  }
0x2c1: {  	v25 =	vand.u32 $0x7, v25;
	v26 =	vand.u32 $0xFFFFFC00, v26  }
0x2c2: {  	v25 =	vor.u32 v25, v26  }
0x2c3: {  	v26 =	vperm.xlane v25, v1;
	_ =	sdelay $0x1  }
0x2c4: {  	v27 =	vperm.xlane v25, v3;
	v26 =	vadd.s32 v2, v26;
	_ =	sdelay $0x1  }
0x2c5: {  	s0 =	sld [smem:$0x662];
	v56 =	vperm.xlane v25, v4;
	v27 =	vadd.s32 v2, v27;
	_ =	sdelay $0x1  }
0x2c6: {  	s10 =	sld [smem:$0x663];
	v57 =	vperm.xlane v25, v5;
	v28 =	vadd.s32 v2, v56  }
0x2c7: {  	[tilespmem:s0], [sflag:$0x1] =	stream.indirect_vreg.gather [hbm4b:s3+s2], $0x80, v26, vm0, $0xb8;
	[tilespmem:$0x10400] =	vst v63  }
0x2c8: {  	v58 =	vperm.xlane v25, v6;
	s0 =	sld [smem:$0x664];
	v26 =	vadd.s32 v2, v57  }
0x2c9: {  	[tilespmem:s10], [sflag:$0x1] =	stream.indirect_vreg.gather [hbm4b:s3+s2], $0x80, v27, vm0, $0xb8;
	[tilespmem:$0x10400] =	vst v63  }
0x2ca: {  	v59 =	vperm.xlane v25, v7;
	s10 =	sld [smem:$0x665];
	v27 =	vadd.s32 v2, v58  }
0x2cb: {  	[tilespmem:s0], [sflag:$0x1] =	stream.indirect_vreg.gather [hbm4b:s3+s2], $0x80, v28, vm0, $0xb8;
	[tilespmem:$0x10400] =	vst v63  }
0x2cc: {  	v61 =	vperm.xlane v25, v8;
	v60 =	vadd.s32 v2, v59;
	s0 =	sld [smem:$0x666]  }
0x2cd: {  	[tilespmem:s10], [sflag:$0x1] =	stream.indirect_vreg.gather [hbm4b:s3+s2], $0x80, v26, vm0, $0xb8;
	[tilespmem:$0x10400] =	vst v63  }
0x2ce: {  	v62 =	vperm.xlane v25, v0;
	s10 =	sld [smem:$0x667];
	v26 =	vadd.s32 v2, v61  }
0x2cf: {  	[tilespmem:s0], [sflag:$0x1] =	stream.indirect_vreg.gather [hbm4b:s3+s2], $0x80, v27, vm0, $0xb8;
	[tilespmem:$0x10400] =	vst v63  }
0x2d0: {  	v63 =	vperm.xlane v25, v9;
	s0 =	sld [smem:$0x668];
	v27 =	vadd.s32 v2, v62  }
0x2d1: {  	[tilespmem:s10], [sflag:$0x1] =	stream.indirect_vreg.gather [hbm4b:s3+s2], $0x80, v60, vm0, $0xb8;
	[tilespmem:$0x10400] =	vst v63  }
0x2d2: {  	v33 =	vperm.xlane v25, v10;
	v32 =	vadd.s32 v2, v63;
	s10 =	sld [smem:$0x669]  }
0x2d3: {  	[tilespmem:s0], [sflag:$0x1] =	stream.indirect_vreg.gather [hbm4b:s3+s2], $0x80, v26, vm0, $0xb8;
	[tilespmem:$0x10400] =	vst v63  }
0x2d4: {  	v34 =	vperm.xlane v25, v11;
	s0 =	sld [smem:$0x66A];
	v26 =	vadd.s32 v2, v33  }
0x2d5: {  	[tilespmem:s10], [sflag:$0x1] =	stream.indirect_vreg.gather [hbm4b:s3+s2], $0x80, v27, vm0, $0xb8;
	[tilespmem:$0x10400] =	vst v63  }
0x2d6: {  	v35 =	vperm.xlane v25, v13;
	s10 =	sld [smem:$0x66B];
	v27 =	vadd.s32 v2, v34  }
0x2d7: {  	[tilespmem:s0], [sflag:$0x1] =	stream.indirect_vreg.gather [hbm4b:s3+s2], $0x80, v32, vm0, $0xb8;
	[tilespmem:$0x10400] =	vst v63  }
0x2d8: {  	v37 =	vperm.xlane v25, v14;
	v36 =	vadd.s32 v2, v35;
	s0 =	sld [smem:$0x66C]  }
0x2d9: {  	[tilespmem:s10], [sflag:$0x1] =	stream.indirect_vreg.gather [hbm4b:s3+s2], $0x80, v26, vm0, $0xb8;
	[tilespmem:$0x10400] =	vst v63  }
0x2da: {  	v38 =	vperm.xlane v25, v15;
	s10 =	sld [smem:$0x66D];
	v26 =	vadd.s32 v2, v37  }
0x2db: {  	[tilespmem:s0], [sflag:$0x1] =	stream.indirect_vreg.gather [hbm4b:s3+s2], $0x80, v27, vm0, $0xb8;
	[tilespmem:$0x10400] =	vst v63  }
0x2dc: {  	v39 =	vperm.xlane v25, v16;
	s0 =	sld [smem:$0x66E];
	v27 =	vadd.s32 v2, v38  }
0x2dd: {  	[tilespmem:s10], [sflag:$0x1] =	stream.indirect_vreg.gather [hbm4b:s3+s2], $0x80, v36, vm0, $0xb8;
	[tilespmem:$0x10400] =	vst v63  }
0x2de: {  	v25 =	vperm.xlane v25, v17;
	v40 =	vadd.s32 v2, v39;
	s10 =	sld [smem:$0x66F]  }
0x2df: {  	[tilespmem:s0], [sflag:$0x1] =	stream.indirect_vreg.gather [hbm4b:s3+s2], $0x80, v26, vm0, $0xb8;
	[tilespmem:$0x10400] =	vst v63  }
0x2e0: {  	v25 =	vadd.s32 v2, v25;
	s0 =	sld [smem:$0x670]  }
0x2e1: {  	[tilespmem:s10], [sflag:$0x1] =	stream.indirect_vreg.gather [hbm4b:s3+s2], $0x80, v27, vm0, $0xb8;
	[tilespmem:$0x10400] =	vst v63  }
0x2e2: {  	s10 =	sld [smem:$0x671]  }
0x2e3: {  	[tilespmem:s0], [sflag:$0x1] =	stream.indirect_vreg.gather [hbm4b:s3+s2], $0x80, v40, vm0, $0xb8;
	[tilespmem:$0x10400] =	vst v63  }
0x2e4: {  	_ = 	snop  }
0x2e5: {  	[tilespmem:s10], [sflag:$0x1] =	stream.indirect_vreg.gather [hbm4b:s3+s2], $0x80, v25, vm0, $0xb8;
	[tilespmem:$0x10400] =	vst v63  }
0x2e6: {  	v25 =	vld [tilespmem:$0x60];
	_ =	sdelay $0x4  }
0x2e7: {  	v26 =	vshll.u32 v25, $0x7  }
0x2e8: {  	v25 =	vand.u32 $0x7, v25;
	v26 =	vand.u32 $0xFFFFFC00, v26  }
0x2e9: {  	v25 =	vor.u32 v25, v26  }
0x2ea: {  	v26 =	vperm.xlane v25, v1;
	_ =	sdelay $0x1  }
0x2eb: {  	v27 =	vperm.xlane v25, v3;
	v26 =	vadd.s32 v2, v26;
	_ =	sdelay $0x1  }
0x2ec: {  	s0 =	sld [smem:$0x672];
	v41 =	vperm.xlane v25, v4;
	v27 =	vadd.s32 v2, v27;
	_ =	sdelay $0x1  }
0x2ed: {  	s10 =	sld [smem:$0x673];
	v42 =	vperm.xlane v25, v5;
	v28 =	vadd.s32 v2, v41  }
0x2ee: {  	[tilespmem:s0], [sflag:$0x1] =	stream.indirect_vreg.gather [hbm4b:s3+s2], $0x80, v26, vm0, $0xb8;
	[tilespmem:$0x10400] =	vst v63  }
0x2ef: {  	v43 =	vperm.xlane v25, v6;
	s0 =	sld [smem:$0x674];
	v26 =	vadd.s32 v2, v42  }
0x2f0: {  	[tilespmem:s10], [sflag:$0x1] =	stream.indirect_vreg.gather [hbm4b:s3+s2], $0x80, v27, vm0, $0xb8;
	[tilespmem:$0x10400] =	vst v63  }
0x2f1: {  	v44 =	vperm.xlane v25, v7;
	s10 =	sld [smem:$0x675];
	v27 =	vadd.s32 v2, v43  }
0x2f2: {  	[tilespmem:s0], [sflag:$0x1] =	stream.indirect_vreg.gather [hbm4b:s3+s2], $0x80, v28, vm0, $0xb8;
	[tilespmem:$0x10400] =	vst v63  }
0x2f3: {  	v46 =	vperm.xlane v25, v8;
	v45 =	vadd.s32 v2, v44;
	s0 =	sld [smem:$0x676]  }
0x2f4: {  	[tilespmem:s10], [sflag:$0x1] =	stream.indirect_vreg.gather [hbm4b:s3+s2], $0x80, v26, vm0, $0xb8;
	[tilespmem:$0x10400] =	vst v63  }
0x2f5: {  	v47 =	vperm.xlane v25, v0;
	s10 =	sld [smem:$0x677];
	v26 =	vadd.s32 v2, v46  }
0x2f6: {  	[tilespmem:s0], [sflag:$0x1] =	stream.indirect_vreg.gather [hbm4b:s3+s2], $0x80, v27, vm0, $0xb8;
	[tilespmem:$0x10400] =	vst v63  }
0x2f7: {  	v48 =	vperm.xlane v25, v9;
	s0 =	sld [smem:$0x678];
	v27 =	vadd.s32 v2, v47  }
0x2f8: {  	[tilespmem:s10], [sflag:$0x1] =	stream.indirect_vreg.gather [hbm4b:s3+s2], $0x80, v45, vm0, $0xb8;
	[tilespmem:$0x10400] =	vst v63  }
0x2f9: {  	v50 =	vperm.xlane v25, v10;
	v49 =	vadd.s32 v2, v48;
	s10 =	sld [smem:$0x679]  }
0x2fa: {  	[tilespmem:s0], [sflag:$0x1] =	stream.indirect_vreg.gather [hbm4b:s3+s2], $0x80, v26, vm0, $0xb8;
	[tilespmem:$0x10400] =	vst v63  }
0x2fb: {  	v51 =	vperm.xlane v25, v11;
	s0 =	sld [smem:$0x67A];
	v26 =	vadd.s32 v2, v50  }
0x2fc: {  	[tilespmem:s10], [sflag:$0x1] =	stream.indirect_vreg.gather [hbm4b:s3+s2], $0x80, v27, vm0, $0xb8;
	[tilespmem:$0x10400] =	vst v63  }
0x2fd: {  	v52 =	vperm.xlane v25, v13;
	s10 =	sld [smem:$0x67B];
	v27 =	vadd.s32 v2, v51  }
0x2fe: {  	[tilespmem:s0], [sflag:$0x1] =	stream.indirect_vreg.gather [hbm4b:s3+s2], $0x80, v49, vm0, $0xb8;
	[tilespmem:$0x10400] =	vst v63  }
0x2ff: {  	v54 =	vperm.xlane v25, v14;
	v53 =	vadd.s32 v2, v52;
	s0 =	sld [smem:$0x67C]  }
0x300: {  	[tilespmem:s10], [sflag:$0x1] =	stream.indirect_vreg.gather [hbm4b:s3+s2], $0x80, v26, vm0, $0xb8;
	[tilespmem:$0x10400] =	vst v63  }
0x301: {  	v55 =	vperm.xlane v25, v15;
	s10 =	sld [smem:$0x67D];
	v26 =	vadd.s32 v2, v54  }
0x302: {  	[tilespmem:s0], [sflag:$0x1] =	stream.indirect_vreg.gather [hbm4b:s3+s2], $0x80, v27, vm0, $0xb8;
	[tilespmem:$0x10400] =	vst v63  }
0x303: {  	v56 =	vperm.xlane v25, v16;
	s0 =	sld [smem:$0x67E];
	v27 =	vadd.s32 v2, v55  }
0x304: {  	[tilespmem:s10], [sflag:$0x1] =	stream.indirect_vreg.gather [hbm4b:s3+s2], $0x80, v53, vm0, $0xb8;
	[tilespmem:$0x10400] =	vst v63  }
0x305: {  	v25 =	vperm.xlane v25, v17;
	v57 =	vadd.s32 v2, v56;
	s10 =	sld [smem:$0x67F]  }
0x306: {  	[tilespmem:s0], [sflag:$0x1] =	stream.indirect_vreg.gather [hbm4b:s3+s2], $0x80, v26, vm0, $0xb8;
	[tilespmem:$0x10400] =	vst v63  }
0x307: {  	v25 =	vadd.s32 v2, v25;
	s0 =	sld [smem:$0x680]  }
0x308: {  	[tilespmem:s10], [sflag:$0x1] =	stream.indirect_vreg.gather [hbm4b:s3+s2], $0x80, v27, vm0, $0xb8;
	[tilespmem:$0x10400] =	vst v63  }
0x309: {  	s10 =	sld [smem:$0x681]  }
0x30a: {  	[tilespmem:s0], [sflag:$0x1] =	stream.indirect_vreg.gather [hbm4b:s3+s2], $0x80, v57, vm0, $0xb8;
	[tilespmem:$0x10400] =	vst v63  }
0x30b: {  	_ = 	snop  }
0x30c: {  	[tilespmem:s10], [sflag:$0x1] =	stream.indirect_vreg.gather [hbm4b:s3+s2], $0x80, v25, vm0, $0xb8;
	[tilespmem:$0x10400] =	vst v63  }
0x30d: {  	v25 =	vld [tilespmem:$0x70];
	_ =	sdelay $0x4  }
0x30e: {  	v26 =	vshll.u32 v25, $0x7  }
0x30f: {  	v25 =	vand.u32 $0x7, v25;
	v26 =	vand.u32 $0xFFFFFC00, v26  }
0x310: {  	v25 =	vor.u32 v25, v26  }
0x311: {  	v26 =	vperm.xlane v25, v1;
	_ =	sdelay $0x1  }
0x312: {  	v27 =	vperm.xlane v25, v3;
	v26 =	vadd.s32 v2, v26;
	_ =	sdelay $0x1  }
0x313: {  	s0 =	sld [smem:$0x682];
	v58 =	vperm.xlane v25, v4;
	v27 =	vadd.s32 v2, v27;
	_ =	sdelay $0x1  }
0x314: {  	s10 =	sld [smem:$0x683];
	v59 =	vperm.xlane v25, v5;
	v28 =	vadd.s32 v2, v58  }
0x315: {  	[tilespmem:s0], [sflag:$0x1] =	stream.indirect_vreg.gather [hbm4b:s3+s2], $0x80, v26, vm0, $0xb8;
	[tilespmem:$0x10400] =	vst v63  }
0x316: {  	v60 =	vperm.xlane v25, v6;
	s0 =	sld [smem:$0x684];
	v26 =	vadd.s32 v2, v59  }
0x317: {  	[tilespmem:s10], [sflag:$0x1] =	stream.indirect_vreg.gather [hbm4b:s3+s2], $0x80, v27, vm0, $0xb8;
	[tilespmem:$0x10400] =	vst v63  }
0x318: {  	v61 =	vperm.xlane v25, v7;
	s10 =	sld [smem:$0x685];
	v27 =	vadd.s32 v2, v60  }
0x319: {  	[tilespmem:s0], [sflag:$0x1] =	stream.indirect_vreg.gather [hbm4b:s3+s2], $0x80, v28, vm0, $0xb8;
	[tilespmem:$0x10400] =	vst v63  }
0x31a: {  	v63 =	vperm.xlane v25, v8;
	v62 =	vadd.s32 v2, v61;
	s0 =	sld [smem:$0x686]  }
0x31b: {  	[tilespmem:s10], [sflag:$0x1] =	stream.indirect_vreg.gather [hbm4b:s3+s2], $0x80, v26, vm0, $0xb8;
	[tilespmem:$0x10400] =	vst v63  }
0x31c: {  	v32 =	vperm.xlane v25, v0;
	s10 =	sld [smem:$0x687];
	v26 =	vadd.s32 v2, v63  }
0x31d: {  	[tilespmem:s0], [sflag:$0x1] =	stream.indirect_vreg.gather [hbm4b:s3+s2], $0x80, v27, vm0, $0xb8;
	[tilespmem:$0x10400] =	vst v63  }
0x31e: {  	v33 =	vperm.xlane v25, v9;
	s0 =	sld [smem:$0x688];
	v27 =	vadd.s32 v2, v32  }
0x31f: {  	[tilespmem:s10], [sflag:$0x1] =	stream.indirect_vreg.gather [hbm4b:s3+s2], $0x80, v62, vm0, $0xb8;
	[tilespmem:$0x10400] =	vst v63  }
0x320: {  	v35 =	vperm.xlane v25, v10;
	v34 =	vadd.s32 v2, v33;
	s10 =	sld [smem:$0x689]  }
0x321: {  	[tilespmem:s0], [sflag:$0x1] =	stream.indirect_vreg.gather [hbm4b:s3+s2], $0x80, v26, vm0, $0xb8;
	[tilespmem:$0x10400] =	vst v63  }
0x322: {  	v36 =	vperm.xlane v25, v11;
	s0 =	sld [smem:$0x68A];
	v26 =	vadd.s32 v2, v35  }
0x323: {  	[tilespmem:s10], [sflag:$0x1] =	stream.indirect_vreg.gather [hbm4b:s3+s2], $0x80, v27, vm0, $0xb8;
	[tilespmem:$0x10400] =	vst v63  }
0x324: {  	v37 =	vperm.xlane v25, v13;
	s10 =	sld [smem:$0x68B];
	v27 =	vadd.s32 v2, v36  }
0x325: {  	[tilespmem:s0], [sflag:$0x1] =	stream.indirect_vreg.gather [hbm4b:s3+s2], $0x80, v34, vm0, $0xb8;
	[tilespmem:$0x10400] =	vst v63  }
0x326: {  	v39 =	vperm.xlane v25, v14;
	v38 =	vadd.s32 v2, v37;
	s0 =	sld [smem:$0x68C]  }
0x327: {  	[tilespmem:s10], [sflag:$0x1] =	stream.indirect_vreg.gather [hbm4b:s3+s2], $0x80, v26, vm0, $0xb8;
	[tilespmem:$0x10400] =	vst v63  }
0x328: {  	v40 =	vperm.xlane v25, v15;
	s10 =	sld [smem:$0x68D];
	v26 =	vadd.s32 v2, v39  }
0x329: {  	[tilespmem:s0], [sflag:$0x1] =	stream.indirect_vreg.gather [hbm4b:s3+s2], $0x80, v27, vm0, $0xb8;
	[tilespmem:$0x10400] =	vst v63  }
0x32a: {  	v41 =	vperm.xlane v25, v16;
	s0 =	sld [smem:$0x68E];
	v27 =	vadd.s32 v2, v40  }
0x32b: {  	[tilespmem:s10], [sflag:$0x1] =	stream.indirect_vreg.gather [hbm4b:s3+s2], $0x80, v38, vm0, $0xb8;
	[tilespmem:$0x10400] =	vst v63  }
0x32c: {  	v25 =	vperm.xlane v25, v17;
	v42 =	vadd.s32 v2, v41;
	s10 =	sld [smem:$0x68F]  }
0x32d: {  	[tilespmem:s0], [sflag:$0x1] =	stream.indirect_vreg.gather [hbm4b:s3+s2], $0x80, v26, vm0, $0xb8;
	[tilespmem:$0x10400] =	vst v63  }
0x32e: {  	v25 =	vadd.s32 v2, v25;
	s0 =	sld [smem:$0x690]  }
0x32f: {  	[tilespmem:s10], [sflag:$0x1] =	stream.indirect_vreg.gather [hbm4b:s3+s2], $0x80, v27, vm0, $0xb8;
	[tilespmem:$0x10400] =	vst v63  }
0x330: {  	s10 =	sld [smem:$0x691]  }
0x331: {  	[tilespmem:s0], [sflag:$0x1] =	stream.indirect_vreg.gather [hbm4b:s3+s2], $0x80, v42, vm0, $0xb8;
	[tilespmem:$0x10400] =	vst v63  }
0x332: {  	_ = 	snop  }
0x333: {  	[tilespmem:s10], [sflag:$0x1] =	stream.indirect_vreg.gather [hbm4b:s3+s2], $0x80, v25, vm0, $0xb8;
	[tilespmem:$0x10400] =	vst v63  }
0x334: {  	v25 =	vld [tilespmem:$0x80];
	_ =	sdelay $0x4  }
0x335: {  	v26 =	vshll.u32 v25, $0x7  }
0x336: {  	v25 =	vand.u32 $0x7, v25;
	v26 =	vand.u32 $0xFFFFFC00, v26  }
0x337: {  	v25 =	vor.u32 v25, v26  }
0x338: {  	v26 =	vperm.xlane v25, v1;
	_ =	sdelay $0x1  }
0x339: {  	v27 =	vperm.xlane v25, v3;
	v26 =	vadd.s32 v2, v26;
	_ =	sdelay $0x1  }
0x33a: {  	v43 =	vperm.xlane v25, v4;
	v27 =	vadd.s32 v2, v27;
	_ =	sdelay $0x1  }
0x33b: {  	s0 =	sld [smem:$0x692];
	v44 =	vperm.xlane v25, v5;
	v28 =	vadd.s32 v2, v43  }
0x33c: {  	[tilespmem:s8], [sflag:$0x1] =	stream.indirect_vreg.gather [hbm4b:s4+s2], $0x80, v26, vm0, $0xb8;
	[tilespmem:$0x10400] =	vst v63  }
0x33d: {  	s10 =	sld [smem:$0x693];
	v45 =	vperm.xlane v25, v6;
	v26 =	vadd.s32 v2, v44  }
0x33e: {  	[tilespmem:s0], [sflag:$0x1] =	stream.indirect_vreg.gather [hbm4b:s4+s2], $0x80, v27, vm0, $0xb8;
	[tilespmem:$0x10400] =	vst v63  }
0x33f: {  	v46 =	vperm.xlane v25, v7;
	s0 =	sld [smem:$0x694];
	v27 =	vadd.s32 v2, v45  }
0x340: {  	[tilespmem:s10], [sflag:$0x1] =	stream.indirect_vreg.gather [hbm4b:s4+s2], $0x80, v28, vm0, $0xb8;
	[tilespmem:$0x10400] =	vst v63  }
0x341: {  	v48 =	vperm.xlane v25, v8;
	v47 =	vadd.s32 v2, v46;
	s10 =	sld [smem:$0x695]  }
0x342: {  	[tilespmem:s0], [sflag:$0x1] =	stream.indirect_vreg.gather [hbm4b:s4+s2], $0x80, v26, vm0, $0xb8;
	[tilespmem:$0x10400] =	vst v63  }
0x343: {  	v49 =	vperm.xlane v25, v0;
	s0 =	sld [smem:$0x696];
	v26 =	vadd.s32 v2, v48  }
0x344: {  	[tilespmem:s10], [sflag:$0x1] =	stream.indirect_vreg.gather [hbm4b:s4+s2], $0x80, v27, vm0, $0xb8;
	[tilespmem:$0x10400] =	vst v63  }
0x345: {  	v50 =	vperm.xlane v25, v9;
	s10 =	sld [smem:$0x697];
	v27 =	vadd.s32 v2, v49  }
0x346: {  	[tilespmem:s0], [sflag:$0x1] =	stream.indirect_vreg.gather [hbm4b:s4+s2], $0x80, v47, vm0, $0xb8;
	[tilespmem:$0x10400] =	vst v63  }
0x347: {  	v52 =	vperm.xlane v25, v10;
	v51 =	vadd.s32 v2, v50;
	s0 =	sld [smem:$0x698]  }
0x348: {  	[tilespmem:s10], [sflag:$0x1] =	stream.indirect_vreg.gather [hbm4b:s4+s2], $0x80, v26, vm0, $0xb8;
	[tilespmem:$0x10400] =	vst v63  }
0x349: {  	v53 =	vperm.xlane v25, v11;
	s10 =	sld [smem:$0x699];
	v26 =	vadd.s32 v2, v52  }
0x34a: {  	[tilespmem:s0], [sflag:$0x1] =	stream.indirect_vreg.gather [hbm4b:s4+s2], $0x80, v27, vm0, $0xb8;
	[tilespmem:$0x10400] =	vst v63  }
0x34b: {  	v54 =	vperm.xlane v25, v13;
	s0 =	sld [smem:$0x69A];
	v27 =	vadd.s32 v2, v53  }
0x34c: {  	[tilespmem:s10], [sflag:$0x1] =	stream.indirect_vreg.gather [hbm4b:s4+s2], $0x80, v51, vm0, $0xb8;
	[tilespmem:$0x10400] =	vst v63  }
0x34d: {  	v56 =	vperm.xlane v25, v14;
	v55 =	vadd.s32 v2, v54;
	s10 =	sld [smem:$0x69B]  }
0x34e: {  	[tilespmem:s0], [sflag:$0x1] =	stream.indirect_vreg.gather [hbm4b:s4+s2], $0x80, v26, vm0, $0xb8;
	[tilespmem:$0x10400] =	vst v63  }
0x34f: {  	v57 =	vperm.xlane v25, v15;
	s0 =	sld [smem:$0x69C];
	v26 =	vadd.s32 v2, v56  }
0x350: {  	[tilespmem:s10], [sflag:$0x1] =	stream.indirect_vreg.gather [hbm4b:s4+s2], $0x80, v27, vm0, $0xb8;
	[tilespmem:$0x10400] =	vst v63  }
0x351: {  	v58 =	vperm.xlane v25, v16;
	s10 =	sld [smem:$0x69D];
	v27 =	vadd.s32 v2, v57  }
0x352: {  	[tilespmem:s0], [sflag:$0x1] =	stream.indirect_vreg.gather [hbm4b:s4+s2], $0x80, v55, vm0, $0xb8;
	[tilespmem:$0x10400] =	vst v63  }
0x353: {  	v25 =	vperm.xlane v25, v17;
	v59 =	vadd.s32 v2, v58;
	s0 =	sld [smem:$0x69E]  }
0x354: {  	[tilespmem:s10], [sflag:$0x1] =	stream.indirect_vreg.gather [hbm4b:s4+s2], $0x80, v26, vm0, $0xb8;
	[tilespmem:$0x10400] =	vst v63  }
0x355: {  	v25 =	vadd.s32 v2, v25;
	s10 =	sld [smem:$0x69F]  }
0x356: {  	[tilespmem:s0], [sflag:$0x1] =	stream.indirect_vreg.gather [hbm4b:s4+s2], $0x80, v27, vm0, $0xb8;
	[tilespmem:$0x10400] =	vst v63  }
0x357: {  	s0 =	sld [smem:$0x6A0]  }
0x358: {  	[tilespmem:s10], [sflag:$0x1] =	stream.indirect_vreg.gather [hbm4b:s4+s2], $0x80, v59, vm0, $0xb8;
	[tilespmem:$0x10400] =	vst v63  }
0x359: {  	_ = 	snop  }
0x35a: {  	[tilespmem:s0], [sflag:$0x1] =	stream.indirect_vreg.gather [hbm4b:s4+s2], $0x80, v25, vm0, $0xb8;
	[tilespmem:$0x10400] =	vst v63  }
0x35b: {  	v25 =	vld [tilespmem:$0x90];
	_ =	sdelay $0x4  }
0x35c: {  	v26 =	vshll.u32 v25, $0x7  }
0x35d: {  	v25 =	vand.u32 $0x7, v25;
	v26 =	vand.u32 $0xFFFFFC00, v26  }
0x35e: {  	v25 =	vor.u32 v25, v26  }
0x35f: {  	v26 =	vperm.xlane v25, v1;
	_ =	sdelay $0x1  }
0x360: {  	v27 =	vperm.xlane v25, v3;
	v26 =	vadd.s32 v2, v26;
	_ =	sdelay $0x1  }
0x361: {  	s0 =	sld [smem:$0x6A1];
	v60 =	vperm.xlane v25, v4;
	v27 =	vadd.s32 v2, v27;
	_ =	sdelay $0x1  }
0x362: {  	s10 =	sld [smem:$0x6A2];
	v61 =	vperm.xlane v25, v5;
	v28 =	vadd.s32 v2, v60  }
0x363: {  	[tilespmem:s0], [sflag:$0x1] =	stream.indirect_vreg.gather [hbm4b:s4+s2], $0x80, v26, vm0, $0xb8;
	[tilespmem:$0x10400] =	vst v63  }
0x364: {  	v62 =	vperm.xlane v25, v6;
	s0 =	sld [smem:$0x6A3];
	v26 =	vadd.s32 v2, v61  }
0x365: {  	[tilespmem:s10], [sflag:$0x1] =	stream.indirect_vreg.gather [hbm4b:s4+s2], $0x80, v27, vm0, $0xb8;
	[tilespmem:$0x10400] =	vst v63  }
0x366: {  	v63 =	vperm.xlane v25, v7;
	s10 =	sld [smem:$0x6A4];
	v27 =	vadd.s32 v2, v62  }
0x367: {  	[tilespmem:s0], [sflag:$0x1] =	stream.indirect_vreg.gather [hbm4b:s4+s2], $0x80, v28, vm0, $0xb8;
	[tilespmem:$0x10400] =	vst v63  }
0x368: {  	v33 =	vperm.xlane v25, v8;
	v32 =	vadd.s32 v2, v63;
	s0 =	sld [smem:$0x6A5]  }
0x369: {  	[tilespmem:s10], [sflag:$0x1] =	stream.indirect_vreg.gather [hbm4b:s4+s2], $0x80, v26, vm0, $0xb8;
	[tilespmem:$0x10400] =	vst v63  }
0x36a: {  	v34 =	vperm.xlane v25, v0;
	s10 =	sld [smem:$0x6A6];
	v26 =	vadd.s32 v2, v33  }
0x36b: {  	[tilespmem:s0], [sflag:$0x1] =	stream.indirect_vreg.gather [hbm4b:s4+s2], $0x80, v27, vm0, $0xb8;
	[tilespmem:$0x10400] =	vst v63  }
0x36c: {  	v35 =	vperm.xlane v25, v9;
	s0 =	sld [smem:$0x6A7];
	v27 =	vadd.s32 v2, v34  }
0x36d: {  	[tilespmem:s10], [sflag:$0x1] =	stream.indirect_vreg.gather [hbm4b:s4+s2], $0x80, v32, vm0, $0xb8;
	[tilespmem:$0x10400] =	vst v63  }
0x36e: {  	v37 =	vperm.xlane v25, v10;
	v36 =	vadd.s32 v2, v35;
	s10 =	sld [smem:$0x6A8]  }
0x36f: {  	[tilespmem:s0], [sflag:$0x1] =	stream.indirect_vreg.gather [hbm4b:s4+s2], $0x80, v26, vm0, $0xb8;
	[tilespmem:$0x10400] =	vst v63  }
0x370: {  	v38 =	vperm.xlane v25, v11;
	s0 =	sld [smem:$0x6A9];
	v26 =	vadd.s32 v2, v37  }
0x371: {  	[tilespmem:s10], [sflag:$0x1] =	stream.indirect_vreg.gather [hbm4b:s4+s2], $0x80, v27, vm0, $0xb8;
	[tilespmem:$0x10400] =	vst v63  }
0x372: {  	v39 =	vperm.xlane v25, v13;
	s10 =	sld [smem:$0x6AA];
	v27 =	vadd.s32 v2, v38  }
0x373: {  	[tilespmem:s0], [sflag:$0x1] =	stream.indirect_vreg.gather [hbm4b:s4+s2], $0x80, v36, vm0, $0xb8;
	[tilespmem:$0x10400] =	vst v63  }
0x374: {  	v41 =	vperm.xlane v25, v14;
	v40 =	vadd.s32 v2, v39;
	s0 =	sld [smem:$0x6AB]  }
0x375: {  	[tilespmem:s10], [sflag:$0x1] =	stream.indirect_vreg.gather [hbm4b:s4+s2], $0x80, v26, vm0, $0xb8;
	[tilespmem:$0x10400] =	vst v63  }
0x376: {  	v42 =	vperm.xlane v25, v15;
	s10 =	sld [smem:$0x6AC];
	v26 =	vadd.s32 v2, v41  }
0x377: {  	[tilespmem:s0], [sflag:$0x1] =	stream.indirect_vreg.gather [hbm4b:s4+s2], $0x80, v27, vm0, $0xb8;
	[tilespmem:$0x10400] =	vst v63  }
0x378: {  	v43 =	vperm.xlane v25, v16;
	s0 =	sld [smem:$0x6AD];
	v27 =	vadd.s32 v2, v42  }
0x379: {  	[tilespmem:s10], [sflag:$0x1] =	stream.indirect_vreg.gather [hbm4b:s4+s2], $0x80, v40, vm0, $0xb8;
	[tilespmem:$0x10400] =	vst v63  }
0x37a: {  	v25 =	vperm.xlane v25, v17;
	v44 =	vadd.s32 v2, v43;
	s10 =	sld [smem:$0x6AE]  }
0x37b: {  	[tilespmem:s0], [sflag:$0x1] =	stream.indirect_vreg.gather [hbm4b:s4+s2], $0x80, v26, vm0, $0xb8;
	[tilespmem:$0x10400] =	vst v63  }
0x37c: {  	v25 =	vadd.s32 v2, v25;
	s0 =	sld [smem:$0x6AF]  }
0x37d: {  	[tilespmem:s10], [sflag:$0x1] =	stream.indirect_vreg.gather [hbm4b:s4+s2], $0x80, v27, vm0, $0xb8;
	[tilespmem:$0x10400] =	vst v63  }
0x37e: {  	s10 =	sld [smem:$0x6B0]  }
0x37f: {  	[tilespmem:s0], [sflag:$0x1] =	stream.indirect_vreg.gather [hbm4b:s4+s2], $0x80, v44, vm0, $0xb8;
	[tilespmem:$0x10400] =	vst v63  }
0x380: {  	_ = 	snop  }
0x381: {  	[tilespmem:s10], [sflag:$0x1] =	stream.indirect_vreg.gather [hbm4b:s4+s2], $0x80, v25, vm0, $0xb8;
	[tilespmem:$0x10400] =	vst v63  }
0x382: {  	v25 =	vld [tilespmem:$0xA0];
	_ =	sdelay $0x4  }
0x383: {  	v26 =	vshll.u32 v25, $0x7  }
0x384: {  	v25 =	vand.u32 $0x7, v25;
	v26 =	vand.u32 $0xFFFFFC00, v26  }
0x385: {  	v25 =	vor.u32 v25, v26  }
0x386: {  	v26 =	vperm.xlane v25, v1;
	_ =	sdelay $0x1  }
0x387: {  	v27 =	vperm.xlane v25, v3;
	v26 =	vadd.s32 v2, v26;
	_ =	sdelay $0x1  }
0x388: {  	s0 =	sld [smem:$0x6B1];
	v45 =	vperm.xlane v25, v4;
	v27 =	vadd.s32 v2, v27;
	_ =	sdelay $0x1  }
0x389: {  	s10 =	sld [smem:$0x6B2];
	v46 =	vperm.xlane v25, v5;
	v28 =	vadd.s32 v2, v45  }
0x38a: {  	[tilespmem:s0], [sflag:$0x1] =	stream.indirect_vreg.gather [hbm4b:s4+s2], $0x80, v26, vm0, $0xb8;
	[tilespmem:$0x10400] =	vst v63  }
0x38b: {  	v47 =	vperm.xlane v25, v6;
	s0 =	sld [smem:$0x6B3];
	v26 =	vadd.s32 v2, v46  }
0x38c: {  	[tilespmem:s10], [sflag:$0x1] =	stream.indirect_vreg.gather [hbm4b:s4+s2], $0x80, v27, vm0, $0xb8;
	[tilespmem:$0x10400] =	vst v63  }
0x38d: {  	v48 =	vperm.xlane v25, v7;
	s10 =	sld [smem:$0x6B4];
	v27 =	vadd.s32 v2, v47  }
0x38e: {  	[tilespmem:s0], [sflag:$0x1] =	stream.indirect_vreg.gather [hbm4b:s4+s2], $0x80, v28, vm0, $0xb8;
	[tilespmem:$0x10400] =	vst v63  }
0x38f: {  	v50 =	vperm.xlane v25, v8;
	v49 =	vadd.s32 v2, v48;
	s0 =	sld [smem:$0x6B5]  }
0x390: {  	[tilespmem:s10], [sflag:$0x1] =	stream.indirect_vreg.gather [hbm4b:s4+s2], $0x80, v26, vm0, $0xb8;
	[tilespmem:$0x10400] =	vst v63  }
0x391: {  	v51 =	vperm.xlane v25, v0;
	s10 =	sld [smem:$0x6B6];
	v26 =	vadd.s32 v2, v50  }
0x392: {  	[tilespmem:s0], [sflag:$0x1] =	stream.indirect_vreg.gather [hbm4b:s4+s2], $0x80, v27, vm0, $0xb8;
	[tilespmem:$0x10400] =	vst v63  }
0x393: {  	v52 =	vperm.xlane v25, v9;
	s0 =	sld [smem:$0x6B7];
	v27 =	vadd.s32 v2, v51  }
0x394: {  	[tilespmem:s10], [sflag:$0x1] =	stream.indirect_vreg.gather [hbm4b:s4+s2], $0x80, v49, vm0, $0xb8;
	[tilespmem:$0x10400] =	vst v63  }
0x395: {  	v54 =	vperm.xlane v25, v10;
	v53 =	vadd.s32 v2, v52;
	s10 =	sld [smem:$0x6B8]  }
0x396: {  	[tilespmem:s0], [sflag:$0x1] =	stream.indirect_vreg.gather [hbm4b:s4+s2], $0x80, v26, vm0, $0xb8;
	[tilespmem:$0x10400] =	vst v63  }
0x397: {  	v55 =	vperm.xlane v25, v11;
	s0 =	sld [smem:$0x6B9];
	v26 =	vadd.s32 v2, v54  }
0x398: {  	[tilespmem:s10], [sflag:$0x1] =	stream.indirect_vreg.gather [hbm4b:s4+s2], $0x80, v27, vm0, $0xb8;
	[tilespmem:$0x10400] =	vst v63  }
0x399: {  	v56 =	vperm.xlane v25, v13;
	s10 =	sld [smem:$0x6BA];
	v27 =	vadd.s32 v2, v55  }
0x39a: {  	[tilespmem:s0], [sflag:$0x1] =	stream.indirect_vreg.gather [hbm4b:s4+s2], $0x80, v53, vm0, $0xb8;
	[tilespmem:$0x10400] =	vst v63  }
0x39b: {  	v58 =	vperm.xlane v25, v14;
	v57 =	vadd.s32 v2, v56;
	s0 =	sld [smem:$0x6BB]  }
0x39c: {  	[tilespmem:s10], [sflag:$0x1] =	stream.indirect_vreg.gather [hbm4b:s4+s2], $0x80, v26, vm0, $0xb8;
	[tilespmem:$0x10400] =	vst v63  }
0x39d: {  	v59 =	vperm.xlane v25, v15;
	s10 =	sld [smem:$0x6BC];
	v26 =	vadd.s32 v2, v58  }
0x39e: {  	[tilespmem:s0], [sflag:$0x1] =	stream.indirect_vreg.gather [hbm4b:s4+s2], $0x80, v27, vm0, $0xb8;
	[tilespmem:$0x10400] =	vst v63  }
0x39f: {  	v60 =	vperm.xlane v25, v16;
	s0 =	sld [smem:$0x6BD];
	v27 =	vadd.s32 v2, v59  }
0x3a0: {  	[tilespmem:s10], [sflag:$0x1] =	stream.indirect_vreg.gather [hbm4b:s4+s2], $0x80, v57, vm0, $0xb8;
	[tilespmem:$0x10400] =	vst v63  }
0x3a1: {  	v25 =	vperm.xlane v25, v17;
	v61 =	vadd.s32 v2, v60;
	s10 =	sld [smem:$0x6BE]  }
0x3a2: {  	[tilespmem:s0], [sflag:$0x1] =	stream.indirect_vreg.gather [hbm4b:s4+s2], $0x80, v26, vm0, $0xb8;
	[tilespmem:$0x10400] =	vst v63  }
0x3a3: {  	v25 =	vadd.s32 v2, v25;
	s0 =	sld [smem:$0x6BF]  }
0x3a4: {  	[tilespmem:s10], [sflag:$0x1] =	stream.indirect_vreg.gather [hbm4b:s4+s2], $0x80, v27, vm0, $0xb8;
	[tilespmem:$0x10400] =	vst v63  }
0x3a5: {  	s10 =	sld [smem:$0x6C0]  }
0x3a6: {  	[tilespmem:s0], [sflag:$0x1] =	stream.indirect_vreg.gather [hbm4b:s4+s2], $0x80, v61, vm0, $0xb8;
	[tilespmem:$0x10400] =	vst v63  }
0x3a7: {  	_ = 	snop  }
0x3a8: {  	[tilespmem:s10], [sflag:$0x1] =	stream.indirect_vreg.gather [hbm4b:s4+s2], $0x80, v25, vm0, $0xb8;
	[tilespmem:$0x10400] =	vst v63  }
0x3a9: {  	v25 =	vld [tilespmem:$0xB0];
	_ =	sdelay $0x4  }
0x3aa: {  	v26 =	vshll.u32 v25, $0x7  }
0x3ab: {  	v25 =	vand.u32 $0x7, v25;
	v26 =	vand.u32 $0xFFFFFC00, v26  }
0x3ac: {  	v25 =	vor.u32 v25, v26  }
0x3ad: {  	v26 =	vperm.xlane v25, v1;
	_ =	sdelay $0x1  }
0x3ae: {  	v27 =	vperm.xlane v25, v3;
	v26 =	vadd.s32 v2, v26;
	_ =	sdelay $0x1  }
0x3af: {  	s0 =	sld [smem:$0x6C1];
	v62 =	vperm.xlane v25, v4;
	v27 =	vadd.s32 v2, v27;
	_ =	sdelay $0x1  }
0x3b0: {  	s10 =	sld [smem:$0x6C2];
	v63 =	vperm.xlane v25, v5;
	v28 =	vadd.s32 v2, v62  }
0x3b1: {  	[tilespmem:s0], [sflag:$0x1] =	stream.indirect_vreg.gather [hbm4b:s4+s2], $0x80, v26, vm0, $0xb8;
	[tilespmem:$0x10400] =	vst v63  }
0x3b2: {  	v32 =	vperm.xlane v25, v6;
	s0 =	sld [smem:$0x6C3];
	v26 =	vadd.s32 v2, v63  }
0x3b3: {  	[tilespmem:s10], [sflag:$0x1] =	stream.indirect_vreg.gather [hbm4b:s4+s2], $0x80, v27, vm0, $0xb8;
	[tilespmem:$0x10400] =	vst v63  }
0x3b4: {  	v33 =	vperm.xlane v25, v7;
	s10 =	sld [smem:$0x6C4];
	v27 =	vadd.s32 v2, v32  }
0x3b5: {  	[tilespmem:s0], [sflag:$0x1] =	stream.indirect_vreg.gather [hbm4b:s4+s2], $0x80, v28, vm0, $0xb8;
	[tilespmem:$0x10400] =	vst v63  }
0x3b6: {  	v35 =	vperm.xlane v25, v8;
	v34 =	vadd.s32 v2, v33;
	s0 =	sld [smem:$0x6C5]  }
0x3b7: {  	[tilespmem:s10], [sflag:$0x1] =	stream.indirect_vreg.gather [hbm4b:s4+s2], $0x80, v26, vm0, $0xb8;
	[tilespmem:$0x10400] =	vst v63  }
0x3b8: {  	v36 =	vperm.xlane v25, v0;
	s10 =	sld [smem:$0x6C6];
	v26 =	vadd.s32 v2, v35  }
0x3b9: {  	[tilespmem:s0], [sflag:$0x1] =	stream.indirect_vreg.gather [hbm4b:s4+s2], $0x80, v27, vm0, $0xb8;
	[tilespmem:$0x10400] =	vst v63  }
0x3ba: {  	v37 =	vperm.xlane v25, v9;
	s0 =	sld [smem:$0x6C7];
	v27 =	vadd.s32 v2, v36  }
0x3bb: {  	[tilespmem:s10], [sflag:$0x1] =	stream.indirect_vreg.gather [hbm4b:s4+s2], $0x80, v34, vm0, $0xb8;
	[tilespmem:$0x10400] =	vst v63  }
0x3bc: {  	v39 =	vperm.xlane v25, v10;
	v38 =	vadd.s32 v2, v37;
	s10 =	sld [smem:$0x6C8]  }
0x3bd: {  	[tilespmem:s0], [sflag:$0x1] =	stream.indirect_vreg.gather [hbm4b:s4+s2], $0x80, v26, vm0, $0xb8;
	[tilespmem:$0x10400] =	vst v63  }
0x3be: {  	v40 =	vperm.xlane v25, v11;
	s0 =	sld [smem:$0x6C9];
	v26 =	vadd.s32 v2, v39  }
0x3bf: {  	[tilespmem:s10], [sflag:$0x1] =	stream.indirect_vreg.gather [hbm4b:s4+s2], $0x80, v27, vm0, $0xb8;
	[tilespmem:$0x10400] =	vst v63  }
0x3c0: {  	v41 =	vperm.xlane v25, v13;
	s10 =	sld [smem:$0x6CA];
	v27 =	vadd.s32 v2, v40  }
0x3c1: {  	[tilespmem:s0], [sflag:$0x1] =	stream.indirect_vreg.gather [hbm4b:s4+s2], $0x80, v38, vm0, $0xb8;
	[tilespmem:$0x10400] =	vst v63  }
0x3c2: {  	v43 =	vperm.xlane v25, v14;
	v42 =	vadd.s32 v2, v41;
	s0 =	sld [smem:$0x6CB]  }
0x3c3: {  	[tilespmem:s10], [sflag:$0x1] =	stream.indirect_vreg.gather [hbm4b:s4+s2], $0x80, v26, vm0, $0xb8;
	[tilespmem:$0x10400] =	vst v63  }
0x3c4: {  	v44 =	vperm.xlane v25, v15;
	s10 =	sld [smem:$0x6CC];
	v26 =	vadd.s32 v2, v43  }
0x3c5: {  	[tilespmem:s0], [sflag:$0x1] =	stream.indirect_vreg.gather [hbm4b:s4+s2], $0x80, v27, vm0, $0xb8;
	[tilespmem:$0x10400] =	vst v63  }
0x3c6: {  	v45 =	vperm.xlane v25, v16;
	s0 =	sld [smem:$0x6CD];
	v27 =	vadd.s32 v2, v44  }
0x3c7: {  	[tilespmem:s10], [sflag:$0x1] =	stream.indirect_vreg.gather [hbm4b:s4+s2], $0x80, v42, vm0, $0xb8;
	[tilespmem:$0x10400] =	vst v63  }
0x3c8: {  	v25 =	vperm.xlane v25, v17;
	v46 =	vadd.s32 v2, v45;
	s10 =	sld [smem:$0x6CE]  }
0x3c9: {  	[tilespmem:s0], [sflag:$0x1] =	stream.indirect_vreg.gather [hbm4b:s4+s2], $0x80, v26, vm0, $0xb8;
	[tilespmem:$0x10400] =	vst v63  }
0x3ca: {  	v25 =	vadd.s32 v2, v25;
	s0 =	sld [smem:$0x6CF]  }
0x3cb: {  	[tilespmem:s10], [sflag:$0x1] =	stream.indirect_vreg.gather [hbm4b:s4+s2], $0x80, v27, vm0, $0xb8;
	[tilespmem:$0x10400] =	vst v63  }
0x3cc: {  	s10 =	sld [smem:$0x6D0]  }
0x3cd: {  	[tilespmem:s0], [sflag:$0x1] =	stream.indirect_vreg.gather [hbm4b:s4+s2], $0x80, v46, vm0, $0xb8;
	[tilespmem:$0x10400] =	vst v63  }
0x3ce: {  	_ = 	snop  }
0x3cf: {  	[tilespmem:s10], [sflag:$0x1] =	stream.indirect_vreg.gather [hbm4b:s4+s2], $0x80, v25, vm0, $0xb8;
	[tilespmem:$0x10400] =	vst v63  }
0x3d0: {  	v25 =	vld [tilespmem:$0xC0];
	_ =	sdelay $0x4  }
0x3d1: {  	v26 =	vshll.u32 v25, $0x7  }
0x3d2: {  	v25 =	vand.u32 $0x7, v25;
	v26 =	vand.u32 $0xFFFFFC00, v26  }
0x3d3: {  	v25 =	vor.u32 v25, v26  }
0x3d4: {  	v26 =	vperm.xlane v25, v1;
	_ =	sdelay $0x1  }
0x3d5: {  	v27 =	vperm.xlane v25, v3;
	v26 =	vadd.s32 v2, v26;
	_ =	sdelay $0x1  }
0x3d6: {  	s0 =	sld [smem:$0x6D1];
	v47 =	vperm.xlane v25, v4;
	v27 =	vadd.s32 v2, v27;
	_ =	sdelay $0x1  }
0x3d7: {  	s10 =	sld [smem:$0x6D2];
	v48 =	vperm.xlane v25, v5;
	v28 =	vadd.s32 v2, v47  }
0x3d8: {  	[tilespmem:s0], [sflag:$0x1] =	stream.indirect_vreg.gather [hbm4b:s4+s2], $0x80, v26, vm0, $0xb8;
	[tilespmem:$0x10400] =	vst v63  }
0x3d9: {  	v49 =	vperm.xlane v25, v6;
	s0 =	sld [smem:$0x6D3];
	v26 =	vadd.s32 v2, v48  }
0x3da: {  	[tilespmem:s10], [sflag:$0x1] =	stream.indirect_vreg.gather [hbm4b:s4+s2], $0x80, v27, vm0, $0xb8;
	[tilespmem:$0x10400] =	vst v63  }
0x3db: {  	v50 =	vperm.xlane v25, v7;
	s10 =	sld [smem:$0x6D4];
	v27 =	vadd.s32 v2, v49  }
0x3dc: {  	[tilespmem:s0], [sflag:$0x1] =	stream.indirect_vreg.gather [hbm4b:s4+s2], $0x80, v28, vm0, $0xb8;
	[tilespmem:$0x10400] =	vst v63  }
0x3dd: {  	v52 =	vperm.xlane v25, v8;
	v51 =	vadd.s32 v2, v50;
	s0 =	sld [smem:$0x6D5]  }
0x3de: {  	[tilespmem:s10], [sflag:$0x1] =	stream.indirect_vreg.gather [hbm4b:s4+s2], $0x80, v26, vm0, $0xb8;
	[tilespmem:$0x10400] =	vst v63  }
0x3df: {  	v53 =	vperm.xlane v25, v0;
	s10 =	sld [smem:$0x6D6];
	v26 =	vadd.s32 v2, v52  }
0x3e0: {  	[tilespmem:s0], [sflag:$0x1] =	stream.indirect_vreg.gather [hbm4b:s4+s2], $0x80, v27, vm0, $0xb8;
	[tilespmem:$0x10400] =	vst v63  }
0x3e1: {  	v54 =	vperm.xlane v25, v9;
	s0 =	sld [smem:$0x6D7];
	v27 =	vadd.s32 v2, v53  }
0x3e2: {  	[tilespmem:s10], [sflag:$0x1] =	stream.indirect_vreg.gather [hbm4b:s4+s2], $0x80, v51, vm0, $0xb8;
	[tilespmem:$0x10400] =	vst v63  }
0x3e3: {  	v56 =	vperm.xlane v25, v10;
	v55 =	vadd.s32 v2, v54;
	s10 =	sld [smem:$0x6D8]  }
0x3e4: {  	[tilespmem:s0], [sflag:$0x1] =	stream.indirect_vreg.gather [hbm4b:s4+s2], $0x80, v26, vm0, $0xb8;
	[tilespmem:$0x10400] =	vst v63  }
0x3e5: {  	v57 =	vperm.xlane v25, v11;
	s0 =	sld [smem:$0x6D9];
	v26 =	vadd.s32 v2, v56  }
0x3e6: {  	[tilespmem:s10], [sflag:$0x1] =	stream.indirect_vreg.gather [hbm4b:s4+s2], $0x80, v27, vm0, $0xb8;
	[tilespmem:$0x10400] =	vst v63  }
0x3e7: {  	v58 =	vperm.xlane v25, v13;
	s10 =	sld [smem:$0x6DA];
	v27 =	vadd.s32 v2, v57  }
0x3e8: {  	[tilespmem:s0], [sflag:$0x1] =	stream.indirect_vreg.gather [hbm4b:s4+s2], $0x80, v55, vm0, $0xb8;
	[tilespmem:$0x10400] =	vst v63  }
0x3e9: {  	v60 =	vperm.xlane v25, v14;
	v59 =	vadd.s32 v2, v58;
	s0 =	sld [smem:$0x6DB]  }
0x3ea: {  	[tilespmem:s10], [sflag:$0x1] =	stream.indirect_vreg.gather [hbm4b:s4+s2], $0x80, v26, vm0, $0xb8;
	[tilespmem:$0x10400] =	vst v63  }
0x3eb: {  	v61 =	vperm.xlane v25, v15;
	s10 =	sld [smem:$0x6DC];
	v26 =	vadd.s32 v2, v60  }
0x3ec: {  	[tilespmem:s0], [sflag:$0x1] =	stream.indirect_vreg.gather [hbm4b:s4+s2], $0x80, v27, vm0, $0xb8;
	[tilespmem:$0x10400] =	vst v63  }
0x3ed: {  	v62 =	vperm.xlane v25, v16;
	s0 =	sld [smem:$0x6DD];
	v27 =	vadd.s32 v2, v61  }
0x3ee: {  	[tilespmem:s10], [sflag:$0x1] =	stream.indirect_vreg.gather [hbm4b:s4+s2], $0x80, v59, vm0, $0xb8;
	[tilespmem:$0x10400] =	vst v63  }
0x3ef: {  	v25 =	vperm.xlane v25, v17;
	v63 =	vadd.s32 v2, v62;
	s10 =	sld [smem:$0x6DE]  }
0x3f0: {  	[tilespmem:s0], [sflag:$0x1] =	stream.indirect_vreg.gather [hbm4b:s4+s2], $0x80, v26, vm0, $0xb8;
	[tilespmem:$0x10400] =	vst v63  }
0x3f1: {  	v25 =	vadd.s32 v2, v25;
	s0 =	sld [smem:$0x6DF]  }
0x3f2: {  	[tilespmem:s10], [sflag:$0x1] =	stream.indirect_vreg.gather [hbm4b:s4+s2], $0x80, v27, vm0, $0xb8;
	[tilespmem:$0x10400] =	vst v63  }
0x3f3: {  	s10 =	sld [smem:$0x6E0]  }
0x3f4: {  	[tilespmem:s0], [sflag:$0x1] =	stream.indirect_vreg.gather [hbm4b:s4+s2], $0x80, v63, vm0, $0xb8;
	[tilespmem:$0x10400] =	vst v63  }
0x3f5: {  	_ = 	snop  }
0x3f6: {  	[tilespmem:s10], [sflag:$0x1] =	stream.indirect_vreg.gather [hbm4b:s4+s2], $0x80, v25, vm0, $0xb8;
	[tilespmem:$0x10400] =	vst v63  }
0x3f7: {  	v25 =	vld [tilespmem:$0xD0];
	_ =	sdelay $0x4  }
0x3f8: {  	v26 =	vshll.u32 v25, $0x7  }
0x3f9: {  	v25 =	vand.u32 $0x7, v25;
	v26 =	vand.u32 $0xFFFFFC00, v26  }
0x3fa: {  	v25 =	vor.u32 v25, v26  }
0x3fb: {  	v26 =	vperm.xlane v25, v1;
	_ =	sdelay $0x1  }
0x3fc: {  	v27 =	vperm.xlane v25, v3;
	v26 =	vadd.s32 v2, v26;
	_ =	sdelay $0x1  }
0x3fd: {  	s0 =	sld [smem:$0x6E1];
	v32 =	vperm.xlane v25, v4;
	v27 =	vadd.s32 v2, v27;
	_ =	sdelay $0x1  }
0x3fe: {  	s10 =	sld [smem:$0x6E2];
	v33 =	vperm.xlane v25, v5;
	v28 =	vadd.s32 v2, v32  }
0x3ff: {  	[tilespmem:s0], [sflag:$0x1] =	stream.indirect_vreg.gather [hbm4b:s4+s2], $0x80, v26, vm0, $0xb8;
	[tilespmem:$0x10400] =	vst v63  }
0x400: {  	v34 =	vperm.xlane v25, v6;
	s0 =	sld [smem:$0x6E3];
	v26 =	vadd.s32 v2, v33  }
0x401: {  	[tilespmem:s10], [sflag:$0x1] =	stream.indirect_vreg.gather [hbm4b:s4+s2], $0x80, v27, vm0, $0xb8;
	[tilespmem:$0x10400] =	vst v63  }
0x402: {  	v35 =	vperm.xlane v25, v7;
	s10 =	sld [smem:$0x6E4];
	v27 =	vadd.s32 v2, v34  }
0x403: {  	[tilespmem:s0], [sflag:$0x1] =	stream.indirect_vreg.gather [hbm4b:s4+s2], $0x80, v28, vm0, $0xb8;
	[tilespmem:$0x10400] =	vst v63  }
0x404: {  	v37 =	vperm.xlane v25, v8;
	v36 =	vadd.s32 v2, v35;
	s0 =	sld [smem:$0x6E5]  }
0x405: {  	[tilespmem:s10], [sflag:$0x1] =	stream.indirect_vreg.gather [hbm4b:s4+s2], $0x80, v26, vm0, $0xb8;
	[tilespmem:$0x10400] =	vst v63  }
0x406: {  	v38 =	vperm.xlane v25, v0;
	s10 =	sld [smem:$0x6E6];
	v26 =	vadd.s32 v2, v37  }
0x407: {  	[tilespmem:s0], [sflag:$0x1] =	stream.indirect_vreg.gather [hbm4b:s4+s2], $0x80, v27, vm0, $0xb8;
	[tilespmem:$0x10400] =	vst v63  }
0x408: {  	v39 =	vperm.xlane v25, v9;
	s0 =	sld [smem:$0x6E7];
	v27 =	vadd.s32 v2, v38  }
0x409: {  	[tilespmem:s10], [sflag:$0x1] =	stream.indirect_vreg.gather [hbm4b:s4+s2], $0x80, v36, vm0, $0xb8;
	[tilespmem:$0x10400] =	vst v63  }
0x40a: {  	v41 =	vperm.xlane v25, v10;
	v40 =	vadd.s32 v2, v39;
	s10 =	sld [smem:$0x6E8]  }
0x40b: {  	[tilespmem:s0], [sflag:$0x1] =	stream.indirect_vreg.gather [hbm4b:s4+s2], $0x80, v26, vm0, $0xb8;
	[tilespmem:$0x10400] =	vst v63  }
0x40c: {  	v42 =	vperm.xlane v25, v11;
	s0 =	sld [smem:$0x6E9];
	v26 =	vadd.s32 v2, v41  }
0x40d: {  	[tilespmem:s10], [sflag:$0x1] =	stream.indirect_vreg.gather [hbm4b:s4+s2], $0x80, v27, vm0, $0xb8;
	[tilespmem:$0x10400] =	vst v63  }
0x40e: {  	v43 =	vperm.xlane v25, v13;
	s10 =	sld [smem:$0x6EA];
	v27 =	vadd.s32 v2, v42  }
0x40f: {  	[tilespmem:s0], [sflag:$0x1] =	stream.indirect_vreg.gather [hbm4b:s4+s2], $0x80, v40, vm0, $0xb8;
	[tilespmem:$0x10400] =	vst v63  }
0x410: {  	v45 =	vperm.xlane v25, v14;
	v44 =	vadd.s32 v2, v43;
	s0 =	sld [smem:$0x6EB]  }
0x411: {  	[tilespmem:s10], [sflag:$0x1] =	stream.indirect_vreg.gather [hbm4b:s4+s2], $0x80, v26, vm0, $0xb8;
	[tilespmem:$0x10400] =	vst v63  }
0x412: {  	v46 =	vperm.xlane v25, v15;
	s10 =	sld [smem:$0x6EC];
	v26 =	vadd.s32 v2, v45  }
0x413: {  	[tilespmem:s0], [sflag:$0x1] =	stream.indirect_vreg.gather [hbm4b:s4+s2], $0x80, v27, vm0, $0xb8;
	[tilespmem:$0x10400] =	vst v63  }
0x414: {  	v47 =	vperm.xlane v25, v16;
	s0 =	sld [smem:$0x6ED];
	v27 =	vadd.s32 v2, v46  }
0x415: {  	[tilespmem:s10], [sflag:$0x1] =	stream.indirect_vreg.gather [hbm4b:s4+s2], $0x80, v44, vm0, $0xb8;
	[tilespmem:$0x10400] =	vst v63  }
0x416: {  	v25 =	vperm.xlane v25, v17;
	v48 =	vadd.s32 v2, v47;
	s10 =	sld [smem:$0x6EE]  }
0x417: {  	[tilespmem:s0], [sflag:$0x1] =	stream.indirect_vreg.gather [hbm4b:s4+s2], $0x80, v26, vm0, $0xb8;
	[tilespmem:$0x10400] =	vst v63  }
0x418: {  	v25 =	vadd.s32 v2, v25;
	s0 =	sld [smem:$0x6EF]  }
0x419: {  	[tilespmem:s10], [sflag:$0x1] =	stream.indirect_vreg.gather [hbm4b:s4+s2], $0x80, v27, vm0, $0xb8;
	[tilespmem:$0x10400] =	vst v63  }
0x41a: {  	s10 =	sld [smem:$0x6F0]  }
0x41b: {  	[tilespmem:s0], [sflag:$0x1] =	stream.indirect_vreg.gather [hbm4b:s4+s2], $0x80, v48, vm0, $0xb8;
	[tilespmem:$0x10400] =	vst v63  }
0x41c: {  	_ = 	snop  }
0x41d: {  	[tilespmem:s10], [sflag:$0x1] =	stream.indirect_vreg.gather [hbm4b:s4+s2], $0x80, v25, vm0, $0xb8;
	[tilespmem:$0x10400] =	vst v63  }
0x41e: {  	v25 =	vld [tilespmem:$0xE0];
	_ =	sdelay $0x4  }
0x41f: {  	v26 =	vshll.u32 v25, $0x7  }
0x420: {  	v25 =	vand.u32 $0x7, v25;
	v26 =	vand.u32 $0xFFFFFC00, v26  }
0x421: {  	v25 =	vor.u32 v25, v26  }
0x422: {  	v26 =	vperm.xlane v25, v1;
	_ =	sdelay $0x1  }
0x423: {  	v27 =	vperm.xlane v25, v3;
	v26 =	vadd.s32 v2, v26;
	_ =	sdelay $0x1  }
0x424: {  	s0 =	sld [smem:$0x6F1];
	v49 =	vperm.xlane v25, v4;
	v27 =	vadd.s32 v2, v27;
	_ =	sdelay $0x1  }
0x425: {  	s10 =	sld [smem:$0x6F2];
	v50 =	vperm.xlane v25, v5;
	v28 =	vadd.s32 v2, v49  }
0x426: {  	[tilespmem:s0], [sflag:$0x1] =	stream.indirect_vreg.gather [hbm4b:s4+s2], $0x80, v26, vm0, $0xb8;
	[tilespmem:$0x10400] =	vst v63  }
0x427: {  	v51 =	vperm.xlane v25, v6;
	s0 =	sld [smem:$0x6F3];
	v26 =	vadd.s32 v2, v50  }
0x428: {  	[tilespmem:s10], [sflag:$0x1] =	stream.indirect_vreg.gather [hbm4b:s4+s2], $0x80, v27, vm0, $0xb8;
	[tilespmem:$0x10400] =	vst v63  }
0x429: {  	v52 =	vperm.xlane v25, v7;
	s10 =	sld [smem:$0x6F4];
	v27 =	vadd.s32 v2, v51  }
0x42a: {  	[tilespmem:s0], [sflag:$0x1] =	stream.indirect_vreg.gather [hbm4b:s4+s2], $0x80, v28, vm0, $0xb8;
	[tilespmem:$0x10400] =	vst v63  }
0x42b: {  	v54 =	vperm.xlane v25, v8;
	v53 =	vadd.s32 v2, v52;
	s0 =	sld [smem:$0x6F5]  }
0x42c: {  	[tilespmem:s10], [sflag:$0x1] =	stream.indirect_vreg.gather [hbm4b:s4+s2], $0x80, v26, vm0, $0xb8;
	[tilespmem:$0x10400] =	vst v63  }
0x42d: {  	v55 =	vperm.xlane v25, v0;
	s10 =	sld [smem:$0x6F6];
	v26 =	vadd.s32 v2, v54  }
0x42e: {  	[tilespmem:s0], [sflag:$0x1] =	stream.indirect_vreg.gather [hbm4b:s4+s2], $0x80, v27, vm0, $0xb8;
	[tilespmem:$0x10400] =	vst v63  }
0x42f: {  	v56 =	vperm.xlane v25, v9;
	s0 =	sld [smem:$0x6F7];
	v27 =	vadd.s32 v2, v55  }
0x430: {  	[tilespmem:s10], [sflag:$0x1] =	stream.indirect_vreg.gather [hbm4b:s4+s2], $0x80, v53, vm0, $0xb8;
	[tilespmem:$0x10400] =	vst v63  }
0x431: {  	v58 =	vperm.xlane v25, v10;
	v57 =	vadd.s32 v2, v56;
	s10 =	sld [smem:$0x6F8]  }
0x432: {  	[tilespmem:s0], [sflag:$0x1] =	stream.indirect_vreg.gather [hbm4b:s4+s2], $0x80, v26, vm0, $0xb8;
	[tilespmem:$0x10400] =	vst v63  }
0x433: {  	v59 =	vperm.xlane v25, v11;
	s0 =	sld [smem:$0x6F9];
	v26 =	vadd.s32 v2, v58  }
0x434: {  	[tilespmem:s10], [sflag:$0x1] =	stream.indirect_vreg.gather [hbm4b:s4+s2], $0x80, v27, vm0, $0xb8;
	[tilespmem:$0x10400] =	vst v63  }
0x435: {  	v60 =	vperm.xlane v25, v13;
	s10 =	sld [smem:$0x6FA];
	v27 =	vadd.s32 v2, v59  }
0x436: {  	[tilespmem:s0], [sflag:$0x1] =	stream.indirect_vreg.gather [hbm4b:s4+s2], $0x80, v57, vm0, $0xb8;
	[tilespmem:$0x10400] =	vst v63  }
0x437: {  	v62 =	vperm.xlane v25, v14;
	v61 =	vadd.s32 v2, v60;
	s0 =	sld [smem:$0x6FB]  }
0x438: {  	[tilespmem:s10], [sflag:$0x1] =	stream.indirect_vreg.gather [hbm4b:s4+s2], $0x80, v26, vm0, $0xb8;
	[tilespmem:$0x10400] =	vst v63  }
0x439: {  	v63 =	vperm.xlane v25, v15;
	s10 =	sld [smem:$0x6FC];
	v26 =	vadd.s32 v2, v62  }
0x43a: {  	[tilespmem:s0], [sflag:$0x1] =	stream.indirect_vreg.gather [hbm4b:s4+s2], $0x80, v27, vm0, $0xb8;
	[tilespmem:$0x10400] =	vst v63  }
0x43b: {  	v32 =	vperm.xlane v25, v16;
	s0 =	sld [smem:$0x6FD];
	v27 =	vadd.s32 v2, v63  }
0x43c: {  	[tilespmem:s10], [sflag:$0x1] =	stream.indirect_vreg.gather [hbm4b:s4+s2], $0x80, v61, vm0, $0xb8;
	[tilespmem:$0x10400] =	vst v63  }
0x43d: {  	v25 =	vperm.xlane v25, v17;
	v33 =	vadd.s32 v2, v32;
	s10 =	sld [smem:$0x6FE]  }
0x43e: {  	[tilespmem:s0], [sflag:$0x1] =	stream.indirect_vreg.gather [hbm4b:s4+s2], $0x80, v26, vm0, $0xb8;
	[tilespmem:$0x10400] =	vst v63  }
0x43f: {  	v25 =	vadd.s32 v2, v25;
	s0 =	sld [smem:$0x6FF]  }
0x440: {  	[tilespmem:s10], [sflag:$0x1] =	stream.indirect_vreg.gather [hbm4b:s4+s2], $0x80, v27, vm0, $0xb8;
	[tilespmem:$0x10400] =	vst v63  }
0x441: {  	s10 =	sld [smem:$0x700]  }
0x442: {  	[tilespmem:s0], [sflag:$0x1] =	stream.indirect_vreg.gather [hbm4b:s4+s2], $0x80, v33, vm0, $0xb8;
	[tilespmem:$0x10400] =	vst v63  }
0x443: {  	_ = 	snop  }
0x444: {  	[tilespmem:s10], [sflag:$0x1] =	stream.indirect_vreg.gather [hbm4b:s4+s2], $0x80, v25, vm0, $0xb8;
	[tilespmem:$0x10400] =	vst v63  }
0x445: {  	v25 =	vld [tilespmem:$0xF0];
	_ =	sdelay $0x4  }
0x446: {  	v26 =	vshll.u32 v25, $0x7  }
0x447: {  	v25 =	vand.u32 $0x7, v25;
	v26 =	vand.u32 $0xFFFFFC00, v26  }
0x448: {  	v25 =	vor.u32 v25, v26  }
0x449: {  	v26 =	vperm.xlane v25, v1;
	_ =	sdelay $0x1  }
0x44a: {  	v27 =	vperm.xlane v25, v3;
	v26 =	vadd.s32 v2, v26;
	_ =	sdelay $0x1  }
0x44b: {  	s0 =	sld [smem:$0x701];
	v34 =	vperm.xlane v25, v4;
	v27 =	vadd.s32 v2, v27;
	_ =	sdelay $0x1  }
0x44c: {  	s10 =	sld [smem:$0x702];
	v35 =	vperm.xlane v25, v5;
	v28 =	vadd.s32 v2, v34  }
0x44d: {  	[tilespmem:s0], [sflag:$0x1] =	stream.indirect_vreg.gather [hbm4b:s4+s2], $0x80, v26, vm0, $0xb8;
	[tilespmem:$0x10400] =	vst v63  }
0x44e: {  	v36 =	vperm.xlane v25, v6;
	s0 =	sld [smem:$0x703];
	v26 =	vadd.s32 v2, v35  }
0x44f: {  	[tilespmem:s10], [sflag:$0x1] =	stream.indirect_vreg.gather [hbm4b:s4+s2], $0x80, v27, vm0, $0xb8;
	[tilespmem:$0x10400] =	vst v63  }
0x450: {  	v37 =	vperm.xlane v25, v7;
	s10 =	sld [smem:$0x704];
	v27 =	vadd.s32 v2, v36  }
0x451: {  	[tilespmem:s0], [sflag:$0x1] =	stream.indirect_vreg.gather [hbm4b:s4+s2], $0x80, v28, vm0, $0xb8;
	[tilespmem:$0x10400] =	vst v63  }
0x452: {  	v39 =	vperm.xlane v25, v8;
	v38 =	vadd.s32 v2, v37;
	s0 =	sld [smem:$0x705]  }
0x453: {  	[tilespmem:s10], [sflag:$0x1] =	stream.indirect_vreg.gather [hbm4b:s4+s2], $0x80, v26, vm0, $0xb8;
	[tilespmem:$0x10400] =	vst v63  }
0x454: {  	v40 =	vperm.xlane v25, v0;
	s10 =	sld [smem:$0x706];
	v26 =	vadd.s32 v2, v39  }
0x455: {  	[tilespmem:s0], [sflag:$0x1] =	stream.indirect_vreg.gather [hbm4b:s4+s2], $0x80, v27, vm0, $0xb8;
	[tilespmem:$0x10400] =	vst v63  }
0x456: {  	v41 =	vperm.xlane v25, v9;
	s0 =	sld [smem:$0x707];
	v27 =	vadd.s32 v2, v40  }
0x457: {  	[tilespmem:s10], [sflag:$0x1] =	stream.indirect_vreg.gather [hbm4b:s4+s2], $0x80, v38, vm0, $0xb8;
	[tilespmem:$0x10400] =	vst v63  }
0x458: {  	v43 =	vperm.xlane v25, v10;
	v42 =	vadd.s32 v2, v41;
	s10 =	sld [smem:$0x708]  }
0x459: {  	[tilespmem:s0], [sflag:$0x1] =	stream.indirect_vreg.gather [hbm4b:s4+s2], $0x80, v26, vm0, $0xb8;
	[tilespmem:$0x10400] =	vst v63  }
0x45a: {  	v44 =	vperm.xlane v25, v11;
	s0 =	sld [smem:$0x709];
	v26 =	vadd.s32 v2, v43  }
0x45b: {  	[tilespmem:s10], [sflag:$0x1] =	stream.indirect_vreg.gather [hbm4b:s4+s2], $0x80, v27, vm0, $0xb8;
	[tilespmem:$0x10400] =	vst v63  }
0x45c: {  	v45 =	vperm.xlane v25, v13;
	s10 =	sld [smem:$0x70A];
	v27 =	vadd.s32 v2, v44  }
0x45d: {  	[tilespmem:s0], [sflag:$0x1] =	stream.indirect_vreg.gather [hbm4b:s4+s2], $0x80, v42, vm0, $0xb8;
	[tilespmem:$0x10400] =	vst v63  }
0x45e: {  	v47 =	vperm.xlane v25, v14;
	v46 =	vadd.s32 v2, v45;
	s0 =	sld [smem:$0x70B]  }
0x45f: {  	[tilespmem:s10], [sflag:$0x1] =	stream.indirect_vreg.gather [hbm4b:s4+s2], $0x80, v26, vm0, $0xb8;
	[tilespmem:$0x10400] =	vst v63  }
0x460: {  	v48 =	vperm.xlane v25, v15;
	s10 =	sld [smem:$0x70C];
	v26 =	vadd.s32 v2, v47  }
0x461: {  	[tilespmem:s0], [sflag:$0x1] =	stream.indirect_vreg.gather [hbm4b:s4+s2], $0x80, v27, vm0, $0xb8;
	[tilespmem:$0x10400] =	vst v63  }
0x462: {  	v49 =	vperm.xlane v25, v16;
	s0 =	sld [smem:$0x70D];
	v27 =	vadd.s32 v2, v48  }
0x463: {  	[tilespmem:s10], [sflag:$0x1] =	stream.indirect_vreg.gather [hbm4b:s4+s2], $0x80, v46, vm0, $0xb8;
	[tilespmem:$0x10400] =	vst v63  }
0x464: {  	v25 =	vperm.xlane v25, v17;
	v50 =	vadd.s32 v2, v49;
	s10 =	sld [smem:$0x70E]  }
0x465: {  	[tilespmem:s0], [sflag:$0x1] =	stream.indirect_vreg.gather [hbm4b:s4+s2], $0x80, v26, vm0, $0xb8;
	[tilespmem:$0x10400] =	vst v63  }
0x466: {  	v25 =	vadd.s32 v2, v25;
	s0 =	sld [smem:$0x70F]  }
0x467: {  	[tilespmem:s10], [sflag:$0x1] =	stream.indirect_vreg.gather [hbm4b:s4+s2], $0x80, v27, vm0, $0xb8;
	[tilespmem:$0x10400] =	vst v63  }
0x468: {  	s10 =	sld [smem:$0x717]  }
0x469: {  	[tilespmem:s0], [sflag:$0x1] =	stream.indirect_vreg.gather [hbm4b:s4+s2], $0x80, v50, vm0, $0xb8;
	[tilespmem:$0x10400] =	vst v63  }
0x46a: {  	_ = 	snop  }
0x46b: {  	[tilespmem:s10], [sflag:$0x1] =	stream.indirect_vreg.gather [hbm4b:s4+s2], $0x80, v25, vm0, $0xb8;
	[tilespmem:$0x10400] =	vst v63  }
0x46c: {  	v25 =	vld [tilespmem:$0x100];
	_ =	sdelay $0x4  }
0x46d: {  	v26 =	vshll.u32 v25, $0x7  }
0x46e: {  	v25 =	vand.u32 $0x7, v25;
	v26 =	vand.u32 $0xFFFFFC00, v26  }
0x46f: {  	v25 =	vor.u32 v25, v26  }
0x470: {  	v26 =	vperm.xlane v25, v1;
	_ =	sdelay $0x1  }
0x471: {  	v27 =	vperm.xlane v25, v3;
	v26 =	vadd.s32 v2, v26;
	_ =	sdelay $0x1  }
0x472: {  	v51 =	vperm.xlane v25, v4;
	v27 =	vadd.s32 v2, v27;
	_ =	sdelay $0x1  }
0x473: {  	s0 =	sld [smem:$0x715];
	v52 =	vperm.xlane v25, v5;
	v28 =	vadd.s32 v2, v51  }
0x474: {  	[tilespmem:s9], [sflag:$0x1] =	stream.indirect_vreg.gather [hbm4b:s5+s2], $0x80, v26, vm0, $0xb8;
	[tilespmem:$0x10400] =	vst v63  }
0x475: {  	s10 =	sld [smem:$0x714];
	v53 =	vperm.xlane v25, v6;
	v26 =	vadd.s32 v2, v52  }
0x476: {  	[tilespmem:s0], [sflag:$0x1] =	stream.indirect_vreg.gather [hbm4b:s5+s2], $0x80, v27, vm0, $0xb8;
	[tilespmem:$0x10400] =	vst v63  }
0x477: {  	v54 =	vperm.xlane v25, v7;
	s0 =	sld [smem:$0x713];
	v27 =	vadd.s32 v2, v53  }
0x478: {  	[tilespmem:s10], [sflag:$0x1] =	stream.indirect_vreg.gather [hbm4b:s5+s2], $0x80, v28, vm0, $0xb8;
	[tilespmem:$0x10400] =	vst v63  }
0x479: {  	v56 =	vperm.xlane v25, v8;
	v55 =	vadd.s32 v2, v54;
	s10 =	sld [smem:$0x712]  }
0x47a: {  	[tilespmem:s0], [sflag:$0x1] =	stream.indirect_vreg.gather [hbm4b:s5+s2], $0x80, v26, vm0, $0xb8;
	[tilespmem:$0x10400] =	vst v63  }
0x47b: {  	v57 =	vperm.xlane v25, v0;
	s0 =	sld [smem:$0x711];
	v26 =	vadd.s32 v2, v56  }
0x47c: {  	[tilespmem:s10], [sflag:$0x1] =	stream.indirect_vreg.gather [hbm4b:s5+s2], $0x80, v27, vm0, $0xb8;
	[tilespmem:$0x10400] =	vst v63  }
0x47d: {  	v58 =	vperm.xlane v25, v9;
	s10 =	sld [smem:$0x710];
	v27 =	vadd.s32 v2, v57  }
0x47e: {  	[tilespmem:s0], [sflag:$0x1] =	stream.indirect_vreg.gather [hbm4b:s5+s2], $0x80, v55, vm0, $0xb8;
	[tilespmem:$0x10400] =	vst v63  }
0x47f: {  	v60 =	vperm.xlane v25, v10;
	v59 =	vadd.s32 v2, v58;
	s0 =	sld [smem:$0x718]  }
0x480: {  	[tilespmem:s10], [sflag:$0x1] =	stream.indirect_vreg.gather [hbm4b:s5+s2], $0x80, v26, vm0, $0xb8;
	[tilespmem:$0x10400] =	vst v63  }
0x481: {  	v61 =	vperm.xlane v25, v11;
	s10 =	sld [smem:$0x719];
	v26 =	vadd.s32 v2, v60  }
0x482: {  	[tilespmem:s0], [sflag:$0x1] =	stream.indirect_vreg.gather [hbm4b:s5+s2], $0x80, v27, vm0, $0xb8;
	[tilespmem:$0x10400] =	vst v63  }
0x483: {  	v62 =	vperm.xlane v25, v13;
	s0 =	sld [smem:$0x71A];
	v27 =	vadd.s32 v2, v61  }
0x484: {  	[tilespmem:s10], [sflag:$0x1] =	stream.indirect_vreg.gather [hbm4b:s5+s2], $0x80, v59, vm0, $0xb8;
	[tilespmem:$0x10400] =	vst v63  }
0x485: {  	v32 =	vperm.xlane v25, v14;
	v63 =	vadd.s32 v2, v62;
	s10 =	sld [smem:$0x71B]  }
0x486: {  	[tilespmem:s0], [sflag:$0x1] =	stream.indirect_vreg.gather [hbm4b:s5+s2], $0x80, v26, vm0, $0xb8;
	[tilespmem:$0x10400] =	vst v63  }
0x487: {  	v33 =	vperm.xlane v25, v15;
	s0 =	sld [smem:$0x71C];
	v26 =	vadd.s32 v2, v32  }
0x488: {  	[tilespmem:s10], [sflag:$0x1] =	stream.indirect_vreg.gather [hbm4b:s5+s2], $0x80, v27, vm0, $0xb8;
	[tilespmem:$0x10400] =	vst v63  }
0x489: {  	v34 =	vperm.xlane v25, v16;
	s10 =	sld [smem:$0x71D];
	v27 =	vadd.s32 v2, v33  }
0x48a: {  	[tilespmem:s0], [sflag:$0x1] =	stream.indirect_vreg.gather [hbm4b:s5+s2], $0x80, v63, vm0, $0xb8;
	[tilespmem:$0x10400] =	vst v63  }
0x48b: {  	v25 =	vperm.xlane v25, v17;
	v35 =	vadd.s32 v2, v34;
	s0 =	sld [smem:$0x71E]  }
0x48c: {  	[tilespmem:s10], [sflag:$0x1] =	stream.indirect_vreg.gather [hbm4b:s5+s2], $0x80, v26, vm0, $0xb8;
	[tilespmem:$0x10400] =	vst v63  }
0x48d: {  	v25 =	vadd.s32 v2, v25;
	s10 =	sld [smem:$0x71F]  }
0x48e: {  	[tilespmem:s0], [sflag:$0x1] =	stream.indirect_vreg.gather [hbm4b:s5+s2], $0x80, v27, vm0, $0xb8;
	[tilespmem:$0x10400] =	vst v63  }
0x48f: {  	s0 =	sld [smem:$0x720]  }
0x490: {  	[tilespmem:s10], [sflag:$0x1] =	stream.indirect_vreg.gather [hbm4b:s5+s2], $0x80, v35, vm0, $0xb8;
	[tilespmem:$0x10400] =	vst v63  }
0x491: {  	_ = 	snop  }
0x492: {  	[tilespmem:s0], [sflag:$0x1] =	stream.indirect_vreg.gather [hbm4b:s5+s2], $0x80, v25, vm0, $0xb8;
	[tilespmem:$0x10400] =	vst v63  }
0x493: {  	v25 =	vld [tilespmem:$0x110];
	_ =	sdelay $0x4  }
0x494: {  	v26 =	vshll.u32 v25, $0x7  }
0x495: {  	v25 =	vand.u32 $0x7, v25;
	v26 =	vand.u32 $0xFFFFFC00, v26  }
0x496: {  	v25 =	vor.u32 v25, v26  }
0x497: {  	v26 =	vperm.xlane v25, v1;
	_ =	sdelay $0x1  }
0x498: {  	v27 =	vperm.xlane v25, v3;
	v26 =	vadd.s32 v2, v26;
	_ =	sdelay $0x1  }
0x499: {  	s0 =	sld [smem:$0x721];
	v36 =	vperm.xlane v25, v4;
	v27 =	vadd.s32 v2, v27;
	_ =	sdelay $0x1  }
0x49a: {  	s10 =	sld [smem:$0x722];
	v37 =	vperm.xlane v25, v5;
	v28 =	vadd.s32 v2, v36  }
0x49b: {  	[tilespmem:s0], [sflag:$0x1] =	stream.indirect_vreg.gather [hbm4b:s5+s2], $0x80, v26, vm0, $0xb8;
	[tilespmem:$0x10400] =	vst v63  }
0x49c: {  	v38 =	vperm.xlane v25, v6;
	s0 =	sld [smem:$0x723];
	v26 =	vadd.s32 v2, v37  }
0x49d: {  	[tilespmem:s10], [sflag:$0x1] =	stream.indirect_vreg.gather [hbm4b:s5+s2], $0x80, v27, vm0, $0xb8;
	[tilespmem:$0x10400] =	vst v63  }
0x49e: {  	v39 =	vperm.xlane v25, v7;
	s10 =	sld [smem:$0x724];
	v27 =	vadd.s32 v2, v38  }
0x49f: {  	[tilespmem:s0], [sflag:$0x1] =	stream.indirect_vreg.gather [hbm4b:s5+s2], $0x80, v28, vm0, $0xb8;
	[tilespmem:$0x10400] =	vst v63  }
0x4a0: {  	v41 =	vperm.xlane v25, v8;
	v40 =	vadd.s32 v2, v39;
	s0 =	sld [smem:$0x725]  }
0x4a1: {  	[tilespmem:s10], [sflag:$0x1] =	stream.indirect_vreg.gather [hbm4b:s5+s2], $0x80, v26, vm0, $0xb8;
	[tilespmem:$0x10400] =	vst v63  }
0x4a2: {  	v42 =	vperm.xlane v25, v0;
	s10 =	sld [smem:$0x726];
	v26 =	vadd.s32 v2, v41  }
0x4a3: {  	[tilespmem:s0], [sflag:$0x1] =	stream.indirect_vreg.gather [hbm4b:s5+s2], $0x80, v27, vm0, $0xb8;
	[tilespmem:$0x10400] =	vst v63  }
0x4a4: {  	v43 =	vperm.xlane v25, v9;
	s0 =	sld [smem:$0x727];
	v27 =	vadd.s32 v2, v42  }
0x4a5: {  	[tilespmem:s10], [sflag:$0x1] =	stream.indirect_vreg.gather [hbm4b:s5+s2], $0x80, v40, vm0, $0xb8;
	[tilespmem:$0x10400] =	vst v63  }
0x4a6: {  	v45 =	vperm.xlane v25, v10;
	v44 =	vadd.s32 v2, v43;
	s10 =	sld [smem:$0x728]  }
0x4a7: {  	[tilespmem:s0], [sflag:$0x1] =	stream.indirect_vreg.gather [hbm4b:s5+s2], $0x80, v26, vm0, $0xb8;
	[tilespmem:$0x10400] =	vst v63  }
0x4a8: {  	v46 =	vperm.xlane v25, v11;
	s0 =	sld [smem:$0x729];
	v26 =	vadd.s32 v2, v45  }
0x4a9: {  	[tilespmem:s10], [sflag:$0x1] =	stream.indirect_vreg.gather [hbm4b:s5+s2], $0x80, v27, vm0, $0xb8;
	[tilespmem:$0x10400] =	vst v63  }
0x4aa: {  	v47 =	vperm.xlane v25, v13;
	s10 =	sld [smem:$0x72A];
	v27 =	vadd.s32 v2, v46  }
0x4ab: {  	[tilespmem:s0], [sflag:$0x1] =	stream.indirect_vreg.gather [hbm4b:s5+s2], $0x80, v44, vm0, $0xb8;
	[tilespmem:$0x10400] =	vst v63  }
0x4ac: {  	v49 =	vperm.xlane v25, v14;
	v48 =	vadd.s32 v2, v47;
	s0 =	sld [smem:$0x72B]  }
0x4ad: {  	[tilespmem:s10], [sflag:$0x1] =	stream.indirect_vreg.gather [hbm4b:s5+s2], $0x80, v26, vm0, $0xb8;
	[tilespmem:$0x10400] =	vst v63  }
0x4ae: {  	v50 =	vperm.xlane v25, v15;
	s10 =	sld [smem:$0x72C];
	v26 =	vadd.s32 v2, v49  }
0x4af: {  	[tilespmem:s0], [sflag:$0x1] =	stream.indirect_vreg.gather [hbm4b:s5+s2], $0x80, v27, vm0, $0xb8;
	[tilespmem:$0x10400] =	vst v63  }
0x4b0: {  	v51 =	vperm.xlane v25, v16;
	s0 =	sld [smem:$0x72D];
	v27 =	vadd.s32 v2, v50  }
0x4b1: {  	[tilespmem:s10], [sflag:$0x1] =	stream.indirect_vreg.gather [hbm4b:s5+s2], $0x80, v48, vm0, $0xb8;
	[tilespmem:$0x10400] =	vst v63  }
0x4b2: {  	v25 =	vperm.xlane v25, v17;
	v52 =	vadd.s32 v2, v51;
	s10 =	sld [smem:$0x72E]  }
0x4b3: {  	[tilespmem:s0], [sflag:$0x1] =	stream.indirect_vreg.gather [hbm4b:s5+s2], $0x80, v26, vm0, $0xb8;
	[tilespmem:$0x10400] =	vst v63  }
0x4b4: {  	v25 =	vadd.s32 v2, v25;
	s0 =	sld [smem:$0x72F]  }
0x4b5: {  	[tilespmem:s10], [sflag:$0x1] =	stream.indirect_vreg.gather [hbm4b:s5+s2], $0x80, v27, vm0, $0xb8;
	[tilespmem:$0x10400] =	vst v63  }
0x4b6: {  	s10 =	sld [smem:$0x730]  }
0x4b7: {  	[tilespmem:s0], [sflag:$0x1] =	stream.indirect_vreg.gather [hbm4b:s5+s2], $0x80, v52, vm0, $0xb8;
	[tilespmem:$0x10400] =	vst v63  }
0x4b8: {  	_ = 	snop  }
0x4b9: {  	[tilespmem:s10], [sflag:$0x1] =	stream.indirect_vreg.gather [hbm4b:s5+s2], $0x80, v25, vm0, $0xb8;
	[tilespmem:$0x10400] =	vst v63  }
0x4ba: {  	v25 =	vld [tilespmem:$0x120];
	_ =	sdelay $0x4  }
0x4bb: {  	v26 =	vshll.u32 v25, $0x7  }
0x4bc: {  	v25 =	vand.u32 $0x7, v25;
	v26 =	vand.u32 $0xFFFFFC00, v26  }
0x4bd: {  	v25 =	vor.u32 v25, v26  }
0x4be: {  	v26 =	vperm.xlane v25, v1;
	_ =	sdelay $0x1  }
0x4bf: {  	v27 =	vperm.xlane v25, v3;
	v26 =	vadd.s32 v2, v26;
	_ =	sdelay $0x1  }
0x4c0: {  	s0 =	sld [smem:$0x731];
	v53 =	vperm.xlane v25, v4;
	v27 =	vadd.s32 v2, v27;
	_ =	sdelay $0x1  }
0x4c1: {  	s10 =	sld [smem:$0x732];
	v54 =	vperm.xlane v25, v5;
	v28 =	vadd.s32 v2, v53  }
0x4c2: {  	[tilespmem:s0], [sflag:$0x1] =	stream.indirect_vreg.gather [hbm4b:s5+s2], $0x80, v26, vm0, $0xb8;
	[tilespmem:$0x10400] =	vst v63  }
0x4c3: {  	v55 =	vperm.xlane v25, v6;
	s0 =	sld [smem:$0x733];
	v26 =	vadd.s32 v2, v54  }
0x4c4: {  	[tilespmem:s10], [sflag:$0x1] =	stream.indirect_vreg.gather [hbm4b:s5+s2], $0x80, v27, vm0, $0xb8;
	[tilespmem:$0x10400] =	vst v63  }
0x4c5: {  	v56 =	vperm.xlane v25, v7;
	s10 =	sld [smem:$0x734];
	v27 =	vadd.s32 v2, v55  }
0x4c6: {  	[tilespmem:s0], [sflag:$0x1] =	stream.indirect_vreg.gather [hbm4b:s5+s2], $0x80, v28, vm0, $0xb8;
	[tilespmem:$0x10400] =	vst v63  }
0x4c7: {  	v58 =	vperm.xlane v25, v8;
	v57 =	vadd.s32 v2, v56;
	s0 =	sld [smem:$0x735]  }
0x4c8: {  	[tilespmem:s10], [sflag:$0x1] =	stream.indirect_vreg.gather [hbm4b:s5+s2], $0x80, v26, vm0, $0xb8;
	[tilespmem:$0x10400] =	vst v63  }
0x4c9: {  	v59 =	vperm.xlane v25, v0;
	s10 =	sld [smem:$0x736];
	v26 =	vadd.s32 v2, v58  }
0x4ca: {  	[tilespmem:s0], [sflag:$0x1] =	stream.indirect_vreg.gather [hbm4b:s5+s2], $0x80, v27, vm0, $0xb8;
	[tilespmem:$0x10400] =	vst v63  }
0x4cb: {  	v60 =	vperm.xlane v25, v9;
	s0 =	sld [smem:$0x737];
	v27 =	vadd.s32 v2, v59  }
0x4cc: {  	[tilespmem:s10], [sflag:$0x1] =	stream.indirect_vreg.gather [hbm4b:s5+s2], $0x80, v57, vm0, $0xb8;
	[tilespmem:$0x10400] =	vst v63  }
0x4cd: {  	v62 =	vperm.xlane v25, v10;
	v61 =	vadd.s32 v2, v60;
	s10 =	sld [smem:$0x738]  }
0x4ce: {  	[tilespmem:s0], [sflag:$0x1] =	stream.indirect_vreg.gather [hbm4b:s5+s2], $0x80, v26, vm0, $0xb8;
	[tilespmem:$0x10400] =	vst v63  }
0x4cf: {  	s0 =	sld [smem:$0x739];
	v26 =	vadd.s32 v2, v62  }
0x4d0: {  	[tilespmem:s10], [sflag:$0x1] =	stream.indirect_vreg.gather [hbm4b:s5+s2], $0x80, v27, vm0, $0xb8;
	[tilespmem:$0x10400] =	vst v63  }
0x4d1: {  	s10 =	sld [smem:$0x73A];
	v27 =	vperm.xlane v25, v11  }
0x4d2: {  	[tilespmem:s0], [sflag:$0x1] =	stream.indirect_vreg.gather [hbm4b:s5+s2], $0x80, v61, vm0, $0xb8;
	[tilespmem:$0x10400] =	vst v63  }
0x4d3: {  	v63 =	vperm.xlane v25, v13;
	v27 =	vadd.s32 v2, v27  }
0x4d4: {  	[tilespmem:s10], [sflag:$0x1] =	stream.indirect_vreg.gather [hbm4b:s5+s2], $0x80, v26, vm0, $0xb8;
	[tilespmem:$0x10400] =	vst v63  }
0x4d5: {  	v32 =	vperm.xlane v25, v14;
	v26 =	vadd.s32 v2, v63;
	s0 =	sld [smem:$0x73B];
	_ =	sdelay $0x1  }
0x4d6: {  	v33 =	vperm.xlane v25, v15;
	v28 =	vadd.s32 v2, v32;
	s10 =	sld [smem:$0x73C]  }
0x4d7: {  	[tilespmem:s0], [sflag:$0x1] =	stream.indirect_vreg.gather [hbm4b:s5+s2], $0x80, v27, vm0, $0xb8;
	[tilespmem:$0x10400] =	vst v63  }
0x4d8: {  	v34 =	vperm.xlane v25, v16;
	s0 =	sld [smem:$0x73D];
	v27 =	vadd.s32 v2, v33  }
0x4d9: {  	[tilespmem:s10], [sflag:$0x1] =	stream.indirect_vreg.gather [hbm4b:s5+s2], $0x80, v26, vm0, $0xb8;
	[tilespmem:$0x10400] =	vst v63  }
0x4da: {  	v25 =	vperm.xlane v25, v17;
	s10 =	sld [smem:$0x73E];
	v26 =	vadd.s32 v2, v34  }
0x4db: {  	[tilespmem:s0], [sflag:$0x1] =	stream.indirect_vreg.gather [hbm4b:s5+s2], $0x80, v28, vm0, $0xb8;
	[tilespmem:$0x10400] =	vst v63  }
0x4dc: {  	v25 =	vadd.s32 v2, v25;
	s0 =	sld [smem:$0x73F]  }
0x4dd: {  	[tilespmem:s10], [sflag:$0x1] =	stream.indirect_vreg.gather [hbm4b:s5+s2], $0x80, v27, vm0, $0xb8;
	[tilespmem:$0x10400] =	vst v63  }
0x4de: {  	s10 =	sld [smem:$0x740]  }
0x4df: {  	[tilespmem:s0], [sflag:$0x1] =	stream.indirect_vreg.gather [hbm4b:s5+s2], $0x80, v26, vm0, $0xb8;
	[tilespmem:$0x10400] =	vst v63  }
0x4e0: {  	_ = 	snop  }
0x4e1: {  	[tilespmem:s10], [sflag:$0x1] =	stream.indirect_vreg.gather [hbm4b:s5+s2], $0x80, v25, vm0, $0xb8;
	[tilespmem:$0x10400] =	vst v63  }
0x4e2: {  	v25 =	vld [tilespmem:$0x130];
	_ =	sdelay $0x4  }
0x4e3: {  	v26 =	vshll.u32 v25, $0x7  }
0x4e4: {  	v25 =	vand.u32 $0x7, v25;
	v26 =	vand.u32 $0xFFFFFC00, v26  }
0x4e5: {  	v25 =	vor.u32 v25, v26  }
0x4e6: {  	v26 =	vperm.xlane v25, v1;
	_ =	sdelay $0x1  }
0x4e7: {  	v27 =	vperm.xlane v25, v3;
	v26 =	vadd.s32 v2, v26;
	_ =	sdelay $0x1  }
0x4e8: {  	s0 =	sld [smem:$0x741];
	v35 =	vperm.xlane v25, v4;
	v27 =	vadd.s32 v2, v27;
	_ =	sdelay $0x1  }
0x4e9: {  	s10 =	sld [smem:$0x742];
	v36 =	vperm.xlane v25, v5;
	v28 =	vadd.s32 v2, v35  }
0x4ea: {  	[tilespmem:s0], [sflag:$0x1] =	stream.indirect_vreg.gather [hbm4b:s5+s2], $0x80, v26, vm0, $0xb8;
	[tilespmem:$0x10400] =	vst v63  }
0x4eb: {  	v37 =	vperm.xlane v25, v6;
	s0 =	sld [smem:$0x743];
	v26 =	vadd.s32 v2, v36  }
0x4ec: {  	[tilespmem:s10], [sflag:$0x1] =	stream.indirect_vreg.gather [hbm4b:s5+s2], $0x80, v27, vm0, $0xb8;
	[tilespmem:$0x10400] =	vst v63  }
0x4ed: {  	v38 =	vperm.xlane v25, v7;
	s10 =	sld [smem:$0x744];
	v27 =	vadd.s32 v2, v37  }
0x4ee: {  	[tilespmem:s0], [sflag:$0x1] =	stream.indirect_vreg.gather [hbm4b:s5+s2], $0x80, v28, vm0, $0xb8;
	[tilespmem:$0x10400] =	vst v63  }
0x4ef: {  	v40 =	vperm.xlane v25, v8;
	v39 =	vadd.s32 v2, v38;
	s0 =	sld [smem:$0x745]  }
0x4f0: {  	[tilespmem:s10], [sflag:$0x1] =	stream.indirect_vreg.gather [hbm4b:s5+s2], $0x80, v26, vm0, $0xb8;
	[tilespmem:$0x10400] =	vst v63  }
0x4f1: {  	v41 =	vperm.xlane v25, v0;
	s10 =	sld [smem:$0x746];
	v26 =	vadd.s32 v2, v40  }
0x4f2: {  	[tilespmem:s0], [sflag:$0x1] =	stream.indirect_vreg.gather [hbm4b:s5+s2], $0x80, v27, vm0, $0xb8;
	[tilespmem:$0x10400] =	vst v63  }
0x4f3: {  	v42 =	vperm.xlane v25, v9;
	s0 =	sld [smem:$0x747];
	v27 =	vadd.s32 v2, v41  }
0x4f4: {  	[tilespmem:s10], [sflag:$0x1] =	stream.indirect_vreg.gather [hbm4b:s5+s2], $0x80, v39, vm0, $0xb8;
	[tilespmem:$0x10400] =	vst v63  }
0x4f5: {  	v44 =	vperm.xlane v25, v10;
	v43 =	vadd.s32 v2, v42;
	s10 =	sld [smem:$0x748]  }
0x4f6: {  	[tilespmem:s0], [sflag:$0x1] =	stream.indirect_vreg.gather [hbm4b:s5+s2], $0x80, v26, vm0, $0xb8;
	[tilespmem:$0x10400] =	vst v63  }
0x4f7: {  	v45 =	vperm.xlane v25, v11;
	s0 =	sld [smem:$0x749];
	v26 =	vadd.s32 v2, v44  }
0x4f8: {  	[tilespmem:s10], [sflag:$0x1] =	stream.indirect_vreg.gather [hbm4b:s5+s2], $0x80, v27, vm0, $0xb8;
	[tilespmem:$0x10400] =	vst v63  }
0x4f9: {  	v46 =	vperm.xlane v25, v13;
	s10 =	sld [smem:$0x74A];
	v27 =	vadd.s32 v2, v45  }
0x4fa: {  	[tilespmem:s0], [sflag:$0x1] =	stream.indirect_vreg.gather [hbm4b:s5+s2], $0x80, v43, vm0, $0xb8;
	[tilespmem:$0x10400] =	vst v63  }
0x4fb: {  	v48 =	vperm.xlane v25, v14;
	v47 =	vadd.s32 v2, v46;
	s0 =	sld [smem:$0x74B]  }
0x4fc: {  	[tilespmem:s10], [sflag:$0x1] =	stream.indirect_vreg.gather [hbm4b:s5+s2], $0x80, v26, vm0, $0xb8;
	[tilespmem:$0x10400] =	vst v63  }
0x4fd: {  	v49 =	vperm.xlane v25, v15;
	s10 =	sld [smem:$0x74C];
	v26 =	vadd.s32 v2, v48  }
0x4fe: {  	[tilespmem:s0], [sflag:$0x1] =	stream.indirect_vreg.gather [hbm4b:s5+s2], $0x80, v27, vm0, $0xb8;
	[tilespmem:$0x10400] =	vst v63  }
0x4ff: {  	v50 =	vperm.xlane v25, v16;
	s0 =	sld [smem:$0x74D];
	v27 =	vadd.s32 v2, v49  }
0x500: {  	[tilespmem:s10], [sflag:$0x1] =	stream.indirect_vreg.gather [hbm4b:s5+s2], $0x80, v47, vm0, $0xb8;
	[tilespmem:$0x10400] =	vst v63  }
0x501: {  	v25 =	vperm.xlane v25, v17;
	v51 =	vadd.s32 v2, v50;
	s10 =	sld [smem:$0x74E]  }
0x502: {  	[tilespmem:s0], [sflag:$0x1] =	stream.indirect_vreg.gather [hbm4b:s5+s2], $0x80, v26, vm0, $0xb8;
	[tilespmem:$0x10400] =	vst v63  }
0x503: {  	v25 =	vadd.s32 v2, v25;
	s0 =	sld [smem:$0x74F]  }
0x504: {  	[tilespmem:s10], [sflag:$0x1] =	stream.indirect_vreg.gather [hbm4b:s5+s2], $0x80, v27, vm0, $0xb8;
	[tilespmem:$0x10400] =	vst v63  }
0x505: {  	s10 =	sld [smem:$0x750]  }
0x506: {  	[tilespmem:s0], [sflag:$0x1] =	stream.indirect_vreg.gather [hbm4b:s5+s2], $0x80, v51, vm0, $0xb8;
	[tilespmem:$0x10400] =	vst v63  }
0x507: {  	_ = 	snop  }
0x508: {  	[tilespmem:s10], [sflag:$0x1] =	stream.indirect_vreg.gather [hbm4b:s5+s2], $0x80, v25, vm0, $0xb8;
	[tilespmem:$0x10400] =	vst v63  }
0x509: {  	v25 =	vld [tilespmem:$0x140];
	_ =	sdelay $0x4  }
0x50a: {  	v26 =	vshll.u32 v25, $0x7  }
0x50b: {  	v25 =	vand.u32 $0x7, v25;
	v26 =	vand.u32 $0xFFFFFC00, v26  }
0x50c: {  	v25 =	vor.u32 v25, v26  }
0x50d: {  	v26 =	vperm.xlane v25, v1;
	_ =	sdelay $0x1  }
0x50e: {  	v27 =	vperm.xlane v25, v3;
	v26 =	vadd.s32 v2, v26;
	_ =	sdelay $0x1  }
0x50f: {  	s0 =	sld [smem:$0x751];
	v52 =	vperm.xlane v25, v4;
	v27 =	vadd.s32 v2, v27;
	_ =	sdelay $0x1  }
0x510: {  	s10 =	sld [smem:$0x752];
	v53 =	vperm.xlane v25, v5;
	v28 =	vadd.s32 v2, v52  }
0x511: {  	[tilespmem:s0], [sflag:$0x1] =	stream.indirect_vreg.gather [hbm4b:s5+s2], $0x80, v26, vm0, $0xb8;
	[tilespmem:$0x10400] =	vst v63  }
0x512: {  	v54 =	vperm.xlane v25, v6;
	s0 =	sld [smem:$0x753];
	v26 =	vadd.s32 v2, v53  }
0x513: {  	[tilespmem:s10], [sflag:$0x1] =	stream.indirect_vreg.gather [hbm4b:s5+s2], $0x80, v27, vm0, $0xb8;
	[tilespmem:$0x10400] =	vst v63  }
0x514: {  	v55 =	vperm.xlane v25, v7;
	s10 =	sld [smem:$0x754];
	v27 =	vadd.s32 v2, v54  }
0x515: {  	[tilespmem:s0], [sflag:$0x1] =	stream.indirect_vreg.gather [hbm4b:s5+s2], $0x80, v28, vm0, $0xb8;
	[tilespmem:$0x10400] =	vst v63  }
0x516: {  	v57 =	vperm.xlane v25, v8;
	v56 =	vadd.s32 v2, v55;
	s0 =	sld [smem:$0x755]  }
0x517: {  	[tilespmem:s10], [sflag:$0x1] =	stream.indirect_vreg.gather [hbm4b:s5+s2], $0x80, v26, vm0, $0xb8;
	[tilespmem:$0x10400] =	vst v63  }
0x518: {  	v58 =	vperm.xlane v25, v0;
	s10 =	sld [smem:$0x756];
	v26 =	vadd.s32 v2, v57  }
0x519: {  	[tilespmem:s0], [sflag:$0x1] =	stream.indirect_vreg.gather [hbm4b:s5+s2], $0x80, v27, vm0, $0xb8;
	[tilespmem:$0x10400] =	vst v63  }
0x51a: {  	v59 =	vperm.xlane v25, v9;
	s0 =	sld [smem:$0x757];
	v27 =	vadd.s32 v2, v58  }
0x51b: {  	[tilespmem:s10], [sflag:$0x1] =	stream.indirect_vreg.gather [hbm4b:s5+s2], $0x80, v56, vm0, $0xb8;
	[tilespmem:$0x10400] =	vst v63  }
0x51c: {  	v61 =	vperm.xlane v25, v10;
	v60 =	vadd.s32 v2, v59;
	s10 =	sld [smem:$0x758]  }
0x51d: {  	[tilespmem:s0], [sflag:$0x1] =	stream.indirect_vreg.gather [hbm4b:s5+s2], $0x80, v26, vm0, $0xb8;
	[tilespmem:$0x10400] =	vst v63  }
0x51e: {  	v62 =	vperm.xlane v25, v11;
	s0 =	sld [smem:$0x759];
	v26 =	vadd.s32 v2, v61  }
0x51f: {  	[tilespmem:s10], [sflag:$0x1] =	stream.indirect_vreg.gather [hbm4b:s5+s2], $0x80, v27, vm0, $0xb8;
	[tilespmem:$0x10400] =	vst v63  }
0x520: {  	v63 =	vperm.xlane v25, v13;
	s10 =	sld [smem:$0x75A];
	v27 =	vadd.s32 v2, v62  }
0x521: {  	[tilespmem:s0], [sflag:$0x1] =	stream.indirect_vreg.gather [hbm4b:s5+s2], $0x80, v60, vm0, $0xb8;
	[tilespmem:$0x10400] =	vst v63  }
0x522: {  	v33 =	vperm.xlane v25, v14;
	v32 =	vadd.s32 v2, v63;
	s0 =	sld [smem:$0x75B]  }
0x523: {  	[tilespmem:s10], [sflag:$0x1] =	stream.indirect_vreg.gather [hbm4b:s5+s2], $0x80, v26, vm0, $0xb8;
	[tilespmem:$0x10400] =	vst v63  }
0x524: {  	v34 =	vperm.xlane v25, v15;
	s10 =	sld [smem:$0x75C];
	v26 =	vadd.s32 v2, v33  }
0x525: {  	[tilespmem:s0], [sflag:$0x1] =	stream.indirect_vreg.gather [hbm4b:s5+s2], $0x80, v27, vm0, $0xb8;
	[tilespmem:$0x10400] =	vst v63  }
0x526: {  	v35 =	vperm.xlane v25, v16;
	s0 =	sld [smem:$0x75D];
	v27 =	vadd.s32 v2, v34  }
0x527: {  	[tilespmem:s10], [sflag:$0x1] =	stream.indirect_vreg.gather [hbm4b:s5+s2], $0x80, v32, vm0, $0xb8;
	[tilespmem:$0x10400] =	vst v63  }
0x528: {  	v25 =	vperm.xlane v25, v17;
	v36 =	vadd.s32 v2, v35;
	s10 =	sld [smem:$0x75E]  }
0x529: {  	[tilespmem:s0], [sflag:$0x1] =	stream.indirect_vreg.gather [hbm4b:s5+s2], $0x80, v26, vm0, $0xb8;
	[tilespmem:$0x10400] =	vst v63  }
0x52a: {  	v25 =	vadd.s32 v2, v25;
	s0 =	sld [smem:$0x75F]  }
0x52b: {  	[tilespmem:s10], [sflag:$0x1] =	stream.indirect_vreg.gather [hbm4b:s5+s2], $0x80, v27, vm0, $0xb8;
	[tilespmem:$0x10400] =	vst v63  }
0x52c: {  	s10 =	sld [smem:$0x760]  }
0x52d: {  	[tilespmem:s0], [sflag:$0x1] =	stream.indirect_vreg.gather [hbm4b:s5+s2], $0x80, v36, vm0, $0xb8;
	[tilespmem:$0x10400] =	vst v63  }
0x52e: {  	_ = 	snop  }
0x52f: {  	[tilespmem:s10], [sflag:$0x1] =	stream.indirect_vreg.gather [hbm4b:s5+s2], $0x80, v25, vm0, $0xb8;
	[tilespmem:$0x10400] =	vst v63  }
0x530: {  	v25 =	vld [tilespmem:$0x150];
	_ =	sdelay $0x4  }
0x531: {  	v26 =	vshll.u32 v25, $0x7  }
0x532: {  	v25 =	vand.u32 $0x7, v25;
	v26 =	vand.u32 $0xFFFFFC00, v26  }
0x533: {  	v25 =	vor.u32 v25, v26  }
0x534: {  	v26 =	vperm.xlane v25, v1;
	_ =	sdelay $0x1  }
0x535: {  	v27 =	vperm.xlane v25, v3;
	v26 =	vadd.s32 v2, v26;
	_ =	sdelay $0x1  }
0x536: {  	s0 =	sld [smem:$0x761];
	v37 =	vperm.xlane v25, v4;
	v27 =	vadd.s32 v2, v27;
	_ =	sdelay $0x1  }
0x537: {  	s10 =	sld [smem:$0x762];
	v38 =	vperm.xlane v25, v5;
	v28 =	vadd.s32 v2, v37  }
0x538: {  	[tilespmem:s0], [sflag:$0x1] =	stream.indirect_vreg.gather [hbm4b:s5+s2], $0x80, v26, vm0, $0xb8;
	[tilespmem:$0x10400] =	vst v63  }
0x539: {  	v39 =	vperm.xlane v25, v6;
	s0 =	sld [smem:$0x763];
	v26 =	vadd.s32 v2, v38  }
0x53a: {  	[tilespmem:s10], [sflag:$0x1] =	stream.indirect_vreg.gather [hbm4b:s5+s2], $0x80, v27, vm0, $0xb8;
	[tilespmem:$0x10400] =	vst v63  }
0x53b: {  	v40 =	vperm.xlane v25, v7;
	s10 =	sld [smem:$0x764];
	v27 =	vadd.s32 v2, v39  }
0x53c: {  	[tilespmem:s0], [sflag:$0x1] =	stream.indirect_vreg.gather [hbm4b:s5+s2], $0x80, v28, vm0, $0xb8;
	[tilespmem:$0x10400] =	vst v63  }
0x53d: {  	v42 =	vperm.xlane v25, v8;
	v41 =	vadd.s32 v2, v40;
	s0 =	sld [smem:$0x765]  }
0x53e: {  	[tilespmem:s10], [sflag:$0x1] =	stream.indirect_vreg.gather [hbm4b:s5+s2], $0x80, v26, vm0, $0xb8;
	[tilespmem:$0x10400] =	vst v63  }
0x53f: {  	v43 =	vperm.xlane v25, v0;
	s10 =	sld [smem:$0x766];
	v26 =	vadd.s32 v2, v42  }
0x540: {  	[tilespmem:s0], [sflag:$0x1] =	stream.indirect_vreg.gather [hbm4b:s5+s2], $0x80, v27, vm0, $0xb8;
	[tilespmem:$0x10400] =	vst v63  }
0x541: {  	v44 =	vperm.xlane v25, v9;
	s0 =	sld [smem:$0x767];
	v27 =	vadd.s32 v2, v43  }
0x542: {  	[tilespmem:s10], [sflag:$0x1] =	stream.indirect_vreg.gather [hbm4b:s5+s2], $0x80, v41, vm0, $0xb8;
	[tilespmem:$0x10400] =	vst v63  }
0x543: {  	v46 =	vperm.xlane v25, v10;
	v45 =	vadd.s32 v2, v44;
	s10 =	sld [smem:$0x768]  }
0x544: {  	[tilespmem:s0], [sflag:$0x1] =	stream.indirect_vreg.gather [hbm4b:s5+s2], $0x80, v26, vm0, $0xb8;
	[tilespmem:$0x10400] =	vst v63  }
0x545: {  	v47 =	vperm.xlane v25, v11;
	s0 =	sld [smem:$0x769];
	v26 =	vadd.s32 v2, v46  }
0x546: {  	[tilespmem:s10], [sflag:$0x1] =	stream.indirect_vreg.gather [hbm4b:s5+s2], $0x80, v27, vm0, $0xb8;
	[tilespmem:$0x10400] =	vst v63  }
0x547: {  	v48 =	vperm.xlane v25, v13;
	s10 =	sld [smem:$0x76A];
	v27 =	vadd.s32 v2, v47  }
0x548: {  	[tilespmem:s0], [sflag:$0x1] =	stream.indirect_vreg.gather [hbm4b:s5+s2], $0x80, v45, vm0, $0xb8;
	[tilespmem:$0x10400] =	vst v63  }
0x549: {  	v50 =	vperm.xlane v25, v14;
	v49 =	vadd.s32 v2, v48;
	s0 =	sld [smem:$0x76B]  }
0x54a: {  	[tilespmem:s10], [sflag:$0x1] =	stream.indirect_vreg.gather [hbm4b:s5+s2], $0x80, v26, vm0, $0xb8;
	[tilespmem:$0x10400] =	vst v63  }
0x54b: {  	v51 =	vperm.xlane v25, v15;
	s10 =	sld [smem:$0x76C];
	v26 =	vadd.s32 v2, v50  }
0x54c: {  	[tilespmem:s0], [sflag:$0x1] =	stream.indirect_vreg.gather [hbm4b:s5+s2], $0x80, v27, vm0, $0xb8;
	[tilespmem:$0x10400] =	vst v63  }
0x54d: {  	v52 =	vperm.xlane v25, v16;
	s0 =	sld [smem:$0x76D];
	v27 =	vadd.s32 v2, v51  }
0x54e: {  	[tilespmem:s10], [sflag:$0x1] =	stream.indirect_vreg.gather [hbm4b:s5+s2], $0x80, v49, vm0, $0xb8;
	[tilespmem:$0x10400] =	vst v63  }
0x54f: {  	v25 =	vperm.xlane v25, v17;
	v53 =	vadd.s32 v2, v52;
	s10 =	sld [smem:$0x76E]  }
0x550: {  	[tilespmem:s0], [sflag:$0x1] =	stream.indirect_vreg.gather [hbm4b:s5+s2], $0x80, v26, vm0, $0xb8;
	[tilespmem:$0x10400] =	vst v63  }
0x551: {  	v25 =	vadd.s32 v2, v25;
	s0 =	sld [smem:$0x76F]  }
0x552: {  	[tilespmem:s10], [sflag:$0x1] =	stream.indirect_vreg.gather [hbm4b:s5+s2], $0x80, v27, vm0, $0xb8;
	[tilespmem:$0x10400] =	vst v63  }
0x553: {  	s10 =	sld [smem:$0x770]  }
0x554: {  	[tilespmem:s0], [sflag:$0x1] =	stream.indirect_vreg.gather [hbm4b:s5+s2], $0x80, v53, vm0, $0xb8;
	[tilespmem:$0x10400] =	vst v63  }
0x555: {  	_ = 	snop  }
0x556: {  	[tilespmem:s10], [sflag:$0x1] =	stream.indirect_vreg.gather [hbm4b:s5+s2], $0x80, v25, vm0, $0xb8;
	[tilespmem:$0x10400] =	vst v63  }
0x557: {  	v25 =	vld [tilespmem:$0x160];
	_ =	sdelay $0x4  }
0x558: {  	v26 =	vshll.u32 v25, $0x7  }
0x559: {  	v25 =	vand.u32 $0x7, v25;
	v26 =	vand.u32 $0xFFFFFC00, v26  }
0x55a: {  	v25 =	vor.u32 v25, v26  }
0x55b: {  	v26 =	vperm.xlane v25, v1;
	_ =	sdelay $0x1  }
0x55c: {  	v27 =	vperm.xlane v25, v3;
	v26 =	vadd.s32 v2, v26;
	_ =	sdelay $0x1  }
0x55d: {  	s0 =	sld [smem:$0x771];
	v54 =	vperm.xlane v25, v4;
	v27 =	vadd.s32 v2, v27;
	_ =	sdelay $0x1  }
0x55e: {  	s10 =	sld [smem:$0x772];
	v55 =	vperm.xlane v25, v5;
	v28 =	vadd.s32 v2, v54  }
0x55f: {  	[tilespmem:s0], [sflag:$0x1] =	stream.indirect_vreg.gather [hbm4b:s5+s2], $0x80, v26, vm0, $0xb8;
	[tilespmem:$0x10400] =	vst v63  }
0x560: {  	v56 =	vperm.xlane v25, v6;
	s0 =	sld [smem:$0x773];
	v26 =	vadd.s32 v2, v55  }
0x561: {  	[tilespmem:s10], [sflag:$0x1] =	stream.indirect_vreg.gather [hbm4b:s5+s2], $0x80, v27, vm0, $0xb8;
	[tilespmem:$0x10400] =	vst v63  }
0x562: {  	v57 =	vperm.xlane v25, v7;
	s10 =	sld [smem:$0x774];
	v27 =	vadd.s32 v2, v56  }
0x563: {  	[tilespmem:s0], [sflag:$0x1] =	stream.indirect_vreg.gather [hbm4b:s5+s2], $0x80, v28, vm0, $0xb8;
	[tilespmem:$0x10400] =	vst v63  }
0x564: {  	v59 =	vperm.xlane v25, v8;
	v58 =	vadd.s32 v2, v57;
	s0 =	sld [smem:$0x775]  }
0x565: {  	[tilespmem:s10], [sflag:$0x1] =	stream.indirect_vreg.gather [hbm4b:s5+s2], $0x80, v26, vm0, $0xb8;
	[tilespmem:$0x10400] =	vst v63  }
0x566: {  	v60 =	vperm.xlane v25, v0;
	s10 =	sld [smem:$0x776];
	v26 =	vadd.s32 v2, v59  }
0x567: {  	[tilespmem:s0], [sflag:$0x1] =	stream.indirect_vreg.gather [hbm4b:s5+s2], $0x80, v27, vm0, $0xb8;
	[tilespmem:$0x10400] =	vst v63  }
0x568: {  	v61 =	vperm.xlane v25, v9;
	s0 =	sld [smem:$0x777];
	v27 =	vadd.s32 v2, v60  }
0x569: {  	[tilespmem:s10], [sflag:$0x1] =	stream.indirect_vreg.gather [hbm4b:s5+s2], $0x80, v58, vm0, $0xb8;
	[tilespmem:$0x10400] =	vst v63  }
0x56a: {  	v63 =	vperm.xlane v25, v10;
	v62 =	vadd.s32 v2, v61;
	s10 =	sld [smem:$0x778]  }
0x56b: {  	[tilespmem:s0], [sflag:$0x1] =	stream.indirect_vreg.gather [hbm4b:s5+s2], $0x80, v26, vm0, $0xb8;
	[tilespmem:$0x10400] =	vst v63  }
0x56c: {  	v32 =	vperm.xlane v25, v11;
	s0 =	sld [smem:$0x779];
	v26 =	vadd.s32 v2, v63  }
0x56d: {  	[tilespmem:s10], [sflag:$0x1] =	stream.indirect_vreg.gather [hbm4b:s5+s2], $0x80, v27, vm0, $0xb8;
	[tilespmem:$0x10400] =	vst v63  }
0x56e: {  	v33 =	vperm.xlane v25, v13;
	s10 =	sld [smem:$0x77A];
	v27 =	vadd.s32 v2, v32  }
0x56f: {  	[tilespmem:s0], [sflag:$0x1] =	stream.indirect_vreg.gather [hbm4b:s5+s2], $0x80, v62, vm0, $0xb8;
	[tilespmem:$0x10400] =	vst v63  }
0x570: {  	v35 =	vperm.xlane v25, v14;
	v34 =	vadd.s32 v2, v33;
	s0 =	sld [smem:$0x77B]  }
0x571: {  	[tilespmem:s10], [sflag:$0x1] =	stream.indirect_vreg.gather [hbm4b:s5+s2], $0x80, v26, vm0, $0xb8;
	[tilespmem:$0x10400] =	vst v63  }
0x572: {  	v36 =	vperm.xlane v25, v15;
	s10 =	sld [smem:$0x77C];
	v26 =	vadd.s32 v2, v35  }
0x573: {  	[tilespmem:s0], [sflag:$0x1] =	stream.indirect_vreg.gather [hbm4b:s5+s2], $0x80, v27, vm0, $0xb8;
	[tilespmem:$0x10400] =	vst v63  }
0x574: {  	v37 =	vperm.xlane v25, v16;
	s0 =	sld [smem:$0x77D];
	v27 =	vadd.s32 v2, v36  }
0x575: {  	[tilespmem:s10], [sflag:$0x1] =	stream.indirect_vreg.gather [hbm4b:s5+s2], $0x80, v34, vm0, $0xb8;
	[tilespmem:$0x10400] =	vst v63  }
0x576: {  	v25 =	vperm.xlane v25, v17;
	v38 =	vadd.s32 v2, v37;
	s10 =	sld [smem:$0x77E]  }
0x577: {  	[tilespmem:s0], [sflag:$0x1] =	stream.indirect_vreg.gather [hbm4b:s5+s2], $0x80, v26, vm0, $0xb8;
	[tilespmem:$0x10400] =	vst v63  }
0x578: {  	v25 =	vadd.s32 v2, v25;
	s0 =	sld [smem:$0x77F]  }
0x579: {  	[tilespmem:s10], [sflag:$0x1] =	stream.indirect_vreg.gather [hbm4b:s5+s2], $0x80, v27, vm0, $0xb8;
	[tilespmem:$0x10400] =	vst v63  }
0x57a: {  	s10 =	sld [smem:$0x780]  }
0x57b: {  	[tilespmem:s0], [sflag:$0x1] =	stream.indirect_vreg.gather [hbm4b:s5+s2], $0x80, v38, vm0, $0xb8;
	[tilespmem:$0x10400] =	vst v63  }
0x57c: {  	_ = 	snop  }
0x57d: {  	[tilespmem:s10], [sflag:$0x1] =	stream.indirect_vreg.gather [hbm4b:s5+s2], $0x80, v25, vm0, $0xb8;
	[tilespmem:$0x10400] =	vst v63  }
0x57e: {  	v25 =	vld [tilespmem:$0x170];
	_ =	sdelay $0x4  }
0x57f: {  	v26 =	vshll.u32 v25, $0x7  }
0x580: {  	v25 =	vand.u32 $0x7, v25;
	v26 =	vand.u32 $0xFFFFFC00, v26  }
0x581: {  	v25 =	vor.u32 v25, v26  }
0x582: {  	v26 =	vperm.xlane v25, v1;
	_ =	sdelay $0x1  }
0x583: {  	v27 =	vperm.xlane v25, v3;
	v26 =	vadd.s32 v2, v26;
	_ =	sdelay $0x1  }
0x584: {  	s0 =	sld [smem:$0x781];
	v39 =	vperm.xlane v25, v4;
	v27 =	vadd.s32 v2, v27;
	_ =	sdelay $0x1  }
0x585: {  	s10 =	sld [smem:$0x782];
	v40 =	vperm.xlane v25, v5;
	v28 =	vadd.s32 v2, v39  }
0x586: {  	[tilespmem:s0], [sflag:$0x1] =	stream.indirect_vreg.gather [hbm4b:s5+s2], $0x80, v26, vm0, $0xb8;
	[tilespmem:$0x10400] =	vst v63  }
0x587: {  	v41 =	vperm.xlane v25, v6;
	s0 =	sld [smem:$0x783];
	v26 =	vadd.s32 v2, v40  }
0x588: {  	[tilespmem:s10], [sflag:$0x1] =	stream.indirect_vreg.gather [hbm4b:s5+s2], $0x80, v27, vm0, $0xb8;
	[tilespmem:$0x10400] =	vst v63  }
0x589: {  	v42 =	vperm.xlane v25, v7;
	s10 =	sld [smem:$0x784];
	v27 =	vadd.s32 v2, v41  }
0x58a: {  	[tilespmem:s0], [sflag:$0x1] =	stream.indirect_vreg.gather [hbm4b:s5+s2], $0x80, v28, vm0, $0xb8;
	[tilespmem:$0x10400] =	vst v63  }
0x58b: {  	v44 =	vperm.xlane v25, v8;
	v43 =	vadd.s32 v2, v42;
	s0 =	sld [smem:$0x785]  }
0x58c: {  	[tilespmem:s10], [sflag:$0x1] =	stream.indirect_vreg.gather [hbm4b:s5+s2], $0x80, v26, vm0, $0xb8;
	[tilespmem:$0x10400] =	vst v63  }
0x58d: {  	v45 =	vperm.xlane v25, v0;
	s10 =	sld [smem:$0x786];
	v26 =	vadd.s32 v2, v44  }
0x58e: {  	[tilespmem:s0], [sflag:$0x1] =	stream.indirect_vreg.gather [hbm4b:s5+s2], $0x80, v27, vm0, $0xb8;
	[tilespmem:$0x10400] =	vst v63  }
0x58f: {  	v46 =	vperm.xlane v25, v9;
	s0 =	sld [smem:$0x787];
	v27 =	vadd.s32 v2, v45  }
0x590: {  	[tilespmem:s10], [sflag:$0x1] =	stream.indirect_vreg.gather [hbm4b:s5+s2], $0x80, v43, vm0, $0xb8;
	[tilespmem:$0x10400] =	vst v63  }
0x591: {  	v48 =	vperm.xlane v25, v10;
	v47 =	vadd.s32 v2, v46;
	s10 =	sld [smem:$0x788]  }
0x592: {  	[tilespmem:s0], [sflag:$0x1] =	stream.indirect_vreg.gather [hbm4b:s5+s2], $0x80, v26, vm0, $0xb8;
	[tilespmem:$0x10400] =	vst v63  }
0x593: {  	v49 =	vperm.xlane v25, v11;
	s0 =	sld [smem:$0x789];
	v26 =	vadd.s32 v2, v48  }
0x594: {  	[tilespmem:s10], [sflag:$0x1] =	stream.indirect_vreg.gather [hbm4b:s5+s2], $0x80, v27, vm0, $0xb8;
	[tilespmem:$0x10400] =	vst v63  }
0x595: {  	v50 =	vperm.xlane v25, v13;
	s10 =	sld [smem:$0x78A];
	v27 =	vadd.s32 v2, v49  }
0x596: {  	[tilespmem:s0], [sflag:$0x1] =	stream.indirect_vreg.gather [hbm4b:s5+s2], $0x80, v47, vm0, $0xb8;
	[tilespmem:$0x10400] =	vst v63  }
0x597: {  	v52 =	vperm.xlane v25, v14;
	v51 =	vadd.s32 v2, v50;
	s0 =	sld [smem:$0x78B]  }
0x598: {  	[tilespmem:s10], [sflag:$0x1] =	stream.indirect_vreg.gather [hbm4b:s5+s2], $0x80, v26, vm0, $0xb8;
	[tilespmem:$0x10400] =	vst v63  }
0x599: {  	v53 =	vperm.xlane v25, v15;
	s10 =	sld [smem:$0x78C];
	v26 =	vadd.s32 v2, v52  }
0x59a: {  	[tilespmem:s0], [sflag:$0x1] =	stream.indirect_vreg.gather [hbm4b:s5+s2], $0x80, v27, vm0, $0xb8;
	[tilespmem:$0x10400] =	vst v63  }
0x59b: {  	v54 =	vperm.xlane v25, v16;
	s0 =	sld [smem:$0x78D];
	v27 =	vadd.s32 v2, v53  }
0x59c: {  	[tilespmem:s10], [sflag:$0x1] =	stream.indirect_vreg.gather [hbm4b:s5+s2], $0x80, v51, vm0, $0xb8;
	[tilespmem:$0x10400] =	vst v63  }
0x59d: {  	v25 =	vperm.xlane v25, v17;
	v55 =	vadd.s32 v2, v54;
	s10 =	sld [smem:$0x78E]  }
0x59e: {  	[tilespmem:s0], [sflag:$0x1] =	stream.indirect_vreg.gather [hbm4b:s5+s2], $0x80, v26, vm0, $0xb8;
	[tilespmem:$0x10400] =	vst v63  }
0x59f: {  	v25 =	vadd.s32 v2, v25;
	s0 =	sld [smem:$0x78F]  }
0x5a0: {  	[tilespmem:s10], [sflag:$0x1] =	stream.indirect_vreg.gather [hbm4b:s5+s2], $0x80, v27, vm0, $0xb8;
	[tilespmem:$0x10400] =	vst v63  }
0x5a1: {  	s10 =	sld [smem:$0x790]  }
0x5a2: {  	[tilespmem:s0], [sflag:$0x1] =	stream.indirect_vreg.gather [hbm4b:s5+s2], $0x80, v55, vm0, $0xb8;
	[tilespmem:$0x10400] =	vst v63  }
0x5a3: {  	_ = 	snop  }
0x5a4: {  	[tilespmem:s10], [sflag:$0x1] =	stream.indirect_vreg.gather [hbm4b:s5+s2], $0x80, v25, vm0, $0xb8;
	[tilespmem:$0x10400] =	vst v63  }
0x5a5: {  	v25 =	vld [tilespmem:$0x180];
	_ =	sdelay $0x4  }
0x5a6: {  	v26 =	vshll.u32 v25, $0x7  }
0x5a7: {  	v25 =	vand.u32 $0x7, v25;
	v26 =	vand.u32 $0xFFFFFC00, v26  }
0x5a8: {  	v25 =	vor.u32 v25, v26  }
0x5a9: {  	v26 =	vperm.xlane v25, v1;
	_ =	sdelay $0x1  }
0x5aa: {  	v27 =	vperm.xlane v25, v3;
	v26 =	vadd.s32 v2, v26;
	_ =	sdelay $0x1  }
0x5ab: {  	v56 =	vperm.xlane v25, v4;
	v27 =	vadd.s32 v2, v27;
	_ =	sdelay $0x1  }
0x5ac: {  	s0 =	sld [smem:$0x791];
	v57 =	vperm.xlane v25, v5;
	v28 =	vadd.s32 v2, v56  }
0x5ad: {  	[tilespmem:s29], [sflag:$0x1] =	stream.indirect_vreg.gather [hbm4b:s28+s2], $0x80, v26, vm0, $0xb8;
	[tilespmem:$0x10400] =	vst v63  }
0x5ae: {  	s10 =	sld [smem:$0x792];
	v58 =	vperm.xlane v25, v6;
	v26 =	vadd.s32 v2, v57  }
0x5af: {  	[tilespmem:s0], [sflag:$0x1] =	stream.indirect_vreg.gather [hbm4b:s28+s2], $0x80, v27, vm0, $0xb8;
	[tilespmem:$0x10400] =	vst v63  }
0x5b0: {  	v59 =	vperm.xlane v25, v7;
	s0 =	sld [smem:$0x793];
	v27 =	vadd.s32 v2, v58  }
0x5b1: {  	[tilespmem:s10], [sflag:$0x1] =	stream.indirect_vreg.gather [hbm4b:s28+s2], $0x80, v28, vm0, $0xb8;
	[tilespmem:$0x10400] =	vst v63  }
0x5b2: {  	v61 =	vperm.xlane v25, v8;
	v60 =	vadd.s32 v2, v59;
	s10 =	sld [smem:$0x794]  }
0x5b3: {  	[tilespmem:s0], [sflag:$0x1] =	stream.indirect_vreg.gather [hbm4b:s28+s2], $0x80, v26, vm0, $0xb8;
	[tilespmem:$0x10400] =	vst v63  }
0x5b4: {  	v62 =	vperm.xlane v25, v0;
	s0 =	sld [smem:$0x795];
	v26 =	vadd.s32 v2, v61  }
0x5b5: {  	[tilespmem:s10], [sflag:$0x1] =	stream.indirect_vreg.gather [hbm4b:s28+s2], $0x80, v27, vm0, $0xb8;
	[tilespmem:$0x10400] =	vst v63  }
0x5b6: {  	v63 =	vperm.xlane v25, v9;
	s10 =	sld [smem:$0x797];
	v27 =	vadd.s32 v2, v62  }
0x5b7: {  	[tilespmem:s0], [sflag:$0x1] =	stream.indirect_vreg.gather [hbm4b:s28+s2], $0x80, v60, vm0, $0xb8;
	[tilespmem:$0x10400] =	vst v63  }
0x5b8: {  	v33 =	vperm.xlane v25, v10;
	v32 =	vadd.s32 v2, v63;
	s0 =	sld [smem:$0x798]  }
0x5b9: {  	[tilespmem:s10], [sflag:$0x1] =	stream.indirect_vreg.gather [hbm4b:s28+s2], $0x80, v26, vm0, $0xb8;
	[tilespmem:$0x10400] =	vst v63  }
0x5ba: {  	v34 =	vperm.xlane v25, v11;
	s10 =	sld [smem:$0x799];
	v26 =	vadd.s32 v2, v33  }
0x5bb: {  	[tilespmem:s0], [sflag:$0x1] =	stream.indirect_vreg.gather [hbm4b:s28+s2], $0x80, v27, vm0, $0xb8;
	[tilespmem:$0x10400] =	vst v63  }
0x5bc: {  	v35 =	vperm.xlane v25, v13;
	s0 =	sld [smem:$0x79A];
	v27 =	vadd.s32 v2, v34  }
0x5bd: {  	[tilespmem:s10], [sflag:$0x1] =	stream.indirect_vreg.gather [hbm4b:s28+s2], $0x80, v32, vm0, $0xb8;
	[tilespmem:$0x10400] =	vst v63  }
0x5be: {  	v37 =	vperm.xlane v25, v14;
	v36 =	vadd.s32 v2, v35;
	s10 =	sld [smem:$0x79B]  }
0x5bf: {  	[tilespmem:s0], [sflag:$0x1] =	stream.indirect_vreg.gather [hbm4b:s28+s2], $0x80, v26, vm0, $0xb8;
	[tilespmem:$0x10400] =	vst v63  }
0x5c0: {  	v38 =	vperm.xlane v25, v15;
	s0 =	sld [smem:$0x79C];
	v26 =	vadd.s32 v2, v37  }
0x5c1: {  	[tilespmem:s10], [sflag:$0x1] =	stream.indirect_vreg.gather [hbm4b:s28+s2], $0x80, v27, vm0, $0xb8;
	[tilespmem:$0x10400] =	vst v63  }
0x5c2: {  	v39 =	vperm.xlane v25, v16;
	s10 =	sld [smem:$0x79D];
	v27 =	vadd.s32 v2, v38  }
0x5c3: {  	[tilespmem:s0], [sflag:$0x1] =	stream.indirect_vreg.gather [hbm4b:s28+s2], $0x80, v36, vm0, $0xb8;
	[tilespmem:$0x10400] =	vst v63  }
0x5c4: {  	v25 =	vperm.xlane v25, v17;
	v40 =	vadd.s32 v2, v39;
	s0 =	sld [smem:$0x79E]  }
0x5c5: {  	[tilespmem:s10], [sflag:$0x1] =	stream.indirect_vreg.gather [hbm4b:s28+s2], $0x80, v26, vm0, $0xb8;
	[tilespmem:$0x10400] =	vst v63  }
0x5c6: {  	v25 =	vadd.s32 v2, v25;
	s10 =	sld [smem:$0x79F]  }
0x5c7: {  	[tilespmem:s0], [sflag:$0x1] =	stream.indirect_vreg.gather [hbm4b:s28+s2], $0x80, v27, vm0, $0xb8;
	[tilespmem:$0x10400] =	vst v63  }
0x5c8: {  	s0 =	sld [smem:$0x7A0]  }
0x5c9: {  	[tilespmem:s10], [sflag:$0x1] =	stream.indirect_vreg.gather [hbm4b:s28+s2], $0x80, v40, vm0, $0xb8;
	[tilespmem:$0x10400] =	vst v63  }
0x5ca: {  	_ = 	snop  }
0x5cb: {  	[tilespmem:s0], [sflag:$0x1] =	stream.indirect_vreg.gather [hbm4b:s28+s2], $0x80, v25, vm0, $0xb8;
	[tilespmem:$0x10400] =	vst v63  }
0x5cc: {  	v25 =	vld [tilespmem:$0x190];
	_ =	sdelay $0x4  }
0x5cd: {  	v26 =	vshll.u32 v25, $0x7  }
0x5ce: {  	v25 =	vand.u32 $0x7, v25;
	v26 =	vand.u32 $0xFFFFFC00, v26  }
0x5cf: {  	v25 =	vor.u32 v25, v26  }
0x5d0: {  	v26 =	vperm.xlane v25, v1;
	_ =	sdelay $0x1  }
0x5d1: {  	v27 =	vperm.xlane v25, v3;
	v26 =	vadd.s32 v2, v26;
	_ =	sdelay $0x1  }
0x5d2: {  	s0 =	sld [smem:$0x7A1];
	v41 =	vperm.xlane v25, v4;
	v27 =	vadd.s32 v2, v27;
	_ =	sdelay $0x1  }
0x5d3: {  	s10 =	sld [smem:$0x7A2];
	v42 =	vperm.xlane v25, v5;
	v28 =	vadd.s32 v2, v41  }
0x5d4: {  	[tilespmem:s0], [sflag:$0x1] =	stream.indirect_vreg.gather [hbm4b:s28+s2], $0x80, v26, vm0, $0xb8;
	[tilespmem:$0x10400] =	vst v63  }
0x5d5: {  	v43 =	vperm.xlane v25, v6;
	s0 =	sld [smem:$0x7A3];
	v26 =	vadd.s32 v2, v42  }
0x5d6: {  	[tilespmem:s10], [sflag:$0x1] =	stream.indirect_vreg.gather [hbm4b:s28+s2], $0x80, v27, vm0, $0xb8;
	[tilespmem:$0x10400] =	vst v63  }
0x5d7: {  	v44 =	vperm.xlane v25, v7;
	s10 =	sld [smem:$0x7A4];
	v27 =	vadd.s32 v2, v43  }
0x5d8: {  	[tilespmem:s0], [sflag:$0x1] =	stream.indirect_vreg.gather [hbm4b:s28+s2], $0x80, v28, vm0, $0xb8;
	[tilespmem:$0x10400] =	vst v63  }
0x5d9: {  	v46 =	vperm.xlane v25, v8;
	v45 =	vadd.s32 v2, v44;
	s0 =	sld [smem:$0x7A5]  }
0x5da: {  	[tilespmem:s10], [sflag:$0x1] =	stream.indirect_vreg.gather [hbm4b:s28+s2], $0x80, v26, vm0, $0xb8;
	[tilespmem:$0x10400] =	vst v63  }
0x5db: {  	v47 =	vperm.xlane v25, v0;
	s10 =	sld [smem:$0x7A6];
	v26 =	vadd.s32 v2, v46  }
0x5dc: {  	[tilespmem:s0], [sflag:$0x1] =	stream.indirect_vreg.gather [hbm4b:s28+s2], $0x80, v27, vm0, $0xb8;
	[tilespmem:$0x10400] =	vst v63  }
0x5dd: {  	v48 =	vperm.xlane v25, v9;
	s0 =	sld [smem:$0x7A7];
	v27 =	vadd.s32 v2, v47  }
0x5de: {  	[tilespmem:s10], [sflag:$0x1] =	stream.indirect_vreg.gather [hbm4b:s28+s2], $0x80, v45, vm0, $0xb8;
	[tilespmem:$0x10400] =	vst v63  }
0x5df: {  	v50 =	vperm.xlane v25, v10;
	v49 =	vadd.s32 v2, v48;
	s10 =	sld [smem:$0x7A8]  }
0x5e0: {  	[tilespmem:s0], [sflag:$0x1] =	stream.indirect_vreg.gather [hbm4b:s28+s2], $0x80, v26, vm0, $0xb8;
	[tilespmem:$0x10400] =	vst v63  }
0x5e1: {  	v51 =	vperm.xlane v25, v11;
	s0 =	sld [smem:$0x7A9];
	v26 =	vadd.s32 v2, v50  }
0x5e2: {  	[tilespmem:s10], [sflag:$0x1] =	stream.indirect_vreg.gather [hbm4b:s28+s2], $0x80, v27, vm0, $0xb8;
	[tilespmem:$0x10400] =	vst v63  }
0x5e3: {  	v52 =	vperm.xlane v25, v13;
	s10 =	sld [smem:$0x7AA];
	v27 =	vadd.s32 v2, v51  }
0x5e4: {  	[tilespmem:s0], [sflag:$0x1] =	stream.indirect_vreg.gather [hbm4b:s28+s2], $0x80, v49, vm0, $0xb8;
	[tilespmem:$0x10400] =	vst v63  }
0x5e5: {  	v54 =	vperm.xlane v25, v14;
	v53 =	vadd.s32 v2, v52;
	s0 =	sld [smem:$0x7AB]  }
0x5e6: {  	[tilespmem:s10], [sflag:$0x1] =	stream.indirect_vreg.gather [hbm4b:s28+s2], $0x80, v26, vm0, $0xb8;
	[tilespmem:$0x10400] =	vst v63  }
0x5e7: {  	v55 =	vperm.xlane v25, v15;
	s10 =	sld [smem:$0x7AC];
	v26 =	vadd.s32 v2, v54  }
0x5e8: {  	[tilespmem:s0], [sflag:$0x1] =	stream.indirect_vreg.gather [hbm4b:s28+s2], $0x80, v27, vm0, $0xb8;
	[tilespmem:$0x10400] =	vst v63  }
0x5e9: {  	v56 =	vperm.xlane v25, v16;
	s0 =	sld [smem:$0x7AD];
	v27 =	vadd.s32 v2, v55  }
0x5ea: {  	[tilespmem:s10], [sflag:$0x1] =	stream.indirect_vreg.gather [hbm4b:s28+s2], $0x80, v53, vm0, $0xb8;
	[tilespmem:$0x10400] =	vst v63  }
0x5eb: {  	v25 =	vperm.xlane v25, v17;
	v57 =	vadd.s32 v2, v56;
	s10 =	sld [smem:$0x7AE]  }
0x5ec: {  	[tilespmem:s0], [sflag:$0x1] =	stream.indirect_vreg.gather [hbm4b:s28+s2], $0x80, v26, vm0, $0xb8;
	[tilespmem:$0x10400] =	vst v63  }
0x5ed: {  	v25 =	vadd.s32 v2, v25;
	s0 =	sld [smem:$0x7AF]  }
0x5ee: {  	[tilespmem:s10], [sflag:$0x1] =	stream.indirect_vreg.gather [hbm4b:s28+s2], $0x80, v27, vm0, $0xb8;
	[tilespmem:$0x10400] =	vst v63  }
0x5ef: {  	s10 =	sld [smem:$0x7B0]  }
0x5f0: {  	[tilespmem:s0], [sflag:$0x1] =	stream.indirect_vreg.gather [hbm4b:s28+s2], $0x80, v57, vm0, $0xb8;
	[tilespmem:$0x10400] =	vst v63  }
0x5f1: {  	_ = 	snop  }
0x5f2: {  	[tilespmem:s10], [sflag:$0x1] =	stream.indirect_vreg.gather [hbm4b:s28+s2], $0x80, v25, vm0, $0xb8;
	[tilespmem:$0x10400] =	vst v63  }
0x5f3: {  	v25 =	vld [tilespmem:$0x1A0];
	_ =	sdelay $0x4  }
0x5f4: {  	v26 =	vshll.u32 v25, $0x7  }
0x5f5: {  	v25 =	vand.u32 $0x7, v25;
	v26 =	vand.u32 $0xFFFFFC00, v26  }
0x5f6: {  	v25 =	vor.u32 v25, v26  }
0x5f7: {  	v26 =	vperm.xlane v25, v1;
	_ =	sdelay $0x1  }
0x5f8: {  	v27 =	vperm.xlane v25, v3;
	v26 =	vadd.s32 v2, v26;
	_ =	sdelay $0x1  }
0x5f9: {  	s0 =	sld [smem:$0x7B1];
	v58 =	vperm.xlane v25, v4;
	v27 =	vadd.s32 v2, v27;
	_ =	sdelay $0x1  }
0x5fa: {  	s10 =	sld [smem:$0x7B2];
	v59 =	vperm.xlane v25, v5;
	v28 =	vadd.s32 v2, v58  }
0x5fb: {  	[tilespmem:s0], [sflag:$0x1] =	stream.indirect_vreg.gather [hbm4b:s28+s2], $0x80, v26, vm0, $0xb8;
	[tilespmem:$0x10400] =	vst v63  }
0x5fc: {  	v60 =	vperm.xlane v25, v6;
	s0 =	sld [smem:$0x7B3];
	v26 =	vadd.s32 v2, v59  }
0x5fd: {  	[tilespmem:s10], [sflag:$0x1] =	stream.indirect_vreg.gather [hbm4b:s28+s2], $0x80, v27, vm0, $0xb8;
	[tilespmem:$0x10400] =	vst v63  }
0x5fe: {  	v61 =	vperm.xlane v25, v7;
	s10 =	sld [smem:$0x7B4];
	v27 =	vadd.s32 v2, v60  }
0x5ff: {  	[tilespmem:s0], [sflag:$0x1] =	stream.indirect_vreg.gather [hbm4b:s28+s2], $0x80, v28, vm0, $0xb8;
	[tilespmem:$0x10400] =	vst v63  }
0x600: {  	v63 =	vperm.xlane v25, v8;
	v62 =	vadd.s32 v2, v61;
	s0 =	sld [smem:$0x7B5]  }
0x601: {  	[tilespmem:s10], [sflag:$0x1] =	stream.indirect_vreg.gather [hbm4b:s28+s2], $0x80, v26, vm0, $0xb8;
	[tilespmem:$0x10400] =	vst v63  }
0x602: {  	v32 =	vperm.xlane v25, v0;
	s10 =	sld [smem:$0x7B6];
	v26 =	vadd.s32 v2, v63  }
0x603: {  	[tilespmem:s0], [sflag:$0x1] =	stream.indirect_vreg.gather [hbm4b:s28+s2], $0x80, v27, vm0, $0xb8;
	[tilespmem:$0x10400] =	vst v63  }
0x604: {  	v33 =	vperm.xlane v25, v9;
	s0 =	sld [smem:$0x7B7];
	v27 =	vadd.s32 v2, v32  }
0x605: {  	[tilespmem:s10], [sflag:$0x1] =	stream.indirect_vreg.gather [hbm4b:s28+s2], $0x80, v62, vm0, $0xb8;
	[tilespmem:$0x10400] =	vst v63  }
0x606: {  	v35 =	vperm.xlane v25, v10;
	v34 =	vadd.s32 v2, v33;
	s10 =	sld [smem:$0x7B8]  }
0x607: {  	[tilespmem:s0], [sflag:$0x1] =	stream.indirect_vreg.gather [hbm4b:s28+s2], $0x80, v26, vm0, $0xb8;
	[tilespmem:$0x10400] =	vst v63  }
0x608: {  	v36 =	vperm.xlane v25, v11;
	s0 =	sld [smem:$0x7B9];
	v26 =	vadd.s32 v2, v35  }
0x609: {  	[tilespmem:s10], [sflag:$0x1] =	stream.indirect_vreg.gather [hbm4b:s28+s2], $0x80, v27, vm0, $0xb8;
	[tilespmem:$0x10400] =	vst v63  }
0x60a: {  	v37 =	vperm.xlane v25, v13;
	s10 =	sld [smem:$0x7BA];
	v27 =	vadd.s32 v2, v36  }
0x60b: {  	[tilespmem:s0], [sflag:$0x1] =	stream.indirect_vreg.gather [hbm4b:s28+s2], $0x80, v34, vm0, $0xb8;
	[tilespmem:$0x10400] =	vst v63  }
0x60c: {  	v39 =	vperm.xlane v25, v14;
	v38 =	vadd.s32 v2, v37;
	s0 =	sld [smem:$0x7BB]  }
0x60d: {  	[tilespmem:s10], [sflag:$0x1] =	stream.indirect_vreg.gather [hbm4b:s28+s2], $0x80, v26, vm0, $0xb8;
	[tilespmem:$0x10400] =	vst v63  }
0x60e: {  	v40 =	vperm.xlane v25, v15;
	s10 =	sld [smem:$0x7BC];
	v26 =	vadd.s32 v2, v39  }
0x60f: {  	[tilespmem:s0], [sflag:$0x1] =	stream.indirect_vreg.gather [hbm4b:s28+s2], $0x80, v27, vm0, $0xb8;
	[tilespmem:$0x10400] =	vst v63  }
0x610: {  	v41 =	vperm.xlane v25, v16;
	s0 =	sld [smem:$0x7BD];
	v27 =	vadd.s32 v2, v40  }
0x611: {  	[tilespmem:s10], [sflag:$0x1] =	stream.indirect_vreg.gather [hbm4b:s28+s2], $0x80, v38, vm0, $0xb8;
	[tilespmem:$0x10400] =	vst v63  }
0x612: {  	v25 =	vperm.xlane v25, v17;
	v42 =	vadd.s32 v2, v41;
	s10 =	sld [smem:$0x7BE]  }
0x613: {  	[tilespmem:s0], [sflag:$0x1] =	stream.indirect_vreg.gather [hbm4b:s28+s2], $0x80, v26, vm0, $0xb8;
	[tilespmem:$0x10400] =	vst v63  }
0x614: {  	v25 =	vadd.s32 v2, v25;
	s0 =	sld [smem:$0x7BF]  }
0x615: {  	[tilespmem:s10], [sflag:$0x1] =	stream.indirect_vreg.gather [hbm4b:s28+s2], $0x80, v27, vm0, $0xb8;
	[tilespmem:$0x10400] =	vst v63  }
0x616: {  	s10 =	sld [smem:$0x7C0]  }
0x617: {  	[tilespmem:s0], [sflag:$0x1] =	stream.indirect_vreg.gather [hbm4b:s28+s2], $0x80, v42, vm0, $0xb8;
	[tilespmem:$0x10400] =	vst v63  }
0x618: {  	_ = 	snop  }
0x619: {  	[tilespmem:s10], [sflag:$0x1] =	stream.indirect_vreg.gather [hbm4b:s28+s2], $0x80, v25, vm0, $0xb8;
	[tilespmem:$0x10400] =	vst v63  }
0x61a: {  	v25 =	vld [tilespmem:$0x1B0];
	_ =	sdelay $0x4  }
0x61b: {  	v26 =	vshll.u32 v25, $0x7  }
0x61c: {  	v25 =	vand.u32 $0x7, v25;
	v26 =	vand.u32 $0xFFFFFC00, v26  }
0x61d: {  	v25 =	vor.u32 v25, v26  }
0x61e: {  	v26 =	vperm.xlane v25, v1;
	_ =	sdelay $0x1  }
0x61f: {  	v27 =	vperm.xlane v25, v3;
	v26 =	vadd.s32 v2, v26;
	_ =	sdelay $0x1  }
0x620: {  	s0 =	sld [smem:$0x7C1];
	v43 =	vperm.xlane v25, v4;
	v27 =	vadd.s32 v2, v27;
	_ =	sdelay $0x1  }
0x621: {  	s10 =	sld [smem:$0x7C2];
	v44 =	vperm.xlane v25, v5;
	v28 =	vadd.s32 v2, v43  }
0x622: {  	[tilespmem:s0], [sflag:$0x1] =	stream.indirect_vreg.gather [hbm4b:s28+s2], $0x80, v26, vm0, $0xb8;
	[tilespmem:$0x10400] =	vst v63  }
0x623: {  	v45 =	vperm.xlane v25, v6;
	s0 =	sld [smem:$0x7C3];
	v26 =	vadd.s32 v2, v44  }
0x624: {  	[tilespmem:s10], [sflag:$0x1] =	stream.indirect_vreg.gather [hbm4b:s28+s2], $0x80, v27, vm0, $0xb8;
	[tilespmem:$0x10400] =	vst v63  }
0x625: {  	v46 =	vperm.xlane v25, v7;
	s10 =	sld [smem:$0x7C4];
	v27 =	vadd.s32 v2, v45  }
0x626: {  	[tilespmem:s0], [sflag:$0x1] =	stream.indirect_vreg.gather [hbm4b:s28+s2], $0x80, v28, vm0, $0xb8;
	[tilespmem:$0x10400] =	vst v63  }
0x627: {  	v48 =	vperm.xlane v25, v8;
	v47 =	vadd.s32 v2, v46;
	s0 =	sld [smem:$0x7C5]  }
0x628: {  	[tilespmem:s10], [sflag:$0x1] =	stream.indirect_vreg.gather [hbm4b:s28+s2], $0x80, v26, vm0, $0xb8;
	[tilespmem:$0x10400] =	vst v63  }
0x629: {  	v49 =	vperm.xlane v25, v0;
	s10 =	sld [smem:$0x7C6];
	v26 =	vadd.s32 v2, v48  }
0x62a: {  	[tilespmem:s0], [sflag:$0x1] =	stream.indirect_vreg.gather [hbm4b:s28+s2], $0x80, v27, vm0, $0xb8;
	[tilespmem:$0x10400] =	vst v63  }
0x62b: {  	v50 =	vperm.xlane v25, v9;
	s0 =	sld [smem:$0x7C7];
	v27 =	vadd.s32 v2, v49  }
0x62c: {  	[tilespmem:s10], [sflag:$0x1] =	stream.indirect_vreg.gather [hbm4b:s28+s2], $0x80, v47, vm0, $0xb8;
	[tilespmem:$0x10400] =	vst v63  }
0x62d: {  	v52 =	vperm.xlane v25, v10;
	v51 =	vadd.s32 v2, v50;
	s10 =	sld [smem:$0x7C8]  }
0x62e: {  	[tilespmem:s0], [sflag:$0x1] =	stream.indirect_vreg.gather [hbm4b:s28+s2], $0x80, v26, vm0, $0xb8;
	[tilespmem:$0x10400] =	vst v63  }
0x62f: {  	v53 =	vperm.xlane v25, v11;
	s0 =	sld [smem:$0x7C9];
	v26 =	vadd.s32 v2, v52  }
0x630: {  	[tilespmem:s10], [sflag:$0x1] =	stream.indirect_vreg.gather [hbm4b:s28+s2], $0x80, v27, vm0, $0xb8;
	[tilespmem:$0x10400] =	vst v63  }
0x631: {  	v54 =	vperm.xlane v25, v13;
	s10 =	sld [smem:$0x7CA];
	v27 =	vadd.s32 v2, v53  }
0x632: {  	[tilespmem:s0], [sflag:$0x1] =	stream.indirect_vreg.gather [hbm4b:s28+s2], $0x80, v51, vm0, $0xb8;
	[tilespmem:$0x10400] =	vst v63  }
0x633: {  	v56 =	vperm.xlane v25, v14;
	v55 =	vadd.s32 v2, v54;
	s0 =	sld [smem:$0x7CB]  }
0x634: {  	[tilespmem:s10], [sflag:$0x1] =	stream.indirect_vreg.gather [hbm4b:s28+s2], $0x80, v26, vm0, $0xb8;
	[tilespmem:$0x10400] =	vst v63  }
0x635: {  	v57 =	vperm.xlane v25, v15;
	s10 =	sld [smem:$0x7CC];
	v26 =	vadd.s32 v2, v56  }
0x636: {  	[tilespmem:s0], [sflag:$0x1] =	stream.indirect_vreg.gather [hbm4b:s28+s2], $0x80, v27, vm0, $0xb8;
	[tilespmem:$0x10400] =	vst v63  }
0x637: {  	v58 =	vperm.xlane v25, v16;
	s0 =	sld [smem:$0x7CD];
	v27 =	vadd.s32 v2, v57  }
0x638: {  	[tilespmem:s10], [sflag:$0x1] =	stream.indirect_vreg.gather [hbm4b:s28+s2], $0x80, v55, vm0, $0xb8;
	[tilespmem:$0x10400] =	vst v63  }
0x639: {  	v25 =	vperm.xlane v25, v17;
	v59 =	vadd.s32 v2, v58;
	s10 =	sld [smem:$0x7CE]  }
0x63a: {  	[tilespmem:s0], [sflag:$0x1] =	stream.indirect_vreg.gather [hbm4b:s28+s2], $0x80, v26, vm0, $0xb8;
	[tilespmem:$0x10400] =	vst v63  }
0x63b: {  	v25 =	vadd.s32 v2, v25;
	s0 =	sld [smem:$0x7CF]  }
0x63c: {  	[tilespmem:s10], [sflag:$0x1] =	stream.indirect_vreg.gather [hbm4b:s28+s2], $0x80, v27, vm0, $0xb8;
	[tilespmem:$0x10400] =	vst v63  }
0x63d: {  	s10 =	sld [smem:$0x7D0]  }
0x63e: {  	[tilespmem:s0], [sflag:$0x1] =	stream.indirect_vreg.gather [hbm4b:s28+s2], $0x80, v59, vm0, $0xb8;
	[tilespmem:$0x10400] =	vst v63  }
0x63f: {  	_ = 	snop  }
0x640: {  	[tilespmem:s10], [sflag:$0x1] =	stream.indirect_vreg.gather [hbm4b:s28+s2], $0x80, v25, vm0, $0xb8;
	[tilespmem:$0x10400] =	vst v63  }
0x641: {  	v25 =	vld [tilespmem:$0x1C0];
	_ =	sdelay $0x4  }
0x642: {  	v26 =	vshll.u32 v25, $0x7  }
0x643: {  	v25 =	vand.u32 $0x7, v25;
	v26 =	vand.u32 $0xFFFFFC00, v26  }
0x644: {  	v25 =	vor.u32 v25, v26  }
0x645: {  	v26 =	vperm.xlane v25, v1;
	_ =	sdelay $0x1  }
0x646: {  	v27 =	vperm.xlane v25, v3;
	v26 =	vadd.s32 v2, v26;
	_ =	sdelay $0x1  }
0x647: {  	s0 =	sld [smem:$0x7D1];
	v60 =	vperm.xlane v25, v4;
	v27 =	vadd.s32 v2, v27;
	_ =	sdelay $0x1  }
0x648: {  	s10 =	sld [smem:$0x7D2];
	v61 =	vperm.xlane v25, v5;
	v28 =	vadd.s32 v2, v60  }
0x649: {  	[tilespmem:s0], [sflag:$0x1] =	stream.indirect_vreg.gather [hbm4b:s28+s2], $0x80, v26, vm0, $0xb8;
	[tilespmem:$0x10400] =	vst v63  }
0x64a: {  	v62 =	vperm.xlane v25, v6;
	s0 =	sld [smem:$0x7D3];
	v26 =	vadd.s32 v2, v61  }
0x64b: {  	[tilespmem:s10], [sflag:$0x1] =	stream.indirect_vreg.gather [hbm4b:s28+s2], $0x80, v27, vm0, $0xb8;
	[tilespmem:$0x10400] =	vst v63  }
0x64c: {  	v63 =	vperm.xlane v25, v7;
	s10 =	sld [smem:$0x7D4];
	v27 =	vadd.s32 v2, v62  }
0x64d: {  	[tilespmem:s0], [sflag:$0x1] =	stream.indirect_vreg.gather [hbm4b:s28+s2], $0x80, v28, vm0, $0xb8;
	[tilespmem:$0x10400] =	vst v63  }
0x64e: {  	v33 =	vperm.xlane v25, v8;
	v32 =	vadd.s32 v2, v63;
	s0 =	sld [smem:$0x7D5]  }
0x64f: {  	[tilespmem:s10], [sflag:$0x1] =	stream.indirect_vreg.gather [hbm4b:s28+s2], $0x80, v26, vm0, $0xb8;
	[tilespmem:$0x10400] =	vst v63  }
0x650: {  	v34 =	vperm.xlane v25, v0;
	s10 =	sld [smem:$0x7D6];
	v26 =	vadd.s32 v2, v33  }
0x651: {  	[tilespmem:s0], [sflag:$0x1] =	stream.indirect_vreg.gather [hbm4b:s28+s2], $0x80, v27, vm0, $0xb8;
	[tilespmem:$0x10400] =	vst v63  }
0x652: {  	v35 =	vperm.xlane v25, v9;
	s0 =	sld [smem:$0x7D7];
	v27 =	vadd.s32 v2, v34  }
0x653: {  	[tilespmem:s10], [sflag:$0x1] =	stream.indirect_vreg.gather [hbm4b:s28+s2], $0x80, v32, vm0, $0xb8;
	[tilespmem:$0x10400] =	vst v63  }
0x654: {  	v37 =	vperm.xlane v25, v10;
	v36 =	vadd.s32 v2, v35;
	s10 =	sld [smem:$0x7D8]  }
0x655: {  	[tilespmem:s0], [sflag:$0x1] =	stream.indirect_vreg.gather [hbm4b:s28+s2], $0x80, v26, vm0, $0xb8;
	[tilespmem:$0x10400] =	vst v63  }
0x656: {  	v38 =	vperm.xlane v25, v11;
	s0 =	sld [smem:$0x7D9];
	v26 =	vadd.s32 v2, v37  }
0x657: {  	[tilespmem:s10], [sflag:$0x1] =	stream.indirect_vreg.gather [hbm4b:s28+s2], $0x80, v27, vm0, $0xb8;
	[tilespmem:$0x10400] =	vst v63  }
0x658: {  	v39 =	vperm.xlane v25, v13;
	s10 =	sld [smem:$0x7DA];
	v27 =	vadd.s32 v2, v38  }
0x659: {  	[tilespmem:s0], [sflag:$0x1] =	stream.indirect_vreg.gather [hbm4b:s28+s2], $0x80, v36, vm0, $0xb8;
	[tilespmem:$0x10400] =	vst v63  }
0x65a: {  	v41 =	vperm.xlane v25, v14;
	v40 =	vadd.s32 v2, v39;
	s0 =	sld [smem:$0x7DB]  }
0x65b: {  	[tilespmem:s10], [sflag:$0x1] =	stream.indirect_vreg.gather [hbm4b:s28+s2], $0x80, v26, vm0, $0xb8;
	[tilespmem:$0x10400] =	vst v63  }
0x65c: {  	v42 =	vperm.xlane v25, v15;
	s10 =	sld [smem:$0x7DC];
	v26 =	vadd.s32 v2, v41  }
0x65d: {  	[tilespmem:s0], [sflag:$0x1] =	stream.indirect_vreg.gather [hbm4b:s28+s2], $0x80, v27, vm0, $0xb8;
	[tilespmem:$0x10400] =	vst v63  }
0x65e: {  	v43 =	vperm.xlane v25, v16;
	s0 =	sld [smem:$0x7DD];
	v27 =	vadd.s32 v2, v42  }
0x65f: {  	[tilespmem:s10], [sflag:$0x1] =	stream.indirect_vreg.gather [hbm4b:s28+s2], $0x80, v40, vm0, $0xb8;
	[tilespmem:$0x10400] =	vst v63  }
0x660: {  	v25 =	vperm.xlane v25, v17;
	v44 =	vadd.s32 v2, v43;
	s10 =	sld [smem:$0x7DE]  }
0x661: {  	[tilespmem:s0], [sflag:$0x1] =	stream.indirect_vreg.gather [hbm4b:s28+s2], $0x80, v26, vm0, $0xb8;
	[tilespmem:$0x10400] =	vst v63  }
0x662: {  	v25 =	vadd.s32 v2, v25;
	s0 =	sld [smem:$0x7DF]  }
0x663: {  	[tilespmem:s10], [sflag:$0x1] =	stream.indirect_vreg.gather [hbm4b:s28+s2], $0x80, v27, vm0, $0xb8;
	[tilespmem:$0x10400] =	vst v63  }
0x664: {  	s10 =	sld [smem:$0x7E0]  }
0x665: {  	[tilespmem:s0], [sflag:$0x1] =	stream.indirect_vreg.gather [hbm4b:s28+s2], $0x80, v44, vm0, $0xb8;
	[tilespmem:$0x10400] =	vst v63  }
0x666: {  	_ = 	snop  }
0x667: {  	[tilespmem:s10], [sflag:$0x1] =	stream.indirect_vreg.gather [hbm4b:s28+s2], $0x80, v25, vm0, $0xb8;
	[tilespmem:$0x10400] =	vst v63  }
0x668: {  	v25 =	vld [tilespmem:$0x1D0];
	_ =	sdelay $0x4  }
0x669: {  	v26 =	vshll.u32 v25, $0x7  }
0x66a: {  	v25 =	vand.u32 $0x7, v25;
	v26 =	vand.u32 $0xFFFFFC00, v26  }
0x66b: {  	v25 =	vor.u32 v25, v26  }
0x66c: {  	v26 =	vperm.xlane v25, v1;
	_ =	sdelay $0x1  }
0x66d: {  	v27 =	vperm.xlane v25, v3;
	v26 =	vadd.s32 v2, v26;
	_ =	sdelay $0x1  }
0x66e: {  	s0 =	sld [smem:$0x7E1];
	v45 =	vperm.xlane v25, v4;
	v27 =	vadd.s32 v2, v27;
	_ =	sdelay $0x1  }
0x66f: {  	s10 =	sld [smem:$0x7E2];
	v46 =	vperm.xlane v25, v5;
	v28 =	vadd.s32 v2, v45  }
0x670: {  	[tilespmem:s0], [sflag:$0x1] =	stream.indirect_vreg.gather [hbm4b:s28+s2], $0x80, v26, vm0, $0xb8;
	[tilespmem:$0x10400] =	vst v63  }
0x671: {  	v47 =	vperm.xlane v25, v6;
	s0 =	sld [smem:$0x7E3];
	v26 =	vadd.s32 v2, v46  }
0x672: {  	[tilespmem:s10], [sflag:$0x1] =	stream.indirect_vreg.gather [hbm4b:s28+s2], $0x80, v27, vm0, $0xb8;
	[tilespmem:$0x10400] =	vst v63  }
0x673: {  	v48 =	vperm.xlane v25, v7;
	s10 =	sld [smem:$0x7E4];
	v27 =	vadd.s32 v2, v47  }
0x674: {  	[tilespmem:s0], [sflag:$0x1] =	stream.indirect_vreg.gather [hbm4b:s28+s2], $0x80, v28, vm0, $0xb8;
	[tilespmem:$0x10400] =	vst v63  }
0x675: {  	v50 =	vperm.xlane v25, v8;
	v49 =	vadd.s32 v2, v48;
	s0 =	sld [smem:$0x7E5]  }
0x676: {  	[tilespmem:s10], [sflag:$0x1] =	stream.indirect_vreg.gather [hbm4b:s28+s2], $0x80, v26, vm0, $0xb8;
	[tilespmem:$0x10400] =	vst v63  }
0x677: {  	v51 =	vperm.xlane v25, v0;
	s10 =	sld [smem:$0x7E6];
	v26 =	vadd.s32 v2, v50  }
0x678: {  	[tilespmem:s0], [sflag:$0x1] =	stream.indirect_vreg.gather [hbm4b:s28+s2], $0x80, v27, vm0, $0xb8;
	[tilespmem:$0x10400] =	vst v63  }
0x679: {  	v52 =	vperm.xlane v25, v9;
	s0 =	sld [smem:$0x7E7];
	v27 =	vadd.s32 v2, v51  }
0x67a: {  	[tilespmem:s10], [sflag:$0x1] =	stream.indirect_vreg.gather [hbm4b:s28+s2], $0x80, v49, vm0, $0xb8;
	[tilespmem:$0x10400] =	vst v63  }
0x67b: {  	v54 =	vperm.xlane v25, v10;
	v53 =	vadd.s32 v2, v52;
	s10 =	sld [smem:$0x7E8]  }
0x67c: {  	[tilespmem:s0], [sflag:$0x1] =	stream.indirect_vreg.gather [hbm4b:s28+s2], $0x80, v26, vm0, $0xb8;
	[tilespmem:$0x10400] =	vst v63  }
0x67d: {  	v55 =	vperm.xlane v25, v11;
	s0 =	sld [smem:$0x7E9];
	v26 =	vadd.s32 v2, v54  }
0x67e: {  	[tilespmem:s10], [sflag:$0x1] =	stream.indirect_vreg.gather [hbm4b:s28+s2], $0x80, v27, vm0, $0xb8;
	[tilespmem:$0x10400] =	vst v63  }
0x67f: {  	v56 =	vperm.xlane v25, v13;
	s10 =	sld [smem:$0x7EA];
	v27 =	vadd.s32 v2, v55  }
0x680: {  	[tilespmem:s0], [sflag:$0x1] =	stream.indirect_vreg.gather [hbm4b:s28+s2], $0x80, v53, vm0, $0xb8;
	[tilespmem:$0x10400] =	vst v63  }
0x681: {  	v58 =	vperm.xlane v25, v14;
	v57 =	vadd.s32 v2, v56;
	s0 =	sld [smem:$0x7EB]  }
0x682: {  	[tilespmem:s10], [sflag:$0x1] =	stream.indirect_vreg.gather [hbm4b:s28+s2], $0x80, v26, vm0, $0xb8;
	[tilespmem:$0x10400] =	vst v63  }
0x683: {  	v59 =	vperm.xlane v25, v15;
	s10 =	sld [smem:$0x7EC];
	v26 =	vadd.s32 v2, v58  }
0x684: {  	[tilespmem:s0], [sflag:$0x1] =	stream.indirect_vreg.gather [hbm4b:s28+s2], $0x80, v27, vm0, $0xb8;
	[tilespmem:$0x10400] =	vst v63  }
0x685: {  	v60 =	vperm.xlane v25, v16;
	s0 =	sld [smem:$0x7ED];
	v27 =	vadd.s32 v2, v59  }
0x686: {  	[tilespmem:s10], [sflag:$0x1] =	stream.indirect_vreg.gather [hbm4b:s28+s2], $0x80, v57, vm0, $0xb8;
	[tilespmem:$0x10400] =	vst v63  }
0x687: {  	v25 =	vperm.xlane v25, v17;
	v61 =	vadd.s32 v2, v60;
	s10 =	sld [smem:$0x7EE]  }
0x688: {  	[tilespmem:s0], [sflag:$0x1] =	stream.indirect_vreg.gather [hbm4b:s28+s2], $0x80, v26, vm0, $0xb8;
	[tilespmem:$0x10400] =	vst v63  }
0x689: {  	v25 =	vadd.s32 v2, v25;
	s0 =	sld [smem:$0x7EF]  }
0x68a: {  	[tilespmem:s10], [sflag:$0x1] =	stream.indirect_vreg.gather [hbm4b:s28+s2], $0x80, v27, vm0, $0xb8;
	[tilespmem:$0x10400] =	vst v63  }
0x68b: {  	s10 =	sld [smem:$0x7F0]  }
0x68c: {  	[tilespmem:s0], [sflag:$0x1] =	stream.indirect_vreg.gather [hbm4b:s28+s2], $0x80, v61, vm0, $0xb8;
	[tilespmem:$0x10400] =	vst v63  }
0x68d: {  	_ = 	snop  }
0x68e: {  	[tilespmem:s10], [sflag:$0x1] =	stream.indirect_vreg.gather [hbm4b:s28+s2], $0x80, v25, vm0, $0xb8;
	[tilespmem:$0x10400] =	vst v63  }
0x68f: {  	v25 =	vld [tilespmem:$0x1E0];
	_ =	sdelay $0x4  }
0x690: {  	v26 =	vshll.u32 v25, $0x7  }
0x691: {  	v25 =	vand.u32 $0x7, v25;
	v26 =	vand.u32 $0xFFFFFC00, v26  }
0x692: {  	v25 =	vor.u32 v25, v26  }
0x693: {  	v26 =	vperm.xlane v25, v1;
	_ =	sdelay $0x1  }
0x694: {  	v27 =	vperm.xlane v25, v3;
	v26 =	vadd.s32 v2, v26;
	_ =	sdelay $0x1  }
0x695: {  	s0 =	sld [smem:$0x7F1];
	v62 =	vperm.xlane v25, v4;
	v27 =	vadd.s32 v2, v27;
	_ =	sdelay $0x1  }
0x696: {  	s10 =	sld [smem:$0x7F2];
	v63 =	vperm.xlane v25, v5;
	v28 =	vadd.s32 v2, v62  }
0x697: {  	[tilespmem:s0], [sflag:$0x1] =	stream.indirect_vreg.gather [hbm4b:s28+s2], $0x80, v26, vm0, $0xb8;
	[tilespmem:$0x10400] =	vst v63  }
0x698: {  	v32 =	vperm.xlane v25, v6;
	s0 =	sld [smem:$0x7F3];
	v26 =	vadd.s32 v2, v63  }
0x699: {  	[tilespmem:s10], [sflag:$0x1] =	stream.indirect_vreg.gather [hbm4b:s28+s2], $0x80, v27, vm0, $0xb8;
	[tilespmem:$0x10400] =	vst v63  }
0x69a: {  	v33 =	vperm.xlane v25, v7;
	s10 =	sld [smem:$0x7F4];
	v27 =	vadd.s32 v2, v32  }
0x69b: {  	[tilespmem:s0], [sflag:$0x1] =	stream.indirect_vreg.gather [hbm4b:s28+s2], $0x80, v28, vm0, $0xb8;
	[tilespmem:$0x10400] =	vst v63  }
0x69c: {  	v35 =	vperm.xlane v25, v8;
	v34 =	vadd.s32 v2, v33;
	s0 =	sld [smem:$0x7F5]  }
0x69d: {  	[tilespmem:s10], [sflag:$0x1] =	stream.indirect_vreg.gather [hbm4b:s28+s2], $0x80, v26, vm0, $0xb8;
	[tilespmem:$0x10400] =	vst v63  }
0x69e: {  	v36 =	vperm.xlane v25, v0;
	s10 =	sld [smem:$0x7F6];
	v26 =	vadd.s32 v2, v35  }
0x69f: {  	[tilespmem:s0], [sflag:$0x1] =	stream.indirect_vreg.gather [hbm4b:s28+s2], $0x80, v27, vm0, $0xb8;
	[tilespmem:$0x10400] =	vst v63  }
0x6a0: {  	v37 =	vperm.xlane v25, v9;
	s0 =	sld [smem:$0x7F7];
	v27 =	vadd.s32 v2, v36  }
0x6a1: {  	[tilespmem:s10], [sflag:$0x1] =	stream.indirect_vreg.gather [hbm4b:s28+s2], $0x80, v34, vm0, $0xb8;
	[tilespmem:$0x10400] =	vst v63  }
0x6a2: {  	v39 =	vperm.xlane v25, v10;
	v38 =	vadd.s32 v2, v37;
	s10 =	sld [smem:$0x7F8]  }
0x6a3: {  	[tilespmem:s0], [sflag:$0x1] =	stream.indirect_vreg.gather [hbm4b:s28+s2], $0x80, v26, vm0, $0xb8;
	[tilespmem:$0x10400] =	vst v63  }
0x6a4: {  	v40 =	vperm.xlane v25, v11;
	s0 =	sld [smem:$0x7F9];
	v26 =	vadd.s32 v2, v39  }
0x6a5: {  	[tilespmem:s10], [sflag:$0x1] =	stream.indirect_vreg.gather [hbm4b:s28+s2], $0x80, v27, vm0, $0xb8;
	[tilespmem:$0x10400] =	vst v63  }
0x6a6: {  	v41 =	vperm.xlane v25, v13;
	s10 =	sld [smem:$0x796];
	v27 =	vadd.s32 v2, v40  }
0x6a7: {  	[tilespmem:s0], [sflag:$0x1] =	stream.indirect_vreg.gather [hbm4b:s28+s2], $0x80, v38, vm0, $0xb8;
	[tilespmem:$0x10400] =	vst v63  }
0x6a8: {  	v43 =	vperm.xlane v25, v14;
	v42 =	vadd.s32 v2, v41;
	s0 =	sld [smem:$0x716]  }
0x6a9: {  	[tilespmem:s10], [sflag:$0x1] =	stream.indirect_vreg.gather [hbm4b:s28+s2], $0x80, v26, vm0, $0xb8;
	[tilespmem:$0x10400] =	vst v63  }
0x6aa: {  	v44 =	vperm.xlane v25, v15;
	s10 =	sld [smem:$0x7FA];
	v26 =	vadd.s32 v2, v43  }
0x6ab: {  	[tilespmem:s0], [sflag:$0x1] =	stream.indirect_vreg.gather [hbm4b:s28+s2], $0x80, v27, vm0, $0xb8;
	[tilespmem:$0x10400] =	vst v63  }
0x6ac: {  	v45 =	vperm.xlane v25, v16;
	s0 =	sld [smem:$0x7FB];
	v27 =	vadd.s32 v2, v44  }
0x6ad: {  	[tilespmem:s10], [sflag:$0x1] =	stream.indirect_vreg.gather [hbm4b:s28+s2], $0x80, v42, vm0, $0xb8;
	[tilespmem:$0x10400] =	vst v63  }
0x6ae: {  	v25 =	vperm.xlane v25, v17;
	v46 =	vadd.s32 v2, v45;
	s10 =	sld [smem:$0x7FC]  }
0x6af: {  	[tilespmem:s0], [sflag:$0x1] =	stream.indirect_vreg.gather [hbm4b:s28+s2], $0x80, v26, vm0, $0xb8;
	[tilespmem:$0x10400] =	vst v63  }
0x6b0: {  	v25 =	vadd.s32 v2, v25;
	s0 =	sld [smem:$0x7FD]  }
0x6b1: {  	[tilespmem:s10], [sflag:$0x1] =	stream.indirect_vreg.gather [hbm4b:s28+s2], $0x80, v27, vm0, $0xb8;
	[tilespmem:$0x10400] =	vst v63  }
0x6b2: {  	_ = 	snop  }
0x6b3: {  	[tilespmem:s0], [sflag:$0x1] =	stream.indirect_vreg.gather [hbm4b:s28+s2], $0x80, v46, vm0, $0xb8;
	[tilespmem:$0x10400] =	vst v63  }
0x6b4: {  	_ = 	snop  }
0x6b5: {  	[tilespmem:s17], [sflag:$0x1] =	stream.indirect_vreg.gather [hbm4b:s28+s2], $0x80, v25, vm0, $0xb8;
	[tilespmem:$0x10400] =	vst v63  }
0x6b6: {  	v25 =	vld [tilespmem:$0x1F0];
	_ =	sdelay $0x4  }
0x6b7: {  	v26 =	vshll.u32 v25, $0x7  }
0x6b8: {  	v25 =	vand.u32 $0x7, v25;
	v26 =	vand.u32 $0xFFFFFC00, v26  }
0x6b9: {  	v25 =	vor.u32 v25, v26  }
0x6ba: {  	v26 =	vperm.xlane v25, v1;
	_ =	sdelay $0x1  }
0x6bb: {  	v27 =	vperm.xlane v25, v3;
	v26 =	vadd.s32 v2, v26;
	_ =	sdelay $0x1  }
0x6bc: {  	v47 =	vperm.xlane v25, v4;
	v27 =	vadd.s32 v2, v27;
	_ =	sdelay $0x1  }
0x6bd: {  	v48 =	vperm.xlane v25, v5;
	v28 =	vadd.s32 v2, v47  }
0x6be: {  	[tilespmem:s20], [sflag:$0x1] =	stream.indirect_vreg.gather [hbm4b:s28+s2], $0x80, v26, vm0, $0xb8;
	[tilespmem:$0x10400] =	vst v63  }
0x6bf: {  	v49 =	vperm.xlane v25, v6;
	v26 =	vadd.s32 v2, v48  }
0x6c0: {  	[tilespmem:s24], [sflag:$0x1] =	stream.indirect_vreg.gather [hbm4b:s28+s2], $0x80, v27, vm0, $0xb8;
	[tilespmem:$0x10400] =	vst v63  }
0x6c1: {  	v50 =	vperm.xlane v25, v7;
	v27 =	vadd.s32 v2, v49  }
0x6c2: {  	[tilespmem:s25], [sflag:$0x1] =	stream.indirect_vreg.gather [hbm4b:s28+s2], $0x80, v28, vm0, $0xb8;
	[tilespmem:$0x10400] =	vst v63  }
0x6c3: {  	v52 =	vperm.xlane v25, v8;
	v51 =	vadd.s32 v2, v50  }
0x6c4: {  	[tilespmem:s23], [sflag:$0x1] =	stream.indirect_vreg.gather [hbm4b:s28+s2], $0x80, v26, vm0, $0xb8;
	[tilespmem:$0x10400] =	vst v63  }
0x6c5: {  	v53 =	vperm.xlane v25, v0;
	v26 =	vadd.s32 v2, v52  }
0x6c6: {  	[tilespmem:s22], [sflag:$0x1] =	stream.indirect_vreg.gather [hbm4b:s28+s2], $0x80, v27, vm0, $0xb8;
	[tilespmem:$0x10400] =	vst v63  }
0x6c7: {  	v54 =	vperm.xlane v25, v9;
	v27 =	vadd.s32 v2, v53  }
0x6c8: {  	[tilespmem:s21], [sflag:$0x1] =	stream.indirect_vreg.gather [hbm4b:s28+s2], $0x80, v51, vm0, $0xb8;
	[tilespmem:$0x10400] =	vst v63  }
0x6c9: {  	s10 =	simm.s32 $0xFD00;
	v56 =	vperm.xlane v25, v10;
	v55 =	vadd.s32 v2, v54  }
0x6ca: {  	[tilespmem:s10], [sflag:$0x1] =	stream.indirect_vreg.gather [hbm4b:s28+s2], $0x80, v26, vm0, $0xb8;
	[tilespmem:$0x10400] =	vst v63  }
0x6cb: {  	v57 =	vperm.xlane v25, v11;
	v26 =	vadd.s32 v2, v56  }
0x6cc: {  	[tilespmem:s18], [sflag:$0x1] =	stream.indirect_vreg.gather [hbm4b:s28+s2], $0x80, v27, vm0, $0xb8;
	[tilespmem:$0x10400] =	vst v63  }
0x6cd: {  	v58 =	vperm.xlane v25, v13;
	v27 =	vadd.s32 v2, v57  }
0x6ce: {  	[tilespmem:s19], [sflag:$0x1] =	stream.indirect_vreg.gather [hbm4b:s28+s2], $0x80, v55, vm0, $0xb8;
	[tilespmem:$0x10400] =	vst v63  }
0x6cf: {  	v60 =	vperm.xlane v25, v14;
	v59 =	vadd.s32 v2, v58  }
0x6d0: {  	[tilespmem:s15], [sflag:$0x1] =	stream.indirect_vreg.gather [hbm4b:s28+s2], $0x80, v26, vm0, $0xb8;
	[tilespmem:$0x10400] =	vst v63  }
0x6d1: {  	v61 =	vperm.xlane v25, v15;
	v26 =	vadd.s32 v2, v60  }
0x6d2: {  	[tilespmem:s16], [sflag:$0x1] =	stream.indirect_vreg.gather [hbm4b:s28+s2], $0x80, v27, vm0, $0xb8;
	[tilespmem:$0x10400] =	vst v63  }
0x6d3: {  	v62 =	vperm.xlane v25, v16;
	v27 =	vadd.s32 v2, v61  }
0x6d4: {  	[tilespmem:s14], [sflag:$0x1] =	stream.indirect_vreg.gather [hbm4b:s28+s2], $0x80, v59, vm0, $0xb8;
	[tilespmem:$0x10400] =	vst v63  }
0x6d5: {  	v25 =	vperm.xlane v25, v17;
	v63 =	vadd.s32 v2, v62  }
0x6d6: {  	[tilespmem:s12], [sflag:$0x1] =	stream.indirect_vreg.gather [hbm4b:s28+s2], $0x80, v26, vm0, $0xb8;
	[tilespmem:$0x10400] =	vst v63  }
0x6d7: {  	v25 =	vadd.s32 v2, v25  }
0x6d8: {  	[tilespmem:s13], [sflag:$0x1] =	stream.indirect_vreg.gather [hbm4b:s28+s2], $0x80, v27, vm0, $0xb8;
	[tilespmem:$0x10400] =	vst v63  }
0x6d9: {  	_ = 	snop  }
0x6da: {  	[tilespmem:s11], [sflag:$0x1] =	stream.indirect_vreg.gather [hbm4b:s28+s2], $0x80, v63, vm0, $0xb8;
	[tilespmem:$0x10400] =	vst v63  }
0x6db: {  	_ = 	snop  }
0x6dc: {  	[tilespmem:s30], [sflag:$0x1] =	stream.indirect_vreg.gather [hbm4b:s28+s2], $0x80, v25, vm0, $0xb8;
	[tilespmem:$0x10400] =	vst v63  }
0x6dd: {  	_ =	swait.ge [sflag:s31], $0x4000  }
0x6de: {  	[sflag:s31] =	ssyncset.done $0x0  }
0x6df: {  	[sflag:s31] =	ssyncadd.s32 $0xFFFFC000  }
0x6e0: {  	v25 =	vld.idx.msk [tilespmem:v12+s7+$0x0], $0xffff;
	_ =	sdelay $0x4  }
0x6e1: {  	[tilespmem:$0x10200] =	vst v25  }
0x6e2: {  	v25 =	vld.idx.msk [tilespmem:v18+s7+$0x0], $0xffff;
	_ =	sdelay $0x4  }
0x6e3: {  	[tilespmem:$0x10210] =	vst v25  }
0x6e4: {  	v25 =	vld.idx.msk [tilespmem:v19+s7+$0x0], $0xffff;
	_ =	sdelay $0x4  }
0x6e5: {  	[tilespmem:$0x10220] =	vst v25  }
0x6e6: {  	v25 =	vld.idx.msk [tilespmem:v20+s7+$0x0], $0xffff;
	_ =	sdelay $0x4  }
0x6e7: {  	[tilespmem:$0x10230] =	vst v25  }
0x6e8: {  	v25 =	vld.idx.msk [tilespmem:v21+s7+$0x0], $0xffff;
	_ =	sdelay $0x4  }
0x6e9: {  	[tilespmem:$0x10240] =	vst v25  }
0x6ea: {  	v25 =	vld.idx.msk [tilespmem:v22+s7+$0x0], $0xffff;
	_ =	sdelay $0x4  }
0x6eb: {  	[tilespmem:$0x10250] =	vst v25  }
0x6ec: {  	v25 =	vld.idx.msk [tilespmem:v23+s7+$0x0], $0xffff;
	_ =	sdelay $0x4  }
0x6ed: {  	[tilespmem:$0x10260] =	vst v25  }
0x6ee: {  	v25 =	vld.idx.msk [tilespmem:v24+s7+$0x0], $0xffff;
	_ =	sdelay $0x4  }
0x6ef: {  	[tilespmem:$0x10270] =	vst v25  }
0x6f0: {  	_ =	swait.ge [sflag:s31], $0x4000  }
0x6f1: {  	[sflag:s31] =	ssyncset.done $0x0  }
0x6f2: {  	[sflag:s31] =	ssyncadd.s32 $0xFFFFC000  }
0x6f3: {  	v25 =	vld.idx.msk [tilespmem:v12+s8+$0x0], $0xffff;
	_ =	sdelay $0x4  }
0x6f4: {  	[tilespmem:$0x10280] =	vst v25  }
0x6f5: {  	v25 =	vld.idx.msk [tilespmem:v18+s8+$0x0], $0xffff;
	_ =	sdelay $0x4  }
0x6f6: {  	[tilespmem:$0x10290] =	vst v25  }
0x6f7: {  	v25 =	vld.idx.msk [tilespmem:v19+s8+$0x0], $0xffff;
	_ =	sdelay $0x4  }
0x6f8: {  	[tilespmem:$0x102A0] =	vst v25  }
0x6f9: {  	v25 =	vld.idx.msk [tilespmem:v20+s8+$0x0], $0xffff;
	_ =	sdelay $0x4  }
0x6fa: {  	[tilespmem:$0x102B0] =	vst v25  }
0x6fb: {  	v25 =	vld.idx.msk [tilespmem:v21+s8+$0x0], $0xffff;
	_ =	sdelay $0x4  }
0x6fc: {  	[tilespmem:$0x102C0] =	vst v25  }
0x6fd: {  	v25 =	vld.idx.msk [tilespmem:v22+s8+$0x0], $0xffff;
	_ =	sdelay $0x4  }
0x6fe: {  	[tilespmem:$0x102D0] =	vst v25  }
0x6ff: {  	v25 =	vld.idx.msk [tilespmem:v23+s8+$0x0], $0xffff;
	_ =	sdelay $0x4  }
0x700: {  	[tilespmem:$0x102E0] =	vst v25  }
0x701: {  	v25 =	vld.idx.msk [tilespmem:v24+s8+$0x0], $0xffff;
	_ =	sdelay $0x4  }
0x702: {  	[tilespmem:$0x102F0] =	vst v25  }
0x703: {  	_ =	swait.ge [sflag:s31], $0x4000  }
0x704: {  	[sflag:s31] =	ssyncset.done $0x0  }
0x705: {  	[sflag:s31] =	ssyncadd.s32 $0xFFFFC000  }
0x706: {  	v25 =	vld.idx.msk [tilespmem:v12+s9+$0x0], $0xffff;
	_ =	sdelay $0x4  }
0x707: {  	[tilespmem:$0x10300] =	vst v25  }
0x708: {  	v25 =	vld.idx.msk [tilespmem:v18+s9+$0x0], $0xffff;
	_ =	sdelay $0x4  }
0x709: {  	[tilespmem:$0x10310] =	vst v25  }
0x70a: {  	v25 =	vld.idx.msk [tilespmem:v19+s9+$0x0], $0xffff;
	_ =	sdelay $0x4  }
0x70b: {  	[tilespmem:$0x10320] =	vst v25  }
0x70c: {  	v25 =	vld.idx.msk [tilespmem:v20+s9+$0x0], $0xffff;
	_ =	sdelay $0x4  }
0x70d: {  	[tilespmem:$0x10330] =	vst v25  }
0x70e: {  	v25 =	vld.idx.msk [tilespmem:v21+s9+$0x0], $0xffff;
	_ =	sdelay $0x4  }
0x70f: {  	[tilespmem:$0x10340] =	vst v25  }
0x710: {  	v25 =	vld.idx.msk [tilespmem:v22+s9+$0x0], $0xffff;
	_ =	sdelay $0x4  }
0x711: {  	[tilespmem:$0x10350] =	vst v25  }
0x712: {  	v25 =	vld.idx.msk [tilespmem:v23+s9+$0x0], $0xffff;
	_ =	sdelay $0x4  }
0x713: {  	[tilespmem:$0x10360] =	vst v25  }
0x714: {  	v25 =	vld.idx.msk [tilespmem:v24+s9+$0x0], $0xffff;
	_ =	sdelay $0x4  }
0x715: {  	[tilespmem:$0x10370] =	vst v25  }
0x716: {  	_ =	swait.ge [sflag:s31], $0x4000  }
0x717: {  	[sflag:s31] =	ssyncset.done $0x0  }
0x718: {  	[sflag:s31] =	ssyncadd.s32 $0xFFFFC000  }
0x719: {  	v25 =	vld.idx.msk [tilespmem:v12+s29+$0x0], $0xffff;
	_ =	sdelay $0x4  }
0x71a: {  	[tilespmem:$0x10380] =	vst v25  }
0x71b: {  	v25 =	vld.idx.msk [tilespmem:v18+s29+$0x0], $0xffff;
	_ =	sdelay $0x4  }
0x71c: {  	[tilespmem:$0x10390] =	vst v25  }
0x71d: {  	v25 =	vld.idx.msk [tilespmem:v19+s29+$0x0], $0xffff;
	_ =	sdelay $0x4  }
0x71e: {  	[tilespmem:$0x103A0] =	vst v25  }
0x71f: {  	v25 =	vld.idx.msk [tilespmem:v20+s29+$0x0], $0xffff;
	_ =	sdelay $0x4  }
0x720: {  	[tilespmem:$0x103B0] =	vst v25  }
0x721: {  	v25 =	vld.idx.msk [tilespmem:v21+s29+$0x0], $0xffff;
	_ =	sdelay $0x4  }
0x722: {  	[tilespmem:$0x103C0] =	vst v25  }
0x723: {  	v25 =	vld.idx.msk [tilespmem:v22+s29+$0x0], $0xffff;
	_ =	sdelay $0x4  }
0x724: {  	[tilespmem:$0x103D0] =	vst v25  }
0x725: {  	v25 =	vld.idx.msk [tilespmem:v23+s29+$0x0], $0xffff;
	_ =	sdelay $0x4  }
0x726: {  	[tilespmem:$0x103E0] =	vst v25  }
0x727: {  	v25 =	vld.idx.msk [tilespmem:v24+s29+$0x0], $0xffff;
	_ =	sdelay $0x3  }
0x728: {  	p0 =	sne.s32 s6, $0x1  }
.Ltmp0:
0x729: {  	s10 =	rddreg [dreg:$0x5];
	[tilespmem:$0x103F0] =	vst v25;
	(pc) =	sbr.rel @p0 .LBB2_1-.Ltmp0, $4  }
0x72a: {  	[hbm4b:s10+s2] =	stream.linear.scatter [tilespmem:s1], [sflag:$0x2], $0x200, $0x38;
	[tilespmem:$0x10400] =	vst v63  }
0x72b: {  	_ =	swait.ge [sflag:s26], $0x200  }
0x72c: {  	[sflag:s26] =	ssyncset.done $0x0  }
0x72d: {  	s6 =	sadd.s32 $0xFFFFFFFF, s6;
	[sflag:s26] =	ssyncadd.s32 $0xFFFFFE00  }
0x72e: {  	_ =	sfence.sel $0x180000  }
0x72f: {  	[bflag:$0x0] =	sbarrier.arrive $0xFFFF  }
0x730: {  	_ =	strace $0x90000047  }
0x731: {  	s0 =	stileid.u32;
	[bflag:$0x2] =	sbarrier.arrive $0xFFFF  }
0x732: {  	p0 =	sne.s32 s0, $0x0;
	s0 =	rddreg [dreg:$0x3]  }
0x733: {  	s0 =	sadd.s32 @!p0 $0x100000, s0  }
0x734: {  	[sflag:s0] =	ssyncadd.tile.s32 @!p0 $0x1;
	_ =	shalt  }
.Lfunc_end2:
_tile_overlayer_lowered:
.L_overlay_start_2:
0x735: {  	(tag) =	ssettag $0x2  }
0x736: {  	s0 =	rddreg [dreg:$0x0];
	s2 =	stileid.u32  }
0x737: {  	s1 =	rddreg [dreg:$0x1];
	p0 =	sne.s32 s2, $0x0  }
0x738: {  	s3 =	rddreg [dreg:$0x2];
	[bflag:$0x3] =	sbarrier.arrive $0xFFFF;
	s2 =	simm.s32 @!p0 $0x1C02  }
0x739: {  	[timem:s3], [sflag:s2] =	dma.local @!p0 [hbm:s0], s1  }
0x73a: {  	s0 =	simm.s32 @!p0 $0x2  }
0x73b: {  	_ =	swait.ge @!p0 [sflag:s0], s1  }
0x73c: {  	s1 =	ssub.s32 @!p0 $0x0, s1;
	[sflag:s0] =	ssyncset.done @!p0 $0x0  }
0x73d: {  	[sflag:s0] =	ssyncadd.s32 @!p0 s1  }
0x73e: {  	[bflag:$0x3] =	sbarrier.arrive $0xFFFF  }
0x73f: {  	_ =	shalt  }

</sc_bundles>
